<compile_context>
chip_gen: v7x
topology: tpu7x:2x2x1
jax: 0.10.2.dev20260603
libtpu: 0.0.44.dev20260713+nightly
codegen_flags: <defaults>
</compile_context>

<pallas_src>
import functools

import jax
import jax.numpy as jnp
from jax import lax
from jax.experimental import pallas as pl
from jax.experimental.pallas import tpu as pltpu
from jax.experimental.pallas import tpu_sc as plsc

_N = 10000
_E = 320000
_D = 128
_H = _D // 2
_NP = 10240
_NC = 2
_NS = 16
_ET = _E // _NS
_CH = 256
_NCH = 80
_ZC = 128
_ETP = _NCH * _CH
_RPT = _NP // _NS

_MESH = plsc.VectorSubcoreMesh(
    core_axis_name="c", subcore_axis_name="s", num_cores=_NC, num_subcores=_NS
)


def _deg_body(dstb, out, dstv, ones_v, zv, acc_sp):
    c = lax.axis_index("c")
    s = lax.axis_index("s")

    for k in range(_RPT // 16):
        zv[pl.ds(k * 16, 16)] = jnp.zeros((16,), jnp.float32)
    for k in range(_CH // 16):
        ones_v[pl.ds(k * 16, 16)] = jnp.ones((16,), jnp.float32)

    pltpu.sync_copy(zv, acc_sp.at[pl.ds(s * _RPT, _RPT)])
    plsc.subcore_barrier()

    pltpu.sync_copy(dstb.at[s], dstv)

    def step(j, carry):
        pltpu.sync_copy(ones_v, acc_sp.at[dstv.at[j]], add=True)
        return carry

    lax.fori_loop(0, _NCH, step, 0)
    plsc.subcore_barrier()

    @pl.when(c == 0)
    def _():
        pltpu.sync_copy(
            acc_sp.at[pl.ds(s * _RPT, _RPT)],
            out.at[pl.ds(s * _RPT, _RPT)],
        )


_deg_call = pl.kernel(
    _deg_body,
    out_type=jax.ShapeDtypeStruct((_NP,), jnp.float32),
    mesh=_MESH,
    scratch_types=[
        pltpu.VMEM((_NCH, _CH), jnp.int32),
        pltpu.VMEM((_CH,), jnp.float32),
        pltpu.VMEM((_RPT,), jnp.float32),
        pltpu.VMEM_SHARED((_NP,), jnp.float32),
    ],
    compiler_params=pltpu.CompilerParams(use_tc_tiling_on_sc=False),
)


def _scat_body(g_hbm, srcb, dstb, out, srcv, dstv,
               rows0, rows1,
               acc_sp, g0sem, g1sem, s0sem, s1sem):
    c = lax.axis_index("c")
    s = lax.axis_index("s")

    def zstep(i, carry):
        r = i // (_H // 16)
        k = i % (_H // 16)
        rows0[r, pl.ds(k * 16, 16)] = jnp.zeros((16,), jnp.float32)
        return carry

    lax.fori_loop(0, _CH * (_H // 16), zstep, 0)

    zbase = s * _RPT
    for k in range(_RPT // _ZC):
        pltpu.sync_copy(
            rows0.at[pl.ds(0, _ZC)],
            acc_sp.at[pl.ds(zbase + k * _ZC, _ZC)],
        )
    plsc.subcore_barrier()

    pltpu.sync_copy(srcb.at[s], srcv)
    pltpu.sync_copy(dstb.at[s], dstv)

    roff = c * _N

    def shift(i, carry):
        r = i // (_CH // 16)
        k = i % (_CH // 16)
        srcv[r, pl.ds(k * 16, 16)] = srcv[r, pl.ds(k * 16, 16)] + roff
        return carry

    lax.fori_loop(0, _NCH * (_CH // 16), shift, 0)

    bufs = (rows0, rows1)
    gsems = (g0sem, g1sem)
    ssems = (s0sem, s1sem)

    def gath(j, b):
        return pltpu.async_copy(g_hbm.at[srcv.at[j]], bufs[b], gsems[b])

    def scat(j, b):
        return pltpu.async_copy(
            bufs[b], acc_sp.at[dstv.at[j]], ssems[b], add=True
        )

    def step(j, carry):
        g0 = gath(2 * j, 0)
        g1 = gath(2 * j + 1, 1)
        g0.wait()
        s0 = scat(2 * j, 0)
        g1.wait()
        s1 = scat(2 * j + 1, 1)
        s0.wait()
        s1.wait()
        return carry

    lax.fori_loop(0, _NCH // 2, step, 0)
    plsc.subcore_barrier()

    obase = c * _NP + s * _RPT
    for k in range(_RPT // _ZC):
        pltpu.sync_copy(
            acc_sp.at[pl.ds(zbase + k * _ZC, _ZC)],
            out.at[pl.ds(obase + k * _ZC, _ZC)],
        )


_scat_call = pl.kernel(
    _scat_body,
    out_type=jax.ShapeDtypeStruct((_NC * _NP, _H), jnp.float32),
    mesh=_MESH,
    scratch_types=[
        pltpu.VMEM((_NCH, _CH), jnp.int32),
        pltpu.VMEM((_NCH, _CH), jnp.int32),
        *([pltpu.VMEM((_CH, _H), jnp.float32)] * 2),
        pltpu.VMEM_SHARED((_NP, _H), jnp.float32),
        *([pltpu.SemaphoreType.DMA] * 4),
    ],
    compiler_params=pltpu.CompilerParams(use_tc_tiling_on_sc=False),
)



def _split(dense, g_ref):
    g_ref[pl.ds(0, _N), :] = dense[:, :_H]
    g_ref[pl.ds(_N, _N), :] = dense[:, _H:]


def _cat_table(g_ref):
    return jnp.concatenate(
        [g_ref[pl.ds(0, _N), :], g_ref[pl.ds(_N, _N), :]], axis=1
    )


def _cat_acc(a_ref):
    return jnp.concatenate(
        [a_ref[pl.ds(0, _N), :], a_ref[pl.ds(_NP, _N), :]], axis=1
    )


def _tc0_body(x_ref, w1_ref, h_ref):
    h_ref[...] = jnp.dot(
        x_ref[...], w1_ref[...], preferred_element_type=jnp.float32
    )


def _tc1_body(deg_ref, h_ref, dinv_ref, g1_ref):
    indeg = deg_ref[...]
    dinv = lax.rsqrt(indeg + 1.0)
    dinv_ref[...] = dinv
    _split(h_ref[...] * dinv, g1_ref)


def _tc3_body(a_ref, g_ref, dinv_ref, b_ref, w_ref, g2_ref):
    dinv = dinv_ref[...]
    acc = _cat_acc(a_ref) + _cat_table(g_ref)
    h = jnp.maximum(acc * dinv + b_ref[...], 0.0)
    g2 = jnp.dot(h, w_ref[...], preferred_element_type=jnp.float32) * dinv
    _split(g2, g2_ref)


def _tc5_body(a_ref, g_ref, dinv_ref, b_ref, h2_ref):
    dinv = dinv_ref[...]
    acc = _cat_acc(a_ref) + _cat_table(g_ref)
    _split(jnp.maximum(acc * dinv + b_ref[...], 0.0), h2_ref)


def _tc6_body(h2_ref, wr_ref, bs_ref, hw_ref):
    hw_ref[...] = (
        jnp.dot(_cat_table(h2_ref), wr_ref[...],
                preferred_element_type=jnp.float32)
        + bs_ref[...]
    )


def _tc7_body(a_ref, deg_ref, hw_ref, wl_ref, out_ref):
    cnt = jnp.maximum(deg_ref[...], 1.0)
    mean = _cat_acc(a_ref) / cnt
    out_ref[...] = (
        jnp.dot(mean, wl_ref[...], preferred_element_type=jnp.float32)
        + hw_ref[...]
    )


def _tc_call(body, out_shapes):
    return pl.pallas_call(
        body,
        out_shape=[jax.ShapeDtypeStruct(s, jnp.float32) for s in out_shapes],
    )


def _pad_edges(idx, pad_vals):
    blocks = idx.reshape(_NS, _ET)
    pad = jnp.broadcast_to(pad_vals[None, :], (_NS, _ETP - _ET))
    return jnp.concatenate([blocks, pad], axis=1).reshape(_NS, _NCH, _CH)


def kernel(x, edge_index, W1, b1, W2, b2, Wl, Wr, bs):
    src = edge_index[0]
    dst = edge_index[1]
    npad = _ETP - _ET
    pad_src = (jnp.arange(npad, dtype=jnp.int32) * 37) % _N
    pad_dst = _N + (jnp.arange(npad, dtype=jnp.int32) % (_NP - _N))
    srcb = _pad_edges(src, pad_src)
    dstb = _pad_edges(dst, pad_dst)

    deg = _deg_call(dstb)
    (h1,) = _tc_call(_tc0_body, [(_N, _D)])(x, W1)
    degc = deg[:_N, None]

    dinv, g1 = _tc_call(_tc1_body, [(_N, 1), (2 * _N, _H)])(degc, h1)

    a1 = _scat_call(g1, srcb, dstb)
    (g2,) = _tc_call(_tc3_body, [(2 * _N, _H)])(a1, g1, dinv, b1, W2)

    a2 = _scat_call(g2, srcb, dstb)
    (h2,) = _tc_call(_tc5_body, [(2 * _N, _H)])(a2, g2, dinv, b2)

    a3 = _scat_call(h2, srcb, dstb)
    (hw2,) = _tc_call(_tc6_body, [(_N, _D)])(h2, Wr, bs)
    (out,) = _tc_call(_tc7_body, [(_N, _D)])(a3, degc, hw2, Wl)
    return out

# --- scband reference (transcript-rebuilt; emitter-appended) ---
"""Pipeline reference for scband-graph-encoder-81604378624011 (READ-ONLY COPY).

The authoritative reference and input builder live on the scoring server;
editing this copy changes nothing except your own understanding.
"""

import jax, jax.numpy as jnp
import numpy as np

N = 10000
E = 320000
D = 128


def gcn_conv(x, src, dst, W, b, n):
    # PyG GCNConv: add self-loops, symmetric normalization, x' = D^-1/2 A_hat D^-1/2 x W + b
    h = x @ W
    loop = jnp.arange(n, dtype=src.dtype)
    s = jnp.concatenate([src, loop])
    d = jnp.concatenate([dst, loop])
    deg = jnp.zeros((n,), dtype=x.dtype).at[d].add(1.0)
    dinv = jnp.where(deg > 0, 1.0 / jnp.sqrt(deg), 0.0)
    norm = dinv[s] * dinv[d]
    msg = h[s] * norm[:, None]
    out = jax.ops.segment_sum(msg, d, num_segments=n)
    return out + b


def sage_conv(x, src, dst, Wl, Wr, b, n):
    # PyG SAGEConv (mean aggregator): x' = lin_l(mean_{j in N(i)} x_j) + lin_r(x_i)
    agg = jax.ops.segment_sum(x[src], dst, num_segments=n)
    cnt = jax.ops.segment_sum(jnp.ones((src.shape[0],), dtype=x.dtype), dst, num_segments=n)
    mean = agg / jnp.clip(cnt, 1.0)[:, None]
    return mean @ Wl + x @ Wr + b


def setup_inputs(seed: int = 0):
    key = jax.random.key(seed)
    ks = jax.random.split(key, 10)
    scale = 1.0 / np.sqrt(D)
    x = jax.random.normal(ks[0], (N, D), dtype=jnp.float32)
    edge_index = jax.random.randint(ks[1], (2, E), 0, N, dtype=jnp.int32)
    W1 = jax.random.normal(ks[2], (D, D), dtype=jnp.float32) * scale
    b1 = jnp.zeros((D,), dtype=jnp.float32)
    W2 = jax.random.normal(ks[3], (D, D), dtype=jnp.float32) * scale
    b2 = jnp.zeros((D,), dtype=jnp.float32)
    Wl = jax.random.normal(ks[4], (D, D), dtype=jnp.float32) * scale
    Wr = jax.random.normal(ks[5], (D, D), dtype=jnp.float32) * scale
    bs = jnp.zeros((D,), dtype=jnp.float32)
    return {"x": x, "edge_index": edge_index, "W1": W1, "b1": b1, "W2": W2, "b2": b2, "Wl": Wl, "Wr": Wr, "bs": bs}


def reference(x, edge_index, W1, b1, W2, b2, Wl, Wr, bs):
    src = edge_index[0]
    dst = edge_index[1]
    n = x.shape[0]
    h = jax.nn.relu(gcn_conv(x, src, dst, W1, b1, n))
    h = jax.nn.relu(gcn_conv(h, src, dst, W2, b2, n))
    out = sage_conv(h, src, dst, Wl, Wr, bs, n)
    return out

if __name__ == "__main__":
    import jax
    _d = setup_inputs()
    print(jax.jit(kernel)(*tuple(_d.values())))

</pallas_src>

<mosaic_0001>
#map = affine_map<(d0, d1) -> (0, 0, 0)>
#map1 = affine_map<(d0, d1) -> (0)>
module attributes {stable_mosaic.version = 14 : i64} {
  func.func @_deg_body(%arg0: i32, %arg1: i32, %arg2: memref<16x80x256xi32, #tpu.memory_space<hbm>>, %arg3: memref<10240xf32, #tpu.memory_space<hbm>>, %arg4: memref<80x256xi32, #tpu.memory_space<vmem>>, %arg5: memref<256xf32, #tpu.memory_space<vmem>>, %arg6: memref<640xf32, #tpu.memory_space<vmem>>, %arg7: memref<10240xf32, #tpu.memory_space<vmem_shared>>) attributes {dimension_semantics = [#tpu.dimension_semantics<core_parallel>, #tpu.dimension_semantics<subcore_parallel>], iteration_bounds = array<i64: 2, 16>, scalar_prefetch = 0 : i64, scratch_operands = 4 : i64, tpu.core_type = #tpu.core_type<sc_vector_subcore>, window_params = [{transform_indices = #map}, {transform_indices = #map1}]} {
    %broadcast_in_dim3A = arith.constant 0.000000e+00 : f32
    %broadcast_in_dim3A_0 = vector.broadcast %broadcast_in_dim3A : f32 to vector<16xf32>
    %swap3A = arith.constant 0 : index
    %swap3A_1 = tpu.vector_load %arg6[%swap3A] {strides = array<i32>} : memref<640xf32, #tpu.memory_space<vmem>>, vector<16xf32>,
    %swap3A_2 = vector.shape_cast %swap3A_1 : vector<16xf32> to vector<16xf32>
    %swap3A_3 = vector.shape_cast %broadcast_in_dim3A_0 : vector<16xf32> to vector<16xf32>
    tpu.vector_store %arg6[%swap3A], %swap3A_3 {strides = array<i32>} : memref<640xf32, #tpu.memory_space<vmem>>, vector<16xf32>,
    %broadcast_in_dim3A_4 = arith.constant 0.000000e+00 : f32
    %broadcast_in_dim3A_5 = vector.broadcast %broadcast_in_dim3A_4 : f32 to vector<16xf32>
    %swap3A_6 = arith.constant 16 : index
    %swap3A_7 = tpu.vector_load %arg6[%swap3A_6] {strides = array<i32>} : memref<640xf32, #tpu.memory_space<vmem>>, vector<16xf32>,
    %swap3A_8 = vector.shape_cast %swap3A_7 : vector<16xf32> to vector<16xf32>
    %swap3A_9 = vector.shape_cast %broadcast_in_dim3A_5 : vector<16xf32> to vector<16xf32>
    tpu.vector_store %arg6[%swap3A_6], %swap3A_9 {strides = array<i32>} : memref<640xf32, #tpu.memory_space<vmem>>, vector<16xf32>,
    %broadcast_in_dim3A_10 = arith.constant 0.000000e+00 : f32
    %broadcast_in_dim3A_11 = vector.broadcast %broadcast_in_dim3A_10 : f32 to vector<16xf32>
    %swap3A_12 = arith.constant 32 : index
    %swap3A_13 = tpu.vector_load %arg6[%swap3A_12] {strides = array<i32>} : memref<640xf32, #tpu.memory_space<vmem>>, vector<16xf32>,
    %swap3A_14 = vector.shape_cast %swap3A_13 : vector<16xf32> to vector<16xf32>
    %swap3A_15 = vector.shape_cast %broadcast_in_dim3A_11 : vector<16xf32> to vector<16xf32>
    tpu.vector_store %arg6[%swap3A_12], %swap3A_15 {strides = array<i32>} : memref<640xf32, #tpu.memory_space<vmem>>, vector<16xf32>,
    %broadcast_in_dim3A_16 = arith.constant 0.000000e+00 : f32
    %broadcast_in_dim3A_17 = vector.broadcast %broadcast_in_dim3A_16 : f32 to vector<16xf32>
    %swap3A_18 = arith.constant 48 : index
    %swap3A_19 = tpu.vector_load %arg6[%swap3A_18] {strides = array<i32>} : memref<640xf32, #tpu.memory_space<vmem>>, vector<16xf32>,
    %swap3A_20 = vector.shape_cast %swap3A_19 : vector<16xf32> to vector<16xf32>
    %swap3A_21 = vector.shape_cast %broadcast_in_dim3A_17 : vector<16xf32> to vector<16xf32>
    tpu.vector_store %arg6[%swap3A_18], %swap3A_21 {strides = array<i32>} : memref<640xf32, #tpu.memory_space<vmem>>, vector<16xf32>,
    %broadcast_in_dim3A_22 = arith.constant 0.000000e+00 : f32
    %broadcast_in_dim3A_23 = vector.broadcast %broadcast_in_dim3A_22 : f32 to vector<16xf32>
    %swap3A_24 = arith.constant 64 : index
    %swap3A_25 = tpu.vector_load %arg6[%swap3A_24] {strides = array<i32>} : memref<640xf32, #tpu.memory_space<vmem>>, vector<16xf32>,
    %swap3A_26 = vector.shape_cast %swap3A_25 : vector<16xf32> to vector<16xf32>
    %swap3A_27 = vector.shape_cast %broadcast_in_dim3A_23 : vector<16xf32> to vector<16xf32>
    tpu.vector_store %arg6[%swap3A_24], %swap3A_27 {strides = array<i32>} : memref<640xf32, #tpu.memory_space<vmem>>, vector<16xf32>,
    %broadcast_in_dim3A_28 = arith.constant 0.000000e+00 : f32
    %broadcast_in_dim3A_29 = vector.broadcast %broadcast_in_dim3A_28 : f32 to vector<16xf32>
    %swap3A_30 = arith.constant 80 : index
    %swap3A_31 = tpu.vector_load %arg6[%swap3A_30] {strides = array<i32>} : memref<640xf32, #tpu.memory_space<vmem>>, vector<16xf32>,
    %swap3A_32 = vector.shape_cast %swap3A_31 : vector<16xf32> to vector<16xf32>
    %swap3A_33 = vector.shape_cast %broadcast_in_dim3A_29 : vector<16xf32> to vector<16xf32>
    tpu.vector_store %arg6[%swap3A_30], %swap3A_33 {strides = array<i32>} : memref<640xf32, #tpu.memory_space<vmem>>, vector<16xf32>,
    %broadcast_in_dim3A_34 = arith.constant 0.000000e+00 : f32
    %broadcast_in_dim3A_35 = vector.broadcast %broadcast_in_dim3A_34 : f32 to vector<16xf32>
    %swap3A_36 = arith.constant 96 : index
    %swap3A_37 = tpu.vector_load %arg6[%swap3A_36] {strides = array<i32>} : memref<640xf32, #tpu.memory_space<vmem>>, vector<16xf32>,
    %swap3A_38 = vector.shape_cast %swap3A_37 : vector<16xf32> to vector<16xf32>
    %swap3A_39 = vector.shape_cast %broadcast_in_dim3A_35 : vector<16xf32> to vector<16xf32>
    tpu.vector_store %arg6[%swap3A_36], %swap3A_39 {strides = array<i32>} : memref<640xf32, #tpu.memory_space<vmem>>, vector<16xf32>,
    %broadcast_in_dim3A_40 = arith.constant 0.000000e+00 : f32
    %broadcast_in_dim3A_41 = vector.broadcast %broadcast_in_dim3A_40 : f32 to vector<16xf32>
    %swap3A_42 = arith.constant 112 : index
    %swap3A_43 = tpu.vector_load %arg6[%swap3A_42] {strides = array<i32>} : memref<640xf32, #tpu.memory_space<vmem>>, vector<16xf32>,
    %swap3A_44 = vector.shape_cast %swap3A_43 : vector<16xf32> to vector<16xf32>
    %swap3A_45 = vector.shape_cast %broadcast_in_dim3A_41 : vector<16xf32> to vector<16xf32>
    tpu.vector_store %arg6[%swap3A_42], %swap3A_45 {strides = array<i32>} : memref<640xf32, #tpu.memory_space<vmem>>, vector<16xf32>,
    %broadcast_in_dim3A_46 = arith.constant 0.000000e+00 : f32
    %broadcast_in_dim3A_47 = vector.broadcast %broadcast_in_dim3A_46 : f32 to vector<16xf32>
    %swap3A_48 = arith.constant 128 : index
    %swap3A_49 = tpu.vector_load %arg6[%swap3A_48] {strides = array<i32>} : memref<640xf32, #tpu.memory_space<vmem>>, vector<16xf32>,
    %swap3A_50 = vector.shape_cast %swap3A_49 : vector<16xf32> to vector<16xf32>
    %swap3A_51 = vector.shape_cast %broadcast_in_dim3A_47 : vector<16xf32> to vector<16xf32>
    tpu.vector_store %arg6[%swap3A_48], %swap3A_51 {strides = array<i32>} : memref<640xf32, #tpu.memory_space<vmem>>, vector<16xf32>,
    %broadcast_in_dim3A_52 = arith.constant 0.000000e+00 : f32
    %broadcast_in_dim3A_53 = vector.broadcast %broadcast_in_dim3A_52 : f32 to vector<16xf32>
    %swap3A_54 = arith.constant 144 : index
    %swap3A_55 = tpu.vector_load %arg6[%swap3A_54] {strides = array<i32>} : memref<640xf32, #tpu.memory_space<vmem>>, vector<16xf32>,
    %swap3A_56 = vector.shape_cast %swap3A_55 : vector<16xf32> to vector<16xf32>
    %swap3A_57 = vector.shape_cast %broadcast_in_dim3A_53 : vector<16xf32> to vector<16xf32>
    tpu.vector_store %arg6[%swap3A_54], %swap3A_57 {strides = array<i32>} : memref<640xf32, #tpu.memory_space<vmem>>, vector<16xf32>,
    %broadcast_in_dim3A_58 = arith.constant 0.000000e+00 : f32
    %broadcast_in_dim3A_59 = vector.broadcast %broadcast_in_dim3A_58 : f32 to vector<16xf32>
    %swap3A_60 = arith.constant 160 : index
    %swap3A_61 = tpu.vector_load %arg6[%swap3A_60] {strides = array<i32>} : memref<640xf32, #tpu.memory_space<vmem>>, vector<16xf32>,
    %swap3A_62 = vector.shape_cast %swap3A_61 : vector<16xf32> to vector<16xf32>
    %swap3A_63 = vector.shape_cast %broadcast_in_dim3A_59 : vector<16xf32> to vector<16xf32>
    tpu.vector_store %arg6[%swap3A_60], %swap3A_63 {strides = array<i32>} : memref<640xf32, #tpu.memory_space<vmem>>, vector<16xf32>,
    %broadcast_in_dim3A_64 = arith.constant 0.000000e+00 : f32
    %broadcast_in_dim3A_65 = vector.broadcast %broadcast_in_dim3A_64 : f32 to vector<16xf32>
    %swap3A_66 = arith.constant 176 : index
    %swap3A_67 = tpu.vector_load %arg6[%swap3A_66] {strides = array<i32>} : memref<640xf32, #tpu.memory_space<vmem>>, vector<16xf32>,
    %swap3A_68 = vector.shape_cast %swap3A_67 : vector<16xf32> to vector<16xf32>
    %swap3A_69 = vector.shape_cast %broadcast_in_dim3A_65 : vector<16xf32> to vector<16xf32>
    tpu.vector_store %arg6[%swap3A_66], %swap3A_69 {strides = array<i32>} : memref<640xf32, #tpu.memory_space<vmem>>, vector<16xf32>,
    %broadcast_in_dim3A_70 = arith.constant 0.000000e+00 : f32
    %broadcast_in_dim3A_71 = vector.broadcast %broadcast_in_dim3A_70 : f32 to vector<16xf32>
    %swap3A_72 = arith.constant 192 : index
    %swap3A_73 = tpu.vector_load %arg6[%swap3A_72] {strides = array<i32>} : memref<640xf32, #tpu.memory_space<vmem>>, vector<16xf32>,
    %swap3A_74 = vector.shape_cast %swap3A_73 : vector<16xf32> to vector<16xf32>
    %swap3A_75 = vector.shape_cast %broadcast_in_dim3A_71 : vector<16xf32> to vector<16xf32>
    tpu.vector_store %arg6[%swap3A_72], %swap3A_75 {strides = array<i32>} : memref<640xf32, #tpu.memory_space<vmem>>, vector<16xf32>,
    %broadcast_in_dim3A_76 = arith.constant 0.000000e+00 : f32
    %broadcast_in_dim3A_77 = vector.broadcast %broadcast_in_dim3A_76 : f32 to vector<16xf32>
    %swap3A_78 = arith.constant 208 : index
    %swap3A_79 = tpu.vector_load %arg6[%swap3A_78] {strides = array<i32>} : memref<640xf32, #tpu.memory_space<vmem>>, vector<16xf32>,
    %swap3A_80 = vector.shape_cast %swap3A_79 : vector<16xf32> to vector<16xf32>
    %swap3A_81 = vector.shape_cast %broadcast_in_dim3A_77 : vector<16xf32> to vector<16xf32>
    tpu.vector_store %arg6[%swap3A_78], %swap3A_81 {strides = array<i32>} : memref<640xf32, #tpu.memory_space<vmem>>, vector<16xf32>,
    %broadcast_in_dim3A_82 = arith.constant 0.000000e+00 : f32
    %broadcast_in_dim3A_83 = vector.broadcast %broadcast_in_dim3A_82 : f32 to vector<16xf32>
    %swap3A_84 = arith.constant 224 : index
    %swap3A_85 = tpu.vector_load %arg6[%swap3A_84] {strides = array<i32>} : memref<640xf32, #tpu.memory_space<vmem>>, vector<16xf32>,
    %swap3A_86 = vector.shape_cast %swap3A_85 : vector<16xf32> to vector<16xf32>
    %swap3A_87 = vector.shape_cast %broadcast_in_dim3A_83 : vector<16xf32> to vector<16xf32>
    tpu.vector_store %arg6[%swap3A_84], %swap3A_87 {strides = array<i32>} : memref<640xf32, #tpu.memory_space<vmem>>, vector<16xf32>,
    %broadcast_in_dim3A_88 = arith.constant 0.000000e+00 : f32
    %broadcast_in_dim3A_89 = vector.broadcast %broadcast_in_dim3A_88 : f32 to vector<16xf32>
    %swap3A_90 = arith.constant 240 : index
    %swap3A_91 = tpu.vector_load %arg6[%swap3A_90] {strides = array<i32>} : memref<640xf32, #tpu.memory_space<vmem>>, vector<16xf32>,
    %swap3A_92 = vector.shape_cast %swap3A_91 : vector<16xf32> to vector<16xf32>
    %swap3A_93 = vector.shape_cast %broadcast_in_dim3A_89 : vector<16xf32> to vector<16xf32>
    tpu.vector_store %arg6[%swap3A_90], %swap3A_93 {strides = array<i32>} : memref<640xf32, #tpu.memory_space<vmem>>, vector<16xf32>,
    %broadcast_in_dim3A_94 = arith.constant 0.000000e+00 : f32
    %broadcast_in_dim3A_95 = vector.broadcast %broadcast_in_dim3A_94 : f32 to vector<16xf32>
    %swap3A_96 = arith.constant 256 : index
    %swap3A_97 = tpu.vector_load %arg6[%swap3A_96] {strides = array<i32>} : memref<640xf32, #tpu.memory_space<vmem>>, vector<16xf32>,
    %swap3A_98 = vector.shape_cast %swap3A_97 : vector<16xf32> to vector<16xf32>
    %swap3A_99 = vector.shape_cast %broadcast_in_dim3A_95 : vector<16xf32> to vector<16xf32>
    tpu.vector_store %arg6[%swap3A_96], %swap3A_99 {strides = array<i32>} : memref<640xf32, #tpu.memory_space<vmem>>, vector<16xf32>,
    %broadcast_in_dim3A_100 = arith.constant 0.000000e+00 : f32
    %broadcast_in_dim3A_101 = vector.broadcast %broadcast_in_dim3A_100 : f32 to vector<16xf32>
    %swap3A_102 = arith.constant 272 : index
    %swap3A_103 = tpu.vector_load %arg6[%swap3A_102] {strides = array<i32>} : memref<640xf32, #tpu.memory_space<vmem>>, vector<16xf32>,
    %swap3A_104 = vector.shape_cast %swap3A_103 : vector<16xf32> to vector<16xf32>
    %swap3A_105 = vector.shape_cast %broadcast_in_dim3A_101 : vector<16xf32> to vector<16xf32>
    tpu.vector_store %arg6[%swap3A_102], %swap3A_105 {strides = array<i32>} : memref<640xf32, #tpu.memory_space<vmem>>, vector<16xf32>,
    %broadcast_in_dim3A_106 = arith.constant 0.000000e+00 : f32
    %broadcast_in_dim3A_107 = vector.broadcast %broadcast_in_dim3A_106 : f32 to vector<16xf32>
    %swap3A_108 = arith.constant 288 : index
    %swap3A_109 = tpu.vector_load %arg6[%swap3A_108] {strides = array<i32>} : memref<640xf32, #tpu.memory_space<vmem>>, vector<16xf32>,
    %swap3A_110 = vector.shape_cast %swap3A_109 : vector<16xf32> to vector<16xf32>
    %swap3A_111 = vector.shape_cast %broadcast_in_dim3A_107 : vector<16xf32> to vector<16xf32>
    tpu.vector_store %arg6[%swap3A_108], %swap3A_111 {strides = array<i32>} : memref<640xf32, #tpu.memory_space<vmem>>, vector<16xf32>,
    %broadcast_in_dim3A_112 = arith.constant 0.000000e+00 : f32
    %broadcast_in_dim3A_113 = vector.broadcast %broadcast_in_dim3A_112 : f32 to vector<16xf32>
    %swap3A_114 = arith.constant 304 : index
    %swap3A_115 = tpu.vector_load %arg6[%swap3A_114] {strides = array<i32>} : memref<640xf32, #tpu.memory_space<vmem>>, vector<16xf32>,
    %swap3A_116 = vector.shape_cast %swap3A_115 : vector<16xf32> to vector<16xf32>
    %swap3A_117 = vector.shape_cast %broadcast_in_dim3A_113 : vector<16xf32> to vector<16xf32>
    tpu.vector_store %arg6[%swap3A_114], %swap3A_117 {strides = array<i32>} : memref<640xf32, #tpu.memory_space<vmem>>, vector<16xf32>,
    %broadcast_in_dim3A_118 = arith.constant 0.000000e+00 : f32
    %broadcast_in_dim3A_119 = vector.broadcast %broadcast_in_dim3A_118 : f32 to vector<16xf32>
    %swap3A_120 = arith.constant 320 : index
    %swap3A_121 = tpu.vector_load %arg6[%swap3A_120] {strides = array<i32>} : memref<640xf32, #tpu.memory_space<vmem>>, vector<16xf32>,
    %swap3A_122 = vector.shape_cast %swap3A_121 : vector<16xf32> to vector<16xf32>
    %swap3A_123 = vector.shape_cast %broadcast_in_dim3A_119 : vector<16xf32> to vector<16xf32>
    tpu.vector_store %arg6[%swap3A_120], %swap3A_123 {strides = array<i32>} : memref<640xf32, #tpu.memory_space<vmem>>, vector<16xf32>,
    %broadcast_in_dim3A_124 = arith.constant 0.000000e+00 : f32
    %broadcast_in_dim3A_125 = vector.broadcast %broadcast_in_dim3A_124 : f32 to vector<16xf32>
    %swap3A_126 = arith.constant 336 : index
    %swap3A_127 = tpu.vector_load %arg6[%swap3A_126] {strides = array<i32>} : memref<640xf32, #tpu.memory_space<vmem>>, vector<16xf32>,
    %swap3A_128 = vector.shape_cast %swap3A_127 : vector<16xf32> to vector<16xf32>
    %swap3A_129 = vector.shape_cast %broadcast_in_dim3A_125 : vector<16xf32> to vector<16xf32>
    tpu.vector_store %arg6[%swap3A_126], %swap3A_129 {strides = array<i32>} : memref<640xf32, #tpu.memory_space<vmem>>, vector<16xf32>,
    %broadcast_in_dim3A_130 = arith.constant 0.000000e+00 : f32
    %broadcast_in_dim3A_131 = vector.broadcast %broadcast_in_dim3A_130 : f32 to vector<16xf32>
    %swap3A_132 = arith.constant 352 : index
    %swap3A_133 = tpu.vector_load %arg6[%swap3A_132] {strides = array<i32>} : memref<640xf32, #tpu.memory_space<vmem>>, vector<16xf32>,
    %swap3A_134 = vector.shape_cast %swap3A_133 : vector<16xf32> to vector<16xf32>
    %swap3A_135 = vector.shape_cast %broadcast_in_dim3A_131 : vector<16xf32> to vector<16xf32>
    tpu.vector_store %arg6[%swap3A_132], %swap3A_135 {strides = array<i32>} : memref<640xf32, #tpu.memory_space<vmem>>, vector<16xf32>,
    %broadcast_in_dim3A_136 = arith.constant 0.000000e+00 : f32
    %broadcast_in_dim3A_137 = vector.broadcast %broadcast_in_dim3A_136 : f32 to vector<16xf32>
    %swap3A_138 = arith.constant 368 : index
    %swap3A_139 = tpu.vector_load %arg6[%swap3A_138] {strides = array<i32>} : memref<640xf32, #tpu.memory_space<vmem>>, vector<16xf32>,
    %swap3A_140 = vector.shape_cast %swap3A_139 : vector<16xf32> to vector<16xf32>
    %swap3A_141 = vector.shape_cast %broadcast_in_dim3A_137 : vector<16xf32> to vector<16xf32>
    tpu.vector_store %arg6[%swap3A_138], %swap3A_141 {strides = array<i32>} : memref<640xf32, #tpu.memory_space<vmem>>, vector<16xf32>,
    %broadcast_in_dim3A_142 = arith.constant 0.000000e+00 : f32
    %broadcast_in_dim3A_143 = vector.broadcast %broadcast_in_dim3A_142 : f32 to vector<16xf32>
    %swap3A_144 = arith.constant 384 : index
    %swap3A_145 = tpu.vector_load %arg6[%swap3A_144] {strides = array<i32>} : memref<640xf32, #tpu.memory_space<vmem>>, vector<16xf32>,
    %swap3A_146 = vector.shape_cast %swap3A_145 : vector<16xf32> to vector<16xf32>
    %swap3A_147 = vector.shape_cast %broadcast_in_dim3A_143 : vector<16xf32> to vector<16xf32>
    tpu.vector_store %arg6[%swap3A_144], %swap3A_147 {strides = array<i32>} : memref<640xf32, #tpu.memory_space<vmem>>, vector<16xf32>,
    %broadcast_in_dim3A_148 = arith.constant 0.000000e+00 : f32
    %broadcast_in_dim3A_149 = vector.broadcast %broadcast_in_dim3A_148 : f32 to vector<16xf32>
    %swap3A_150 = arith.constant 400 : index
    %swap3A_151 = tpu.vector_load %arg6[%swap3A_150] {strides = array<i32>} : memref<640xf32, #tpu.memory_space<vmem>>, vector<16xf32>,
    %swap3A_152 = vector.shape_cast %swap3A_151 : vector<16xf32> to vector<16xf32>
    %swap3A_153 = vector.shape_cast %broadcast_in_dim3A_149 : vector<16xf32> to vector<16xf32>
    tpu.vector_store %arg6[%swap3A_150], %swap3A_153 {strides = array<i32>} : memref<640xf32, #tpu.memory_space<vmem>>, vector<16xf32>,
    %broadcast_in_dim3A_154 = arith.constant 0.000000e+00 : f32
    %broadcast_in_dim3A_155 = vector.broadcast %broadcast_in_dim3A_154 : f32 to vector<16xf32>
    %swap3A_156 = arith.constant 416 : index
    %swap3A_157 = tpu.vector_load %arg6[%swap3A_156] {strides = array<i32>} : memref<640xf32, #tpu.memory_space<vmem>>, vector<16xf32>,
    %swap3A_158 = vector.shape_cast %swap3A_157 : vector<16xf32> to vector<16xf32>
    %swap3A_159 = vector.shape_cast %broadcast_in_dim3A_155 : vector<16xf32> to vector<16xf32>
    tpu.vector_store %arg6[%swap3A_156], %swap3A_159 {strides = array<i32>} : memref<640xf32, #tpu.memory_space<vmem>>, vector<16xf32>,
    %broadcast_in_dim3A_160 = arith.constant 0.000000e+00 : f32
    %broadcast_in_dim3A_161 = vector.broadcast %broadcast_in_dim3A_160 : f32 to vector<16xf32>
    %swap3A_162 = arith.constant 432 : index
    %swap3A_163 = tpu.vector_load %arg6[%swap3A_162] {strides = array<i32>} : memref<640xf32, #tpu.memory_space<vmem>>, vector<16xf32>,
    %swap3A_164 = vector.shape_cast %swap3A_163 : vector<16xf32> to vector<16xf32>
    %swap3A_165 = vector.shape_cast %broadcast_in_dim3A_161 : vector<16xf32> to vector<16xf32>
    tpu.vector_store %arg6[%swap3A_162], %swap3A_165 {strides = array<i32>} : memref<640xf32, #tpu.memory_space<vmem>>, vector<16xf32>,
    %broadcast_in_dim3A_166 = arith.constant 0.000000e+00 : f32
    %broadcast_in_dim3A_167 = vector.broadcast %broadcast_in_dim3A_166 : f32 to vector<16xf32>
    %swap3A_168 = arith.constant 448 : index
    %swap3A_169 = tpu.vector_load %arg6[%swap3A_168] {strides = array<i32>} : memref<640xf32, #tpu.memory_space<vmem>>, vector<16xf32>,
    %swap3A_170 = vector.shape_cast %swap3A_169 : vector<16xf32> to vector<16xf32>
    %swap3A_171 = vector.shape_cast %broadcast_in_dim3A_167 : vector<16xf32> to vector<16xf32>
    tpu.vector_store %arg6[%swap3A_168], %swap3A_171 {strides = array<i32>} : memref<640xf32, #tpu.memory_space<vmem>>, vector<16xf32>,
    %broadcast_in_dim3A_172 = arith.constant 0.000000e+00 : f32
    %broadcast_in_dim3A_173 = vector.broadcast %broadcast_in_dim3A_172 : f32 to vector<16xf32>
    %swap3A_174 = arith.constant 464 : index
    %swap3A_175 = tpu.vector_load %arg6[%swap3A_174] {strides = array<i32>} : memref<640xf32, #tpu.memory_space<vmem>>, vector<16xf32>,
    %swap3A_176 = vector.shape_cast %swap3A_175 : vector<16xf32> to vector<16xf32>
    %swap3A_177 = vector.shape_cast %broadcast_in_dim3A_173 : vector<16xf32> to vector<16xf32>
    tpu.vector_store %arg6[%swap3A_174], %swap3A_177 {strides = array<i32>} : memref<640xf32, #tpu.memory_space<vmem>>, vector<16xf32>,
    %broadcast_in_dim3A_178 = arith.constant 0.000000e+00 : f32
    %broadcast_in_dim3A_179 = vector.broadcast %broadcast_in_dim3A_178 : f32 to vector<16xf32>
    %swap3A_180 = arith.constant 480 : index
    %swap3A_181 = tpu.vector_load %arg6[%swap3A_180] {strides = array<i32>} : memref<640xf32, #tpu.memory_space<vmem>>, vector<16xf32>,
    %swap3A_182 = vector.shape_cast %swap3A_181 : vector<16xf32> to vector<16xf32>
    %swap3A_183 = vector.shape_cast %broadcast_in_dim3A_179 : vector<16xf32> to vector<16xf32>
    tpu.vector_store %arg6[%swap3A_180], %swap3A_183 {strides = array<i32>} : memref<640xf32, #tpu.memory_space<vmem>>, vector<16xf32>,
    %broadcast_in_dim3A_184 = arith.constant 0.000000e+00 : f32
    %broadcast_in_dim3A_185 = vector.broadcast %broadcast_in_dim3A_184 : f32 to vector<16xf32>
    %swap3A_186 = arith.constant 496 : index
    %swap3A_187 = tpu.vector_load %arg6[%swap3A_186] {strides = array<i32>} : memref<640xf32, #tpu.memory_space<vmem>>, vector<16xf32>,
    %swap3A_188 = vector.shape_cast %swap3A_187 : vector<16xf32> to vector<16xf32>
    %swap3A_189 = vector.shape_cast %broadcast_in_dim3A_185 : vector<16xf32> to vector<16xf32>
    tpu.vector_store %arg6[%swap3A_186], %swap3A_189 {strides = array<i32>} : memref<640xf32, #tpu.memory_space<vmem>>, vector<16xf32>,
    %broadcast_in_dim3A_190 = arith.constant 0.000000e+00 : f32
    %broadcast_in_dim3A_191 = vector.broadcast %broadcast_in_dim3A_190 : f32 to vector<16xf32>
    %swap3A_192 = arith.constant 512 : index
    %swap3A_193 = tpu.vector_load %arg6[%swap3A_192] {strides = array<i32>} : memref<640xf32, #tpu.memory_space<vmem>>, vector<16xf32>,
    %swap3A_194 = vector.shape_cast %swap3A_193 : vector<16xf32> to vector<16xf32>
    %swap3A_195 = vector.shape_cast %broadcast_in_dim3A_191 : vector<16xf32> to vector<16xf32>
    tpu.vector_store %arg6[%swap3A_192], %swap3A_195 {strides = array<i32>} : memref<640xf32, #tpu.memory_space<vmem>>, vector<16xf32>,
    %broadcast_in_dim3A_196 = arith.constant 0.000000e+00 : f32
    %broadcast_in_dim3A_197 = vector.broadcast %broadcast_in_dim3A_196 : f32 to vector<16xf32>
    %swap3A_198 = arith.constant 528 : index
    %swap3A_199 = tpu.vector_load %arg6[%swap3A_198] {strides = array<i32>} : memref<640xf32, #tpu.memory_space<vmem>>, vector<16xf32>,
    %swap3A_200 = vector.shape_cast %swap3A_199 : vector<16xf32> to vector<16xf32>
    %swap3A_201 = vector.shape_cast %broadcast_in_dim3A_197 : vector<16xf32> to vector<16xf32>
    tpu.vector_store %arg6[%swap3A_198], %swap3A_201 {strides = array<i32>} : memref<640xf32, #tpu.memory_space<vmem>>, vector<16xf32>,
    %broadcast_in_dim3A_202 = arith.constant 0.000000e+00 : f32
    %broadcast_in_dim3A_203 = vector.broadcast %broadcast_in_dim3A_202 : f32 to vector<16xf32>
    %swap3A_204 = arith.constant 544 : index
    %swap3A_205 = tpu.vector_load %arg6[%swap3A_204] {strides = array<i32>} : memref<640xf32, #tpu.memory_space<vmem>>, vector<16xf32>,
    %swap3A_206 = vector.shape_cast %swap3A_205 : vector<16xf32> to vector<16xf32>
    %swap3A_207 = vector.shape_cast %broadcast_in_dim3A_203 : vector<16xf32> to vector<16xf32>
    tpu.vector_store %arg6[%swap3A_204], %swap3A_207 {strides = array<i32>} : memref<640xf32, #tpu.memory_space<vmem>>, vector<16xf32>,
    %broadcast_in_dim3A_208 = arith.constant 0.000000e+00 : f32
    %broadcast_in_dim3A_209 = vector.broadcast %broadcast_in_dim3A_208 : f32 to vector<16xf32>
    %swap3A_210 = arith.constant 560 : index
    %swap3A_211 = tpu.vector_load %arg6[%swap3A_210] {strides = array<i32>} : memref<640xf32, #tpu.memory_space<vmem>>, vector<16xf32>,
    %swap3A_212 = vector.shape_cast %swap3A_211 : vector<16xf32> to vector<16xf32>
    %swap3A_213 = vector.shape_cast %broadcast_in_dim3A_209 : vector<16xf32> to vector<16xf32>
    tpu.vector_store %arg6[%swap3A_210], %swap3A_213 {strides = array<i32>} : memref<640xf32, #tpu.memory_space<vmem>>, vector<16xf32>,
    %broadcast_in_dim3A_214 = arith.constant 0.000000e+00 : f32
    %broadcast_in_dim3A_215 = vector.broadcast %broadcast_in_dim3A_214 : f32 to vector<16xf32>
    %swap3A_216 = arith.constant 576 : index
    %swap3A_217 = tpu.vector_load %arg6[%swap3A_216] {strides = array<i32>} : memref<640xf32, #tpu.memory_space<vmem>>, vector<16xf32>,
    %swap3A_218 = vector.shape_cast %swap3A_217 : vector<16xf32> to vector<16xf32>
    %swap3A_219 = vector.shape_cast %broadcast_in_dim3A_215 : vector<16xf32> to vector<16xf32>
    tpu.vector_store %arg6[%swap3A_216], %swap3A_219 {strides = array<i32>} : memref<640xf32, #tpu.memory_space<vmem>>, vector<16xf32>,
    %broadcast_in_dim3A_220 = arith.constant 0.000000e+00 : f32
    %broadcast_in_dim3A_221 = vector.broadcast %broadcast_in_dim3A_220 : f32 to vector<16xf32>
    %swap3A_222 = arith.constant 592 : index
    %swap3A_223 = tpu.vector_load %arg6[%swap3A_222] {strides = array<i32>} : memref<640xf32, #tpu.memory_space<vmem>>, vector<16xf32>,
    %swap3A_224 = vector.shape_cast %swap3A_223 : vector<16xf32> to vector<16xf32>
    %swap3A_225 = vector.shape_cast %broadcast_in_dim3A_221 : vector<16xf32> to vector<16xf32>
    tpu.vector_store %arg6[%swap3A_222], %swap3A_225 {strides = array<i32>} : memref<640xf32, #tpu.memory_space<vmem>>, vector<16xf32>,
    %broadcast_in_dim3A_226 = arith.constant 0.000000e+00 : f32
    %broadcast_in_dim3A_227 = vector.broadcast %broadcast_in_dim3A_226 : f32 to vector<16xf32>
    %swap3A_228 = arith.constant 608 : index
    %swap3A_229 = tpu.vector_load %arg6[%swap3A_228] {strides = array<i32>} : memref<640xf32, #tpu.memory_space<vmem>>, vector<16xf32>,
    %swap3A_230 = vector.shape_cast %swap3A_229 : vector<16xf32> to vector<16xf32>
    %swap3A_231 = vector.shape_cast %broadcast_in_dim3A_227 : vector<16xf32> to vector<16xf32>
    tpu.vector_store %arg6[%swap3A_228], %swap3A_231 {strides = array<i32>} : memref<640xf32, #tpu.memory_space<vmem>>, vector<16xf32>,
    %broadcast_in_dim3A_232 = arith.constant 0.000000e+00 : f32
    %broadcast_in_dim3A_233 = vector.broadcast %broadcast_in_dim3A_232 : f32 to vector<16xf32>
    %swap3A_234 = arith.constant 624 : index
    %swap3A_235 = tpu.vector_load %arg6[%swap3A_234] {strides = array<i32>} : memref<640xf32, #tpu.memory_space<vmem>>, vector<16xf32>,
    %swap3A_236 = vector.shape_cast %swap3A_235 : vector<16xf32> to vector<16xf32>
    %swap3A_237 = vector.shape_cast %broadcast_in_dim3A_233 : vector<16xf32> to vector<16xf32>
    tpu.vector_store %arg6[%swap3A_234], %swap3A_237 {strides = array<i32>} : memref<640xf32, #tpu.memory_space<vmem>>, vector<16xf32>,
    %broadcast_in_dim3A_238 = arith.constant 1.000000e+00 : f32
    %broadcast_in_dim3A_239 = vector.broadcast %broadcast_in_dim3A_238 : f32 to vector<16xf32>
    %swap3A_240 = arith.constant 0 : index
    %swap3A_241 = tpu.vector_load %arg5[%swap3A_240] {strides = array<i32>} : memref<256xf32, #tpu.memory_space<vmem>>, vector<16xf32>,
    %swap3A_242 = vector.shape_cast %swap3A_241 : vector<16xf32> to vector<16xf32>
    %swap3A_243 = vector.shape_cast %broadcast_in_dim3A_239 : vector<16xf32> to vector<16xf32>
    tpu.vector_store %arg5[%swap3A_240], %swap3A_243 {strides = array<i32>} : memref<256xf32, #tpu.memory_space<vmem>>, vector<16xf32>,
    %broadcast_in_dim3A_244 = arith.constant 1.000000e+00 : f32
    %broadcast_in_dim3A_245 = vector.broadcast %broadcast_in_dim3A_244 : f32 to vector<16xf32>
    %swap3A_246 = arith.constant 16 : index
    %swap3A_247 = tpu.vector_load %arg5[%swap3A_246] {strides = array<i32>} : memref<256xf32, #tpu.memory_space<vmem>>, vector<16xf32>,
    %swap3A_248 = vector.shape_cast %swap3A_247 : vector<16xf32> to vector<16xf32>
    %swap3A_249 = vector.shape_cast %broadcast_in_dim3A_245 : vector<16xf32> to vector<16xf32>
    tpu.vector_store %arg5[%swap3A_246], %swap3A_249 {strides = array<i32>} : memref<256xf32, #tpu.memory_space<vmem>>, vector<16xf32>,
    %broadcast_in_dim3A_250 = arith.constant 1.000000e+00 : f32
    %broadcast_in_dim3A_251 = vector.broadcast %broadcast_in_dim3A_250 : f32 to vector<16xf32>
    %swap3A_252 = arith.constant 32 : index
    %swap3A_253 = tpu.vector_load %arg5[%swap3A_252] {strides = array<i32>} : memref<256xf32, #tpu.memory_space<vmem>>, vector<16xf32>,
    %swap3A_254 = vector.shape_cast %swap3A_253 : vector<16xf32> to vector<16xf32>
    %swap3A_255 = vector.shape_cast %broadcast_in_dim3A_251 : vector<16xf32> to vector<16xf32>
    tpu.vector_store %arg5[%swap3A_252], %swap3A_255 {strides = array<i32>} : memref<256xf32, #tpu.memory_space<vmem>>, vector<16xf32>,
    %broadcast_in_dim3A_256 = arith.constant 1.000000e+00 : f32
    %broadcast_in_dim3A_257 = vector.broadcast %broadcast_in_dim3A_256 : f32 to vector<16xf32>
    %swap3A_258 = arith.constant 48 : index
    %swap3A_259 = tpu.vector_load %arg5[%swap3A_258] {strides = array<i32>} : memref<256xf32, #tpu.memory_space<vmem>>, vector<16xf32>,
    %swap3A_260 = vector.shape_cast %swap3A_259 : vector<16xf32> to vector<16xf32>
    %swap3A_261 = vector.shape_cast %broadcast_in_dim3A_257 : vector<16xf32> to vector<16xf32>
    tpu.vector_store %arg5[%swap3A_258], %swap3A_261 {strides = array<i32>} : memref<256xf32, #tpu.memory_space<vmem>>, vector<16xf32>,
    %broadcast_in_dim3A_262 = arith.constant 1.000000e+00 : f32
    %broadcast_in_dim3A_263 = vector.broadcast %broadcast_in_dim3A_262 : f32 to vector<16xf32>
    %swap3A_264 = arith.constant 64 : index
    %swap3A_265 = tpu.vector_load %arg5[%swap3A_264] {strides = array<i32>} : memref<256xf32, #tpu.memory_space<vmem>>, vector<16xf32>,
    %swap3A_266 = vector.shape_cast %swap3A_265 : vector<16xf32> to vector<16xf32>
    %swap3A_267 = vector.shape_cast %broadcast_in_dim3A_263 : vector<16xf32> to vector<16xf32>
    tpu.vector_store %arg5[%swap3A_264], %swap3A_267 {strides = array<i32>} : memref<256xf32, #tpu.memory_space<vmem>>, vector<16xf32>,
    %broadcast_in_dim3A_268 = arith.constant 1.000000e+00 : f32
    %broadcast_in_dim3A_269 = vector.broadcast %broadcast_in_dim3A_268 : f32 to vector<16xf32>
    %swap3A_270 = arith.constant 80 : index
    %swap3A_271 = tpu.vector_load %arg5[%swap3A_270] {strides = array<i32>} : memref<256xf32, #tpu.memory_space<vmem>>, vector<16xf32>,
    %swap3A_272 = vector.shape_cast %swap3A_271 : vector<16xf32> to vector<16xf32>
    %swap3A_273 = vector.shape_cast %broadcast_in_dim3A_269 : vector<16xf32> to vector<16xf32>
    tpu.vector_store %arg5[%swap3A_270], %swap3A_273 {strides = array<i32>} : memref<256xf32, #tpu.memory_space<vmem>>, vector<16xf32>,
    %broadcast_in_dim3A_274 = arith.constant 1.000000e+00 : f32
    %broadcast_in_dim3A_275 = vector.broadcast %broadcast_in_dim3A_274 : f32 to vector<16xf32>
    %swap3A_276 = arith.constant 96 : index
    %swap3A_277 = tpu.vector_load %arg5[%swap3A_276] {strides = array<i32>} : memref<256xf32, #tpu.memory_space<vmem>>, vector<16xf32>,
    %swap3A_278 = vector.shape_cast %swap3A_277 : vector<16xf32> to vector<16xf32>
    %swap3A_279 = vector.shape_cast %broadcast_in_dim3A_275 : vector<16xf32> to vector<16xf32>
    tpu.vector_store %arg5[%swap3A_276], %swap3A_279 {strides = array<i32>} : memref<256xf32, #tpu.memory_space<vmem>>, vector<16xf32>,
    %broadcast_in_dim3A_280 = arith.constant 1.000000e+00 : f32
    %broadcast_in_dim3A_281 = vector.broadcast %broadcast_in_dim3A_280 : f32 to vector<16xf32>
    %swap3A_282 = arith.constant 112 : index
    %swap3A_283 = tpu.vector_load %arg5[%swap3A_282] {strides = array<i32>} : memref<256xf32, #tpu.memory_space<vmem>>, vector<16xf32>,
    %swap3A_284 = vector.shape_cast %swap3A_283 : vector<16xf32> to vector<16xf32>
    %swap3A_285 = vector.shape_cast %broadcast_in_dim3A_281 : vector<16xf32> to vector<16xf32>
    tpu.vector_store %arg5[%swap3A_282], %swap3A_285 {strides = array<i32>} : memref<256xf32, #tpu.memory_space<vmem>>, vector<16xf32>,
    %broadcast_in_dim3A_286 = arith.constant 1.000000e+00 : f32
    %broadcast_in_dim3A_287 = vector.broadcast %broadcast_in_dim3A_286 : f32 to vector<16xf32>
    %swap3A_288 = arith.constant 128 : index
    %swap3A_289 = tpu.vector_load %arg5[%swap3A_288] {strides = array<i32>} : memref<256xf32, #tpu.memory_space<vmem>>, vector<16xf32>,
    %swap3A_290 = vector.shape_cast %swap3A_289 : vector<16xf32> to vector<16xf32>
    %swap3A_291 = vector.shape_cast %broadcast_in_dim3A_287 : vector<16xf32> to vector<16xf32>
    tpu.vector_store %arg5[%swap3A_288], %swap3A_291 {strides = array<i32>} : memref<256xf32, #tpu.memory_space<vmem>>, vector<16xf32>,
    %broadcast_in_dim3A_292 = arith.constant 1.000000e+00 : f32
    %broadcast_in_dim3A_293 = vector.broadcast %broadcast_in_dim3A_292 : f32 to vector<16xf32>
    %swap3A_294 = arith.constant 144 : index
    %swap3A_295 = tpu.vector_load %arg5[%swap3A_294] {strides = array<i32>} : memref<256xf32, #tpu.memory_space<vmem>>, vector<16xf32>,
    %swap3A_296 = vector.shape_cast %swap3A_295 : vector<16xf32> to vector<16xf32>
    %swap3A_297 = vector.shape_cast %broadcast_in_dim3A_293 : vector<16xf32> to vector<16xf32>
    tpu.vector_store %arg5[%swap3A_294], %swap3A_297 {strides = array<i32>} : memref<256xf32, #tpu.memory_space<vmem>>, vector<16xf32>,
    %broadcast_in_dim3A_298 = arith.constant 1.000000e+00 : f32
    %broadcast_in_dim3A_299 = vector.broadcast %broadcast_in_dim3A_298 : f32 to vector<16xf32>
    %swap3A_300 = arith.constant 160 : index
    %swap3A_301 = tpu.vector_load %arg5[%swap3A_300] {strides = array<i32>} : memref<256xf32, #tpu.memory_space<vmem>>, vector<16xf32>,
    %swap3A_302 = vector.shape_cast %swap3A_301 : vector<16xf32> to vector<16xf32>
    %swap3A_303 = vector.shape_cast %broadcast_in_dim3A_299 : vector<16xf32> to vector<16xf32>
    tpu.vector_store %arg5[%swap3A_300], %swap3A_303 {strides = array<i32>} : memref<256xf32, #tpu.memory_space<vmem>>, vector<16xf32>,
    %broadcast_in_dim3A_304 = arith.constant 1.000000e+00 : f32
    %broadcast_in_dim3A_305 = vector.broadcast %broadcast_in_dim3A_304 : f32 to vector<16xf32>
    %swap3A_306 = arith.constant 176 : index
    %swap3A_307 = tpu.vector_load %arg5[%swap3A_306] {strides = array<i32>} : memref<256xf32, #tpu.memory_space<vmem>>, vector<16xf32>,
    %swap3A_308 = vector.shape_cast %swap3A_307 : vector<16xf32> to vector<16xf32>
    %swap3A_309 = vector.shape_cast %broadcast_in_dim3A_305 : vector<16xf32> to vector<16xf32>
    tpu.vector_store %arg5[%swap3A_306], %swap3A_309 {strides = array<i32>} : memref<256xf32, #tpu.memory_space<vmem>>, vector<16xf32>,
    %broadcast_in_dim3A_310 = arith.constant 1.000000e+00 : f32
    %broadcast_in_dim3A_311 = vector.broadcast %broadcast_in_dim3A_310 : f32 to vector<16xf32>
    %swap3A_312 = arith.constant 192 : index
    %swap3A_313 = tpu.vector_load %arg5[%swap3A_312] {strides = array<i32>} : memref<256xf32, #tpu.memory_space<vmem>>, vector<16xf32>,
    %swap3A_314 = vector.shape_cast %swap3A_313 : vector<16xf32> to vector<16xf32>
    %swap3A_315 = vector.shape_cast %broadcast_in_dim3A_311 : vector<16xf32> to vector<16xf32>
    tpu.vector_store %arg5[%swap3A_312], %swap3A_315 {strides = array<i32>} : memref<256xf32, #tpu.memory_space<vmem>>, vector<16xf32>,
    %broadcast_in_dim3A_316 = arith.constant 1.000000e+00 : f32
    %broadcast_in_dim3A_317 = vector.broadcast %broadcast_in_dim3A_316 : f32 to vector<16xf32>
    %swap3A_318 = arith.constant 208 : index
    %swap3A_319 = tpu.vector_load %arg5[%swap3A_318] {strides = array<i32>} : memref<256xf32, #tpu.memory_space<vmem>>, vector<16xf32>,
    %swap3A_320 = vector.shape_cast %swap3A_319 : vector<16xf32> to vector<16xf32>
    %swap3A_321 = vector.shape_cast %broadcast_in_dim3A_317 : vector<16xf32> to vector<16xf32>
    tpu.vector_store %arg5[%swap3A_318], %swap3A_321 {strides = array<i32>} : memref<256xf32, #tpu.memory_space<vmem>>, vector<16xf32>,
    %broadcast_in_dim3A_322 = arith.constant 1.000000e+00 : f32
    %broadcast_in_dim3A_323 = vector.broadcast %broadcast_in_dim3A_322 : f32 to vector<16xf32>
    %swap3A_324 = arith.constant 224 : index
    %swap3A_325 = tpu.vector_load %arg5[%swap3A_324] {strides = array<i32>} : memref<256xf32, #tpu.memory_space<vmem>>, vector<16xf32>,
    %swap3A_326 = vector.shape_cast %swap3A_325 : vector<16xf32> to vector<16xf32>
    %swap3A_327 = vector.shape_cast %broadcast_in_dim3A_323 : vector<16xf32> to vector<16xf32>
    tpu.vector_store %arg5[%swap3A_324], %swap3A_327 {strides = array<i32>} : memref<256xf32, #tpu.memory_space<vmem>>, vector<16xf32>,
    %broadcast_in_dim3A_328 = arith.constant 1.000000e+00 : f32
    %broadcast_in_dim3A_329 = vector.broadcast %broadcast_in_dim3A_328 : f32 to vector<16xf32>
    %swap3A_330 = arith.constant 240 : index
    %swap3A_331 = tpu.vector_load %arg5[%swap3A_330] {strides = array<i32>} : memref<256xf32, #tpu.memory_space<vmem>>, vector<16xf32>,
    %swap3A_332 = vector.shape_cast %swap3A_331 : vector<16xf32> to vector<16xf32>
    %swap3A_333 = vector.shape_cast %broadcast_in_dim3A_329 : vector<16xf32> to vector<16xf32>
    tpu.vector_store %arg5[%swap3A_330], %swap3A_333 {strides = array<i32>} : memref<256xf32, #tpu.memory_space<vmem>>, vector<16xf32>,
    %mul3A = arith.constant 640 : i32
    %mul3A_334 = arith.muli %arg1, %mul3A : i32
    "tpu.region"() ({
      %run_scoped3A = tpu.sem_alloc : memref<!tpu.dma_semaphore, #tpu.memory_space<semaphore_mem>>
      %dma_start3A = tpu.memref_slice %arg7[%mul3A_334] : memref<10240xf32, #tpu.memory_space<vmem_shared>> -> memref<640xf32, #tpu.memory_space<vmem_shared>>
      %dma_start3A_343 = tpu.memref_slice %arg7[%mul3A_334] : memref<10240xf32, #tpu.memory_space<vmem_shared>> -> memref<640xf32, #tpu.memory_space<vmem_shared>>
      tpu.enqueue_dma source(%arg6 : memref<640xf32, #tpu.memory_space<vmem>>) target(%dma_start3A_343 : memref<640xf32, #tpu.memory_space<vmem_shared>>) target_semaphore(%run_scoped3A : memref<!tpu.dma_semaphore, #tpu.memory_space<semaphore_mem>>)
      %dma_wait3A = tpu.memref_slice %arg7[%mul3A_334] : memref<10240xf32, #tpu.memory_space<vmem_shared>> -> memref<640xf32, #tpu.memory_space<vmem_shared>>
      %dma_wait3A_344 = tpu.memref_slice %arg7[%mul3A_334] : memref<10240xf32, #tpu.memory_space<vmem_shared>> -> memref<640xf32, #tpu.memory_space<vmem_shared>>
      tpu.wait_dma2 semaphore(%run_scoped3A : memref<!tpu.dma_semaphore, #tpu.memory_space<semaphore_mem>>) src(%arg6 : memref<640xf32, #tpu.memory_space<vmem>>) dst(%dma_wait3A_344 : memref<640xf32, #tpu.memory_space<vmem_shared>>)
      tpu.yield
    }) : () -> ()
    %barrier3A = arith.constant 0 : index
    tpu.barrier barrier_id(%barrier3A)
    "tpu.region"() ({
      %run_scoped3A = tpu.sem_alloc : memref<!tpu.dma_semaphore, #tpu.memory_space<semaphore_mem>>
      %dma_start3A = arith.constant 0 : i32
      %dma_start3A_343 = arith.constant 0 : i32
      %dma_start3A_344 = tpu.memref_slice %arg2[%arg1, %dma_start3A, %dma_start3A_343] : memref<16x80x256xi32, #tpu.memory_space<hbm>> -> memref<1x80x256xi32, #tpu.memory_space<hbm>>
      %dma_start3A_345 = tpu.memref_squeeze %dma_start3A_344 : memref<1x80x256xi32, #tpu.memory_space<hbm>> -> memref<80x256xi32, #tpu.memory_space<hbm>>
      %dma_start3A_346 = arith.constant 0 : i32
      %dma_start3A_347 = arith.constant 0 : i32
      %dma_start3A_348 = tpu.memref_slice %arg2[%arg1, %dma_start3A_346, %dma_start3A_347] : memref<16x80x256xi32, #tpu.memory_space<hbm>> -> memref<1x80x256xi32, #tpu.memory_space<hbm>>
      %dma_start3A_349 = tpu.memref_squeeze %dma_start3A_348 : memref<1x80x256xi32, #tpu.memory_space<hbm>> -> memref<80x256xi32, #tpu.memory_space<hbm>>
      tpu.enqueue_dma source(%dma_start3A_349 : memref<80x256xi32, #tpu.memory_space<hbm>>) target(%arg4 : memref<80x256xi32, #tpu.memory_space<vmem>>) target_semaphore(%run_scoped3A : memref<!tpu.dma_semaphore, #tpu.memory_space<semaphore_mem>>)
      %dma_wait3A = arith.constant 0 : i32
      %dma_wait3A_350 = arith.constant 0 : i32
      %dma_wait3A_351 = tpu.memref_slice %arg2[%arg1, %dma_wait3A, %dma_wait3A_350] : memref<16x80x256xi32, #tpu.memory_space<hbm>> -> memref<1x80x256xi32, #tpu.memory_space<hbm>>
      %dma_wait3A_352 = tpu.memref_squeeze %dma_wait3A_351 : memref<1x80x256xi32, #tpu.memory_space<hbm>> -> memref<80x256xi32, #tpu.memory_space<hbm>>
      %dma_wait3A_353 = arith.constant 0 : i32
      %dma_wait3A_354 = arith.constant 0 : i32
      %dma_wait3A_355 = tpu.memref_slice %arg2[%arg1, %dma_wait3A_353, %dma_wait3A_354] : memref<16x80x256xi32, #tpu.memory_space<hbm>> -> memref<1x80x256xi32, #tpu.memory_space<hbm>>
      %dma_wait3A_356 = tpu.memref_squeeze %dma_wait3A_355 : memref<1x80x256xi32, #tpu.memory_space<hbm>> -> memref<80x256xi32, #tpu.memory_space<hbm>>
      tpu.wait_dma2 semaphore(%run_scoped3A : memref<!tpu.dma_semaphore, #tpu.memory_space<semaphore_mem>>) src(%dma_wait3A_356 : memref<80x256xi32, #tpu.memory_space<hbm>>) dst(%arg4 : memref<80x256xi32, #tpu.memory_space<vmem>>)
      tpu.yield
    }) : () -> ()
    %scan3A = arith.constant 0 : i32
    %scan3A_335 = arith.constant 0 : i32
    %scan3A_336 = arith.constant 80 : i32
    %scan3A_337 = arith.addi %scan3A_335, %scan3A_336 : i32
    %scan3A_338 = arith.constant 1 : i32
    scf.for %scan3A_343 = %scan3A_335 to %scan3A_337 step %scan3A_338  : i32 {
      "tpu.region"() ({
        %run_scoped3A = tpu.sem_alloc : memref<!tpu.dma_semaphore, #tpu.memory_space<semaphore_mem>>
        %dma_start3A = arith.constant 0 : i32
        %dma_start3A_344 = tpu.memref_slice %arg4[%scan3A_343, %dma_start3A] : memref<80x256xi32, #tpu.memory_space<vmem>> -> memref<1x256xi32, #tpu.memory_space<vmem>>
        %dma_start3A_345 = tpu.memref_squeeze %dma_start3A_344 : memref<1x256xi32, #tpu.memory_space<vmem>> -> memref<256xi32, #tpu.memory_space<vmem>>
        %dma_start3A_346 = arith.constant 0 : i32
        %dma_start3A_347 = tpu.memref_slice %arg7[%dma_start3A_346] : memref<10240xf32, #tpu.memory_space<vmem_shared>> -> memref<10240xf32, #tpu.memory_space<vmem_shared>>
        tpu.enqueue_indirect_dma source(%arg5 : memref<256xf32, #tpu.memory_space<vmem>>) target(%dma_start3A_347 : memref<10240xf32, #tpu.memory_space<vmem_shared>>) offsets(%dma_start3A_345 : memref<256xi32, #tpu.memory_space<vmem>>) semaphore(%run_scoped3A : memref<!tpu.dma_semaphore, #tpu.memory_space<semaphore_mem>>) {add = true}
        %dma_wait3A = arith.constant 0 : i32
        %dma_wait3A_348 = tpu.memref_slice %arg4[%scan3A_343, %dma_wait3A] : memref<80x256xi32, #tpu.memory_space<vmem>> -> memref<1x256xi32, #tpu.memory_space<vmem>>
        %dma_wait3A_349 = tpu.memref_squeeze %dma_wait3A_348 : memref<1x256xi32, #tpu.memory_space<vmem>> -> memref<256xi32, #tpu.memory_space<vmem>>
        %dma_wait3A_350 = arith.constant 0 : i32
        %dma_wait3A_351 = tpu.memref_slice %arg7[%dma_wait3A_350] : memref<10240xf32, #tpu.memory_space<vmem_shared>> -> memref<10240xf32, #tpu.memory_space<vmem_shared>>
        tpu.wait_indirect_dma semaphore(%run_scoped3A : memref<!tpu.dma_semaphore, #tpu.memory_space<semaphore_mem>>) src(%arg5 : memref<256xf32, #tpu.memory_space<vmem>>) dst(%dma_wait3A_351 : memref<10240xf32, #tpu.memory_space<vmem_shared>>)
        tpu.yield
      }) : () -> ()
    }
    %scan3A_339 = arith.constant 80 : i32
    %barrier3A_340 = arith.constant 0 : index
    tpu.barrier barrier_id(%barrier3A_340)
    %eq3A = arith.constant 0 : i32
    %eq3A_341 = arith.cmpi eq, %arg0, %eq3A : i32
    %convert_element_type3A = arith.extui %eq3A_341 : i1 to i32
    %cond3A = arith.constant 0 : i32
    %cond3A_342 = arith.cmpi ne, %convert_element_type3A, %cond3A : i32
    scf.if %cond3A_342 {
      %mul3A_343 = arith.constant 640 : i32
      %mul3A_344 = arith.muli %arg1, %mul3A_343 : i32
      %mul3A_345 = arith.constant 640 : i32
      %mul3A_346 = arith.muli %arg1, %mul3A_345 : i32
      "tpu.region"() ({
        %run_scoped3A = tpu.sem_alloc : memref<!tpu.dma_semaphore, #tpu.memory_space<semaphore_mem>>
        %dma_start3A = tpu.memref_slice %arg3[%mul3A_346] : memref<10240xf32, #tpu.memory_space<hbm>> -> memref<640xf32, #tpu.memory_space<hbm>>
        %dma_start3A_347 = tpu.memref_slice %arg7[%mul3A_344] : memref<10240xf32, #tpu.memory_space<vmem_shared>> -> memref<640xf32, #tpu.memory_space<vmem_shared>>
        tpu.enqueue_dma source(%dma_start3A_347 : memref<640xf32, #tpu.memory_space<vmem_shared>>) target(%dma_start3A : memref<640xf32, #tpu.memory_space<hbm>>) target_semaphore(%run_scoped3A : memref<!tpu.dma_semaphore, #tpu.memory_space<semaphore_mem>>)
        %dma_wait3A = tpu.memref_slice %arg3[%mul3A_346] : memref<10240xf32, #tpu.memory_space<hbm>> -> memref<640xf32, #tpu.memory_space<hbm>>
        %dma_wait3A_348 = tpu.memref_slice %arg7[%mul3A_344] : memref<10240xf32, #tpu.memory_space<vmem_shared>> -> memref<640xf32, #tpu.memory_space<vmem_shared>>
        tpu.wait_dma2 semaphore(%run_scoped3A : memref<!tpu.dma_semaphore, #tpu.memory_space<semaphore_mem>>) src(%dma_wait3A_348 : memref<640xf32, #tpu.memory_space<vmem_shared>>) dst(%dma_wait3A : memref<640xf32, #tpu.memory_space<hbm>>)
        tpu.yield
      }) : () -> ()
    } else {
    }
    return
  }
}

#map = affine_map<(d0, d1) -> (0, 0)>
#map1 = affine_map<(d0, d1) -> (0, 0, 0)>
module attributes {stable_mosaic.version = 14 : i64} {
  func.func @_scat_body(%arg0: i32, %arg1: i32, %arg2: memref<20000x64xf32, #tpu.memory_space<hbm>>, %arg3: memref<16x80x256xi32, #tpu.memory_space<hbm>>, %arg4: memref<16x80x256xi32, #tpu.memory_space<hbm>>, %arg5: memref<20480x64xf32, #tpu.memory_space<hbm>>, %arg6: memref<80x256xi32, #tpu.memory_space<vmem>>, %arg7: memref<80x256xi32, #tpu.memory_space<vmem>>, %arg8: memref<256x64xf32, #tpu.memory_space<vmem>>, %arg9: memref<256x64xf32, #tpu.memory_space<vmem>>, %arg10: memref<10240x64xf32, #tpu.memory_space<vmem_shared>>, %arg11: memref<!tpu.dma_semaphore, #tpu.memory_space<semaphore_mem>>, %arg12: memref<!tpu.dma_semaphore, #tpu.memory_space<semaphore_mem>>, %arg13: memref<!tpu.dma_semaphore, #tpu.memory_space<semaphore_mem>>, %arg14: memref<!tpu.dma_semaphore, #tpu.memory_space<semaphore_mem>>) attributes {dimension_semantics = [#tpu.dimension_semantics<core_parallel>, #tpu.dimension_semantics<subcore_parallel>], iteration_bounds = array<i64: 2, 16>, scalar_prefetch = 0 : i64, scratch_operands = 9 : i64, tpu.core_type = #tpu.core_type<sc_vector_subcore>, window_params = [{transform_indices = #map}, {transform_indices = #map1}, {transform_indices = #map1}, {transform_indices = #map}]} {
    %scan3A = arith.constant 0 : i32
    %scan3A_0 = arith.constant 0 : i32
    %scan3A_1 = arith.constant 1024 : i32
    %scan3A_2 = arith.addi %scan3A_0, %scan3A_1 : i32
    %scan3A_3 = arith.constant 1 : i32
    scf.for %scan3A_55 = %scan3A_0 to %scan3A_2 step %scan3A_3  : i32 {
      %jit3A = arith.constant 4 : i32
      %div3A = arith.divsi %scan3A_55, %jit3A : i32
      %sign3A = arith.constant 0 : i32
      %sign3A_56 = arith.cmpi sgt, %scan3A_55, %sign3A : i32
      %sign3A_57 = arith.extui %sign3A_56 : i1 to i32
      %sign3A_58 = arith.constant 0 : i32
      %sign3A_59 = arith.cmpi slt, %scan3A_55, %sign3A_58 : i32
      %sign3A_60 = arith.extui %sign3A_59 : i1 to i32
      %sign3A_61 = arith.subi %sign3A_57, %sign3A_60 : i32
      %sign3A_62 = arith.constant 0 : i32
      %sign3A_63 = arith.cmpi sgt, %jit3A, %sign3A_62 : i32
      %sign3A_64 = arith.extui %sign3A_63 : i1 to i32
      %sign3A_65 = arith.constant 0 : i32
      %sign3A_66 = arith.cmpi slt, %jit3A, %sign3A_65 : i32
      %sign3A_67 = arith.extui %sign3A_66 : i1 to i32
      %sign3A_68 = arith.subi %sign3A_64, %sign3A_67 : i32
      %ne3A = arith.cmpi ne, %sign3A_61, %sign3A_68 : i32
      %rem3A = arith.remsi %scan3A_55, %jit3A : i32
      %ne3A_69 = arith.constant 0 : i32
      %ne3A_70 = arith.cmpi ne, %rem3A, %ne3A_69 : i32
      %and3A = arith.andi %ne3A, %ne3A_70 : i1
      %sub3A = arith.constant 1 : i32
      %sub3A_71 = arith.subi %div3A, %sub3A : i32
      %select_n3A = arith.select %and3A, %sub3A_71, %div3A : i32
      %jit3A_72 = arith.constant 4 : i32
      %eq3A = arith.constant 0 : i32
      %eq3A_73 = arith.cmpi eq, %jit3A_72, %eq3A : i32
      %jit3A_74 = arith.constant 1 : i32
      %select_n3A_75 = arith.select %eq3A_73, %jit3A_74, %jit3A_72 : i32
      %rem3A_76 = arith.remsi %scan3A_55, %select_n3A_75 : i32
      %ne3A_77 = arith.constant 0 : i32
      %ne3A_78 = arith.cmpi ne, %rem3A_76, %ne3A_77 : i32
      %lt3A = arith.constant 0 : i32
      %lt3A_79 = arith.cmpi slt, %rem3A_76, %lt3A : i32
      %lt3A_80 = arith.constant 0 : i32
      %lt3A_81 = arith.cmpi slt, %select_n3A_75, %lt3A_80 : i32
      %ne3A_82 = arith.xori %lt3A_79, %lt3A_81 : i1
      %and3A_83 = arith.andi %ne3A_82, %ne3A_78 : i1
      %add3A_84 = arith.addi %rem3A_76, %select_n3A_75 : i32
      %select_n3A_85 = arith.select %and3A_83, %add3A_84, %rem3A_76 : i32
      %broadcast_in_dim3A = arith.constant 0.000000e+00 : f32
      %broadcast_in_dim3A_86 = vector.broadcast %broadcast_in_dim3A : f32 to vector<16xf32>
      %mul3A_87 = arith.constant 16 : i32
      %mul3A_88 = arith.muli %select_n3A_85, %mul3A_87 : i32
      %swap3A = arith.index_cast %select_n3A : i32 to index
      %swap3A_89 = arith.index_cast %mul3A_88 : i32 to index
      %swap3A_90 = tpu.vector_load %arg8[%swap3A, %swap3A_89] {strides = array<i32>} : memref<256x64xf32, #tpu.memory_space<vmem>>, vector<1x16xf32>,
      %swap3A_91 = vector.shape_cast %swap3A_90 : vector<1x16xf32> to vector<16xf32>
      %swap3A_92 = vector.shape_cast %broadcast_in_dim3A_86 : vector<16xf32> to vector<1x16xf32>
      tpu.vector_store %arg8[%swap3A, %swap3A_89], %swap3A_92 {strides = array<i32>} : memref<256x64xf32, #tpu.memory_space<vmem>>, vector<1x16xf32>,
    }
    %scan3A_4 = arith.constant 1024 : i32
    %mul3A = arith.constant 640 : i32
    %mul3A_5 = arith.muli %arg1, %mul3A : i32
    %add3A = arith.constant 0 : i32
    %add3A_6 = arith.addi %mul3A_5, %add3A : i32
    "tpu.region"() ({
      %run_scoped3A = tpu.sem_alloc : memref<!tpu.dma_semaphore, #tpu.memory_space<semaphore_mem>>
      %dma_start3A = arith.constant 0 : i32
      %dma_start3A_55 = arith.constant 0 : i32
      %dma_start3A_56 = tpu.memref_slice %arg8[%dma_start3A, %dma_start3A_55] : memref<256x64xf32, #tpu.memory_space<vmem>> -> memref<128x64xf32, #tpu.memory_space<vmem>>
      %dma_start3A_57 = arith.constant 0 : i32
      %dma_start3A_58 = tpu.memref_slice %arg10[%add3A_6, %dma_start3A_57] : memref<10240x64xf32, #tpu.memory_space<vmem_shared>> -> memref<128x64xf32, #tpu.memory_space<vmem_shared>>
      %dma_start3A_59 = arith.constant 0 : i32
      %dma_start3A_60 = tpu.memref_slice %arg10[%add3A_6, %dma_start3A_59] : memref<10240x64xf32, #tpu.memory_space<vmem_shared>> -> memref<128x64xf32, #tpu.memory_space<vmem_shared>>
      %dma_start3A_61 = arith.constant 0 : i32
      %dma_start3A_62 = arith.constant 0 : i32
      %dma_start3A_63 = tpu.memref_slice %arg8[%dma_start3A_61, %dma_start3A_62] : memref<256x64xf32, #tpu.memory_space<vmem>> -> memref<128x64xf32, #tpu.memory_space<vmem>>
      tpu.enqueue_dma source(%dma_start3A_63 : memref<128x64xf32, #tpu.memory_space<vmem>>) target(%dma_start3A_60 : memref<128x64xf32, #tpu.memory_space<vmem_shared>>) target_semaphore(%run_scoped3A : memref<!tpu.dma_semaphore, #tpu.memory_space<semaphore_mem>>)
      %dma_wait3A = arith.constant 0 : i32
      %dma_wait3A_64 = arith.constant 0 : i32
      %dma_wait3A_65 = tpu.memref_slice %arg8[%dma_wait3A, %dma_wait3A_64] : memref<256x64xf32, #tpu.memory_space<vmem>> -> memref<128x64xf32, #tpu.memory_space<vmem>>
      %dma_wait3A_66 = arith.constant 0 : i32
      %dma_wait3A_67 = tpu.memref_slice %arg10[%add3A_6, %dma_wait3A_66] : memref<10240x64xf32, #tpu.memory_space<vmem_shared>> -> memref<128x64xf32, #tpu.memory_space<vmem_shared>>
      %dma_wait3A_68 = arith.constant 0 : i32
      %dma_wait3A_69 = tpu.memref_slice %arg10[%add3A_6, %dma_wait3A_68] : memref<10240x64xf32, #tpu.memory_space<vmem_shared>> -> memref<128x64xf32, #tpu.memory_space<vmem_shared>>
      %dma_wait3A_70 = arith.constant 0 : i32
      %dma_wait3A_71 = arith.constant 0 : i32
      %dma_wait3A_72 = tpu.memref_slice %arg8[%dma_wait3A_70, %dma_wait3A_71] : memref<256x64xf32, #tpu.memory_space<vmem>> -> memref<128x64xf32, #tpu.memory_space<vmem>>
      tpu.wait_dma2 semaphore(%run_scoped3A : memref<!tpu.dma_semaphore, #tpu.memory_space<semaphore_mem>>) src(%dma_wait3A_72 : memref<128x64xf32, #tpu.memory_space<vmem>>) dst(%dma_wait3A_69 : memref<128x64xf32, #tpu.memory_space<vmem_shared>>)
      tpu.yield
    }) : () -> ()
    %add3A_7 = arith.constant 128 : i32
    %add3A_8 = arith.addi %mul3A_5, %add3A_7 : i32
    "tpu.region"() ({
      %run_scoped3A = tpu.sem_alloc : memref<!tpu.dma_semaphore, #tpu.memory_space<semaphore_mem>>
      %dma_start3A = arith.constant 0 : i32
      %dma_start3A_55 = arith.constant 0 : i32
      %dma_start3A_56 = tpu.memref_slice %arg8[%dma_start3A, %dma_start3A_55] : memref<256x64xf32, #tpu.memory_space<vmem>> -> memref<128x64xf32, #tpu.memory_space<vmem>>
      %dma_start3A_57 = arith.constant 0 : i32
      %dma_start3A_58 = tpu.memref_slice %arg10[%add3A_8, %dma_start3A_57] : memref<10240x64xf32, #tpu.memory_space<vmem_shared>> -> memref<128x64xf32, #tpu.memory_space<vmem_shared>>
      %dma_start3A_59 = arith.constant 0 : i32
      %dma_start3A_60 = tpu.memref_slice %arg10[%add3A_8, %dma_start3A_59] : memref<10240x64xf32, #tpu.memory_space<vmem_shared>> -> memref<128x64xf32, #tpu.memory_space<vmem_shared>>
      %dma_start3A_61 = arith.constant 0 : i32
      %dma_start3A_62 = arith.constant 0 : i32
      %dma_start3A_63 = tpu.memref_slice %arg8[%dma_start3A_61, %dma_start3A_62] : memref<256x64xf32, #tpu.memory_space<vmem>> -> memref<128x64xf32, #tpu.memory_space<vmem>>
      tpu.enqueue_dma source(%dma_start3A_63 : memref<128x64xf32, #tpu.memory_space<vmem>>) target(%dma_start3A_60 : memref<128x64xf32, #tpu.memory_space<vmem_shared>>) target_semaphore(%run_scoped3A : memref<!tpu.dma_semaphore, #tpu.memory_space<semaphore_mem>>)
      %dma_wait3A = arith.constant 0 : i32
      %dma_wait3A_64 = arith.constant 0 : i32
      %dma_wait3A_65 = tpu.memref_slice %arg8[%dma_wait3A, %dma_wait3A_64] : memref<256x64xf32, #tpu.memory_space<vmem>> -> memref<128x64xf32, #tpu.memory_space<vmem>>
      %dma_wait3A_66 = arith.constant 0 : i32
      %dma_wait3A_67 = tpu.memref_slice %arg10[%add3A_8, %dma_wait3A_66] : memref<10240x64xf32, #tpu.memory_space<vmem_shared>> -> memref<128x64xf32, #tpu.memory_space<vmem_shared>>
      %dma_wait3A_68 = arith.constant 0 : i32
      %dma_wait3A_69 = tpu.memref_slice %arg10[%add3A_8, %dma_wait3A_68] : memref<10240x64xf32, #tpu.memory_space<vmem_shared>> -> memref<128x64xf32, #tpu.memory_space<vmem_shared>>
      %dma_wait3A_70 = arith.constant 0 : i32
      %dma_wait3A_71 = arith.constant 0 : i32
      %dma_wait3A_72 = tpu.memref_slice %arg8[%dma_wait3A_70, %dma_wait3A_71] : memref<256x64xf32, #tpu.memory_space<vmem>> -> memref<128x64xf32, #tpu.memory_space<vmem>>
      tpu.wait_dma2 semaphore(%run_scoped3A : memref<!tpu.dma_semaphore, #tpu.memory_space<semaphore_mem>>) src(%dma_wait3A_72 : memref<128x64xf32, #tpu.memory_space<vmem>>) dst(%dma_wait3A_69 : memref<128x64xf32, #tpu.memory_space<vmem_shared>>)
      tpu.yield
    }) : () -> ()
    %add3A_9 = arith.constant 256 : i32
    %add3A_10 = arith.addi %mul3A_5, %add3A_9 : i32
    "tpu.region"() ({
      %run_scoped3A = tpu.sem_alloc : memref<!tpu.dma_semaphore, #tpu.memory_space<semaphore_mem>>
      %dma_start3A = arith.constant 0 : i32
      %dma_start3A_55 = arith.constant 0 : i32
      %dma_start3A_56 = tpu.memref_slice %arg8[%dma_start3A, %dma_start3A_55] : memref<256x64xf32, #tpu.memory_space<vmem>> -> memref<128x64xf32, #tpu.memory_space<vmem>>
      %dma_start3A_57 = arith.constant 0 : i32
      %dma_start3A_58 = tpu.memref_slice %arg10[%add3A_10, %dma_start3A_57] : memref<10240x64xf32, #tpu.memory_space<vmem_shared>> -> memref<128x64xf32, #tpu.memory_space<vmem_shared>>
      %dma_start3A_59 = arith.constant 0 : i32
      %dma_start3A_60 = tpu.memref_slice %arg10[%add3A_10, %dma_start3A_59] : memref<10240x64xf32, #tpu.memory_space<vmem_shared>> -> memref<128x64xf32, #tpu.memory_space<vmem_shared>>
      %dma_start3A_61 = arith.constant 0 : i32
      %dma_start3A_62 = arith.constant 0 : i32
      %dma_start3A_63 = tpu.memref_slice %arg8[%dma_start3A_61, %dma_start3A_62] : memref<256x64xf32, #tpu.memory_space<vmem>> -> memref<128x64xf32, #tpu.memory_space<vmem>>
      tpu.enqueue_dma source(%dma_start3A_63 : memref<128x64xf32, #tpu.memory_space<vmem>>) target(%dma_start3A_60 : memref<128x64xf32, #tpu.memory_space<vmem_shared>>) target_semaphore(%run_scoped3A : memref<!tpu.dma_semaphore, #tpu.memory_space<semaphore_mem>>)
      %dma_wait3A = arith.constant 0 : i32
      %dma_wait3A_64 = arith.constant 0 : i32
      %dma_wait3A_65 = tpu.memref_slice %arg8[%dma_wait3A, %dma_wait3A_64] : memref<256x64xf32, #tpu.memory_space<vmem>> -> memref<128x64xf32, #tpu.memory_space<vmem>>
      %dma_wait3A_66 = arith.constant 0 : i32
      %dma_wait3A_67 = tpu.memref_slice %arg10[%add3A_10, %dma_wait3A_66] : memref<10240x64xf32, #tpu.memory_space<vmem_shared>> -> memref<128x64xf32, #tpu.memory_space<vmem_shared>>
      %dma_wait3A_68 = arith.constant 0 : i32
      %dma_wait3A_69 = tpu.memref_slice %arg10[%add3A_10, %dma_wait3A_68] : memref<10240x64xf32, #tpu.memory_space<vmem_shared>> -> memref<128x64xf32, #tpu.memory_space<vmem_shared>>
      %dma_wait3A_70 = arith.constant 0 : i32
      %dma_wait3A_71 = arith.constant 0 : i32
      %dma_wait3A_72 = tpu.memref_slice %arg8[%dma_wait3A_70, %dma_wait3A_71] : memref<256x64xf32, #tpu.memory_space<vmem>> -> memref<128x64xf32, #tpu.memory_space<vmem>>
      tpu.wait_dma2 semaphore(%run_scoped3A : memref<!tpu.dma_semaphore, #tpu.memory_space<semaphore_mem>>) src(%dma_wait3A_72 : memref<128x64xf32, #tpu.memory_space<vmem>>) dst(%dma_wait3A_69 : memref<128x64xf32, #tpu.memory_space<vmem_shared>>)
      tpu.yield
    }) : () -> ()
    %add3A_11 = arith.constant 384 : i32
    %add3A_12 = arith.addi %mul3A_5, %add3A_11 : i32
    "tpu.region"() ({
      %run_scoped3A = tpu.sem_alloc : memref<!tpu.dma_semaphore, #tpu.memory_space<semaphore_mem>>
      %dma_start3A = arith.constant 0 : i32
      %dma_start3A_55 = arith.constant 0 : i32
      %dma_start3A_56 = tpu.memref_slice %arg8[%dma_start3A, %dma_start3A_55] : memref<256x64xf32, #tpu.memory_space<vmem>> -> memref<128x64xf32, #tpu.memory_space<vmem>>
      %dma_start3A_57 = arith.constant 0 : i32
      %dma_start3A_58 = tpu.memref_slice %arg10[%add3A_12, %dma_start3A_57] : memref<10240x64xf32, #tpu.memory_space<vmem_shared>> -> memref<128x64xf32, #tpu.memory_space<vmem_shared>>
      %dma_start3A_59 = arith.constant 0 : i32
      %dma_start3A_60 = tpu.memref_slice %arg10[%add3A_12, %dma_start3A_59] : memref<10240x64xf32, #tpu.memory_space<vmem_shared>> -> memref<128x64xf32, #tpu.memory_space<vmem_shared>>
      %dma_start3A_61 = arith.constant 0 : i32
      %dma_start3A_62 = arith.constant 0 : i32
      %dma_start3A_63 = tpu.memref_slice %arg8[%dma_start3A_61, %dma_start3A_62] : memref<256x64xf32, #tpu.memory_space<vmem>> -> memref<128x64xf32, #tpu.memory_space<vmem>>
      tpu.enqueue_dma source(%dma_start3A_63 : memref<128x64xf32, #tpu.memory_space<vmem>>) target(%dma_start3A_60 : memref<128x64xf32, #tpu.memory_space<vmem_shared>>) target_semaphore(%run_scoped3A : memref<!tpu.dma_semaphore, #tpu.memory_space<semaphore_mem>>)
      %dma_wait3A = arith.constant 0 : i32
      %dma_wait3A_64 = arith.constant 0 : i32
      %dma_wait3A_65 = tpu.memref_slice %arg8[%dma_wait3A, %dma_wait3A_64] : memref<256x64xf32, #tpu.memory_space<vmem>> -> memref<128x64xf32, #tpu.memory_space<vmem>>
      %dma_wait3A_66 = arith.constant 0 : i32
      %dma_wait3A_67 = tpu.memref_slice %arg10[%add3A_12, %dma_wait3A_66] : memref<10240x64xf32, #tpu.memory_space<vmem_shared>> -> memref<128x64xf32, #tpu.memory_space<vmem_shared>>
      %dma_wait3A_68 = arith.constant 0 : i32
      %dma_wait3A_69 = tpu.memref_slice %arg10[%add3A_12, %dma_wait3A_68] : memref<10240x64xf32, #tpu.memory_space<vmem_shared>> -> memref<128x64xf32, #tpu.memory_space<vmem_shared>>
      %dma_wait3A_70 = arith.constant 0 : i32
      %dma_wait3A_71 = arith.constant 0 : i32
      %dma_wait3A_72 = tpu.memref_slice %arg8[%dma_wait3A_70, %dma_wait3A_71] : memref<256x64xf32, #tpu.memory_space<vmem>> -> memref<128x64xf32, #tpu.memory_space<vmem>>
      tpu.wait_dma2 semaphore(%run_scoped3A : memref<!tpu.dma_semaphore, #tpu.memory_space<semaphore_mem>>) src(%dma_wait3A_72 : memref<128x64xf32, #tpu.memory_space<vmem>>) dst(%dma_wait3A_69 : memref<128x64xf32, #tpu.memory_space<vmem_shared>>)
      tpu.yield
    }) : () -> ()
    %add3A_13 = arith.constant 512 : i32
    %add3A_14 = arith.addi %mul3A_5, %add3A_13 : i32
    "tpu.region"() ({
      %run_scoped3A = tpu.sem_alloc : memref<!tpu.dma_semaphore, #tpu.memory_space<semaphore_mem>>
      %dma_start3A = arith.constant 0 : i32
      %dma_start3A_55 = arith.constant 0 : i32
      %dma_start3A_56 = tpu.memref_slice %arg8[%dma_start3A, %dma_start3A_55] : memref<256x64xf32, #tpu.memory_space<vmem>> -> memref<128x64xf32, #tpu.memory_space<vmem>>
      %dma_start3A_57 = arith.constant 0 : i32
      %dma_start3A_58 = tpu.memref_slice %arg10[%add3A_14, %dma_start3A_57] : memref<10240x64xf32, #tpu.memory_space<vmem_shared>> -> memref<128x64xf32, #tpu.memory_space<vmem_shared>>
      %dma_start3A_59 = arith.constant 0 : i32
      %dma_start3A_60 = tpu.memref_slice %arg10[%add3A_14, %dma_start3A_59] : memref<10240x64xf32, #tpu.memory_space<vmem_shared>> -> memref<128x64xf32, #tpu.memory_space<vmem_shared>>
      %dma_start3A_61 = arith.constant 0 : i32
      %dma_start3A_62 = arith.constant 0 : i32
      %dma_start3A_63 = tpu.memref_slice %arg8[%dma_start3A_61, %dma_start3A_62] : memref<256x64xf32, #tpu.memory_space<vmem>> -> memref<128x64xf32, #tpu.memory_space<vmem>>
      tpu.enqueue_dma source(%dma_start3A_63 : memref<128x64xf32, #tpu.memory_space<vmem>>) target(%dma_start3A_60 : memref<128x64xf32, #tpu.memory_space<vmem_shared>>) target_semaphore(%run_scoped3A : memref<!tpu.dma_semaphore, #tpu.memory_space<semaphore_mem>>)
      %dma_wait3A = arith.constant 0 : i32
      %dma_wait3A_64 = arith.constant 0 : i32
      %dma_wait3A_65 = tpu.memref_slice %arg8[%dma_wait3A, %dma_wait3A_64] : memref<256x64xf32, #tpu.memory_space<vmem>> -> memref<128x64xf32, #tpu.memory_space<vmem>>
      %dma_wait3A_66 = arith.constant 0 : i32
      %dma_wait3A_67 = tpu.memref_slice %arg10[%add3A_14, %dma_wait3A_66] : memref<10240x64xf32, #tpu.memory_space<vmem_shared>> -> memref<128x64xf32, #tpu.memory_space<vmem_shared>>
      %dma_wait3A_68 = arith.constant 0 : i32
      %dma_wait3A_69 = tpu.memref_slice %arg10[%add3A_14, %dma_wait3A_68] : memref<10240x64xf32, #tpu.memory_space<vmem_shared>> -> memref<128x64xf32, #tpu.memory_space<vmem_shared>>
      %dma_wait3A_70 = arith.constant 0 : i32
      %dma_wait3A_71 = arith.constant 0 : i32
      %dma_wait3A_72 = tpu.memref_slice %arg8[%dma_wait3A_70, %dma_wait3A_71] : memref<256x64xf32, #tpu.memory_space<vmem>> -> memref<128x64xf32, #tpu.memory_space<vmem>>
      tpu.wait_dma2 semaphore(%run_scoped3A : memref<!tpu.dma_semaphore, #tpu.memory_space<semaphore_mem>>) src(%dma_wait3A_72 : memref<128x64xf32, #tpu.memory_space<vmem>>) dst(%dma_wait3A_69 : memref<128x64xf32, #tpu.memory_space<vmem_shared>>)
      tpu.yield
    }) : () -> ()
    %barrier3A = arith.constant 0 : index
    tpu.barrier barrier_id(%barrier3A)
    "tpu.region"() ({
      %run_scoped3A = tpu.sem_alloc : memref<!tpu.dma_semaphore, #tpu.memory_space<semaphore_mem>>
      %dma_start3A = arith.constant 0 : i32
      %dma_start3A_55 = arith.constant 0 : i32
      %dma_start3A_56 = tpu.memref_slice %arg3[%arg1, %dma_start3A, %dma_start3A_55] : memref<16x80x256xi32, #tpu.memory_space<hbm>> -> memref<1x80x256xi32, #tpu.memory_space<hbm>>
      %dma_start3A_57 = tpu.memref_squeeze %dma_start3A_56 : memref<1x80x256xi32, #tpu.memory_space<hbm>> -> memref<80x256xi32, #tpu.memory_space<hbm>>
      %dma_start3A_58 = arith.constant 0 : i32
      %dma_start3A_59 = arith.constant 0 : i32
      %dma_start3A_60 = tpu.memref_slice %arg3[%arg1, %dma_start3A_58, %dma_start3A_59] : memref<16x80x256xi32, #tpu.memory_space<hbm>> -> memref<1x80x256xi32, #tpu.memory_space<hbm>>
      %dma_start3A_61 = tpu.memref_squeeze %dma_start3A_60 : memref<1x80x256xi32, #tpu.memory_space<hbm>> -> memref<80x256xi32, #tpu.memory_space<hbm>>
      tpu.enqueue_dma source(%dma_start3A_61 : memref<80x256xi32, #tpu.memory_space<hbm>>) target(%arg6 : memref<80x256xi32, #tpu.memory_space<vmem>>) target_semaphore(%run_scoped3A : memref<!tpu.dma_semaphore, #tpu.memory_space<semaphore_mem>>)
      %dma_wait3A = arith.constant 0 : i32
      %dma_wait3A_62 = arith.constant 0 : i32
      %dma_wait3A_63 = tpu.memref_slice %arg3[%arg1, %dma_wait3A, %dma_wait3A_62] : memref<16x80x256xi32, #tpu.memory_space<hbm>> -> memref<1x80x256xi32, #tpu.memory_space<hbm>>
      %dma_wait3A_64 = tpu.memref_squeeze %dma_wait3A_63 : memref<1x80x256xi32, #tpu.memory_space<hbm>> -> memref<80x256xi32, #tpu.memory_space<hbm>>
      %dma_wait3A_65 = arith.constant 0 : i32
      %dma_wait3A_66 = arith.constant 0 : i32
      %dma_wait3A_67 = tpu.memref_slice %arg3[%arg1, %dma_wait3A_65, %dma_wait3A_66] : memref<16x80x256xi32, #tpu.memory_space<hbm>> -> memref<1x80x256xi32, #tpu.memory_space<hbm>>
      %dma_wait3A_68 = tpu.memref_squeeze %dma_wait3A_67 : memref<1x80x256xi32, #tpu.memory_space<hbm>> -> memref<80x256xi32, #tpu.memory_space<hbm>>
      tpu.wait_dma2 semaphore(%run_scoped3A : memref<!tpu.dma_semaphore, #tpu.memory_space<semaphore_mem>>) src(%dma_wait3A_68 : memref<80x256xi32, #tpu.memory_space<hbm>>) dst(%arg6 : memref<80x256xi32, #tpu.memory_space<vmem>>)
      tpu.yield
    }) : () -> ()
    "tpu.region"() ({
      %run_scoped3A = tpu.sem_alloc : memref<!tpu.dma_semaphore, #tpu.memory_space<semaphore_mem>>
      %dma_start3A = arith.constant 0 : i32
      %dma_start3A_55 = arith.constant 0 : i32
      %dma_start3A_56 = tpu.memref_slice %arg4[%arg1, %dma_start3A, %dma_start3A_55] : memref<16x80x256xi32, #tpu.memory_space<hbm>> -> memref<1x80x256xi32, #tpu.memory_space<hbm>>
      %dma_start3A_57 = tpu.memref_squeeze %dma_start3A_56 : memref<1x80x256xi32, #tpu.memory_space<hbm>> -> memref<80x256xi32, #tpu.memory_space<hbm>>
      %dma_start3A_58 = arith.constant 0 : i32
      %dma_start3A_59 = arith.constant 0 : i32
      %dma_start3A_60 = tpu.memref_slice %arg4[%arg1, %dma_start3A_58, %dma_start3A_59] : memref<16x80x256xi32, #tpu.memory_space<hbm>> -> memref<1x80x256xi32, #tpu.memory_space<hbm>>
      %dma_start3A_61 = tpu.memref_squeeze %dma_start3A_60 : memref<1x80x256xi32, #tpu.memory_space<hbm>> -> memref<80x256xi32, #tpu.memory_space<hbm>>
      tpu.enqueue_dma source(%dma_start3A_61 : memref<80x256xi32, #tpu.memory_space<hbm>>) target(%arg7 : memref<80x256xi32, #tpu.memory_space<vmem>>) target_semaphore(%run_scoped3A : memref<!tpu.dma_semaphore, #tpu.memory_space<semaphore_mem>>)
      %dma_wait3A = arith.constant 0 : i32
      %dma_wait3A_62 = arith.constant 0 : i32
      %dma_wait3A_63 = tpu.memref_slice %arg4[%arg1, %dma_wait3A, %dma_wait3A_62] : memref<16x80x256xi32, #tpu.memory_space<hbm>> -> memref<1x80x256xi32, #tpu.memory_space<hbm>>
      %dma_wait3A_64 = tpu.memref_squeeze %dma_wait3A_63 : memref<1x80x256xi32, #tpu.memory_space<hbm>> -> memref<80x256xi32, #tpu.memory_space<hbm>>
      %dma_wait3A_65 = arith.constant 0 : i32
      %dma_wait3A_66 = arith.constant 0 : i32
      %dma_wait3A_67 = tpu.memref_slice %arg4[%arg1, %dma_wait3A_65, %dma_wait3A_66] : memref<16x80x256xi32, #tpu.memory_space<hbm>> -> memref<1x80x256xi32, #tpu.memory_space<hbm>>
      %dma_wait3A_68 = tpu.memref_squeeze %dma_wait3A_67 : memref<1x80x256xi32, #tpu.memory_space<hbm>> -> memref<80x256xi32, #tpu.memory_space<hbm>>
      tpu.wait_dma2 semaphore(%run_scoped3A : memref<!tpu.dma_semaphore, #tpu.memory_space<semaphore_mem>>) src(%dma_wait3A_68 : memref<80x256xi32, #tpu.memory_space<hbm>>) dst(%arg7 : memref<80x256xi32, #tpu.memory_space<vmem>>)
      tpu.yield
    }) : () -> ()
    %mul3A_15 = arith.constant 10000 : i32
    %mul3A_16 = arith.muli %arg0, %mul3A_15 : i32
    %scan3A_17 = arith.constant 0 : i32
    %scan3A_18 = arith.constant 0 : i32
    %scan3A_19 = arith.constant 1280 : i32
    %scan3A_20 = arith.addi %scan3A_18, %scan3A_19 : i32
    %scan3A_21 = arith.constant 1 : i32
    scf.for %scan3A_55 = %scan3A_18 to %scan3A_20 step %scan3A_21  : i32 {
      %jit3A = arith.constant 16 : i32
      %div3A = arith.divsi %scan3A_55, %jit3A : i32
      %sign3A = arith.constant 0 : i32
      %sign3A_56 = arith.cmpi sgt, %scan3A_55, %sign3A : i32
      %sign3A_57 = arith.extui %sign3A_56 : i1 to i32
      %sign3A_58 = arith.constant 0 : i32
      %sign3A_59 = arith.cmpi slt, %scan3A_55, %sign3A_58 : i32
      %sign3A_60 = arith.extui %sign3A_59 : i1 to i32
      %sign3A_61 = arith.subi %sign3A_57, %sign3A_60 : i32
      %sign3A_62 = arith.constant 0 : i32
      %sign3A_63 = arith.cmpi sgt, %jit3A, %sign3A_62 : i32
      %sign3A_64 = arith.extui %sign3A_63 : i1 to i32
      %sign3A_65 = arith.constant 0 : i32
      %sign3A_66 = arith.cmpi slt, %jit3A, %sign3A_65 : i32
      %sign3A_67 = arith.extui %sign3A_66 : i1 to i32
      %sign3A_68 = arith.subi %sign3A_64, %sign3A_67 : i32
      %ne3A = arith.cmpi ne, %sign3A_61, %sign3A_68 : i32
      %rem3A = arith.remsi %scan3A_55, %jit3A : i32
      %ne3A_69 = arith.constant 0 : i32
      %ne3A_70 = arith.cmpi ne, %rem3A, %ne3A_69 : i32
      %and3A = arith.andi %ne3A, %ne3A_70 : i1
      %sub3A = arith.constant 1 : i32
      %sub3A_71 = arith.subi %div3A, %sub3A : i32
      %select_n3A = arith.select %and3A, %sub3A_71, %div3A : i32
      %jit3A_72 = arith.constant 16 : i32
      %eq3A = arith.constant 0 : i32
      %eq3A_73 = arith.cmpi eq, %jit3A_72, %eq3A : i32
      %jit3A_74 = arith.constant 1 : i32
      %select_n3A_75 = arith.select %eq3A_73, %jit3A_74, %jit3A_72 : i32
      %rem3A_76 = arith.remsi %scan3A_55, %select_n3A_75 : i32
      %ne3A_77 = arith.constant 0 : i32
      %ne3A_78 = arith.cmpi ne, %rem3A_76, %ne3A_77 : i32
      %lt3A = arith.constant 0 : i32
      %lt3A_79 = arith.cmpi slt, %rem3A_76, %lt3A : i32
      %lt3A_80 = arith.constant 0 : i32
      %lt3A_81 = arith.cmpi slt, %select_n3A_75, %lt3A_80 : i32
      %ne3A_82 = arith.xori %lt3A_79, %lt3A_81 : i1
      %and3A_83 = arith.andi %ne3A_82, %ne3A_78 : i1
      %add3A_84 = arith.addi %rem3A_76, %select_n3A_75 : i32
      %select_n3A_85 = arith.select %and3A_83, %add3A_84, %rem3A_76 : i32
      %mul3A_86 = arith.constant 16 : i32
      %mul3A_87 = arith.muli %select_n3A_85, %mul3A_86 : i32
      %get3A = arith.index_cast %select_n3A : i32 to index
      %get3A_88 = arith.index_cast %mul3A_87 : i32 to index
      %get3A_89 = tpu.vector_load %arg6[%get3A, %get3A_88] {strides = array<i32>} : memref<80x256xi32, #tpu.memory_space<vmem>>, vector<1x16xi32>,
      %get3A_90 = vector.shape_cast %get3A_89 : vector<1x16xi32> to vector<16xi32>
      %add3A_91 = vector.broadcast %mul3A_16 : i32 to vector<16xi32>
      %add3A_92 = arith.addi %get3A_90, %add3A_91 : vector<16xi32>
      %mul3A_93 = arith.constant 16 : i32
      %mul3A_94 = arith.muli %select_n3A_85, %mul3A_93 : i32
      %swap3A = arith.index_cast %select_n3A : i32 to index
      %swap3A_95 = arith.index_cast %mul3A_94 : i32 to index
      %swap3A_96 = tpu.vector_load %arg6[%swap3A, %swap3A_95] {strides = array<i32>} : memref<80x256xi32, #tpu.memory_space<vmem>>, vector<1x16xi32>,
      %swap3A_97 = vector.shape_cast %swap3A_96 : vector<1x16xi32> to vector<16xi32>
      %swap3A_98 = vector.shape_cast %add3A_92 : vector<16xi32> to vector<1x16xi32>
      tpu.vector_store %arg6[%swap3A, %swap3A_95], %swap3A_98 {strides = array<i32>} : memref<80x256xi32, #tpu.memory_space<vmem>>, vector<1x16xi32>,
    }
    %scan3A_22 = arith.constant 1280 : i32
    %scan3A_23 = arith.constant 0 : i32
    %scan3A_24 = arith.constant 0 : i32
    %scan3A_25 = arith.constant 40 : i32
    %scan3A_26 = arith.addi %scan3A_24, %scan3A_25 : i32
    %scan3A_27 = arith.constant 1 : i32
    scf.for %scan3A_55 = %scan3A_24 to %scan3A_26 step %scan3A_27  : i32 {
      %mul3A_56 = arith.constant 2 : i32
      %mul3A_57 = arith.muli %mul3A_56, %scan3A_55 : i32
      %dma_start3A = arith.constant 0 : i32
      %dma_start3A_58 = tpu.memref_slice %arg6[%mul3A_57, %dma_start3A] : memref<80x256xi32, #tpu.memory_space<vmem>> -> memref<1x256xi32, #tpu.memory_space<vmem>>
      %dma_start3A_59 = tpu.memref_squeeze %dma_start3A_58 : memref<1x256xi32, #tpu.memory_space<vmem>> -> memref<256xi32, #tpu.memory_space<vmem>>
      %dma_start3A_60 = arith.constant 0 : i32
      %dma_start3A_61 = arith.constant 0 : i32
      %dma_start3A_62 = tpu.memref_slice %arg2[%dma_start3A_60, %dma_start3A_61] : memref<20000x64xf32, #tpu.memory_space<hbm>> -> memref<20000x64xf32, #tpu.memory_space<hbm>>
      tpu.enqueue_indirect_dma source(%dma_start3A_62 : memref<20000x64xf32, #tpu.memory_space<hbm>>) target(%arg8 : memref<256x64xf32, #tpu.memory_space<vmem>>) offsets(%dma_start3A_59 : memref<256xi32, #tpu.memory_space<vmem>>) semaphore(%arg11 : memref<!tpu.dma_semaphore, #tpu.memory_space<semaphore_mem>>)
      %mul3A_63 = arith.constant 2 : i32
      %mul3A_64 = arith.muli %mul3A_63, %scan3A_55 : i32
      %add3A_65 = arith.constant 1 : i32
      %add3A_66 = arith.addi %mul3A_64, %add3A_65 : i32
      %dma_start3A_67 = arith.constant 0 : i32
      %dma_start3A_68 = tpu.memref_slice %arg6[%add3A_66, %dma_start3A_67] : memref<80x256xi32, #tpu.memory_space<vmem>> -> memref<1x256xi32, #tpu.memory_space<vmem>>
      %dma_start3A_69 = tpu.memref_squeeze %dma_start3A_68 : memref<1x256xi32, #tpu.memory_space<vmem>> -> memref<256xi32, #tpu.memory_space<vmem>>
      %dma_start3A_70 = arith.constant 0 : i32
      %dma_start3A_71 = arith.constant 0 : i32
      %dma_start3A_72 = tpu.memref_slice %arg2[%dma_start3A_70, %dma_start3A_71] : memref<20000x64xf32, #tpu.memory_space<hbm>> -> memref<20000x64xf32, #tpu.memory_space<hbm>>
      tpu.enqueue_indirect_dma source(%dma_start3A_72 : memref<20000x64xf32, #tpu.memory_space<hbm>>) target(%arg9 : memref<256x64xf32, #tpu.memory_space<vmem>>) offsets(%dma_start3A_69 : memref<256xi32, #tpu.memory_space<vmem>>) semaphore(%arg12 : memref<!tpu.dma_semaphore, #tpu.memory_space<semaphore_mem>>)
      %dma_wait3A = arith.constant 0 : i32
      %dma_wait3A_73 = tpu.memref_slice %arg6[%mul3A_57, %dma_wait3A] : memref<80x256xi32, #tpu.memory_space<vmem>> -> memref<1x256xi32, #tpu.memory_space<vmem>>
      %dma_wait3A_74 = tpu.memref_squeeze %dma_wait3A_73 : memref<1x256xi32, #tpu.memory_space<vmem>> -> memref<256xi32, #tpu.memory_space<vmem>>
      %dma_wait3A_75 = arith.constant 0 : i32
      %dma_wait3A_76 = arith.constant 0 : i32
      %dma_wait3A_77 = tpu.memref_slice %arg2[%dma_wait3A_75, %dma_wait3A_76] : memref<20000x64xf32, #tpu.memory_space<hbm>> -> memref<20000x64xf32, #tpu.memory_space<hbm>>
      tpu.wait_indirect_dma semaphore(%arg11 : memref<!tpu.dma_semaphore, #tpu.memory_space<semaphore_mem>>) src(%dma_wait3A_77 : memref<20000x64xf32, #tpu.memory_space<hbm>>) dst(%arg8 : memref<256x64xf32, #tpu.memory_space<vmem>>)
      %mul3A_78 = arith.constant 2 : i32
      %mul3A_79 = arith.muli %mul3A_78, %scan3A_55 : i32
      %dma_start3A_80 = arith.constant 0 : i32
      %dma_start3A_81 = tpu.memref_slice %arg7[%mul3A_79, %dma_start3A_80] : memref<80x256xi32, #tpu.memory_space<vmem>> -> memref<1x256xi32, #tpu.memory_space<vmem>>
      %dma_start3A_82 = tpu.memref_squeeze %dma_start3A_81 : memref<1x256xi32, #tpu.memory_space<vmem>> -> memref<256xi32, #tpu.memory_space<vmem>>
      %dma_start3A_83 = arith.constant 0 : i32
      %dma_start3A_84 = arith.constant 0 : i32
      %dma_start3A_85 = tpu.memref_slice %arg10[%dma_start3A_83, %dma_start3A_84] : memref<10240x64xf32, #tpu.memory_space<vmem_shared>> -> memref<10240x64xf32, #tpu.memory_space<vmem_shared>>
      tpu.enqueue_indirect_dma source(%arg8 : memref<256x64xf32, #tpu.memory_space<vmem>>) target(%dma_start3A_85 : memref<10240x64xf32, #tpu.memory_space<vmem_shared>>) offsets(%dma_start3A_82 : memref<256xi32, #tpu.memory_space<vmem>>) semaphore(%arg13 : memref<!tpu.dma_semaphore, #tpu.memory_space<semaphore_mem>>) {add = true}
      %dma_wait3A_86 = arith.constant 0 : i32
      %dma_wait3A_87 = tpu.memref_slice %arg6[%add3A_66, %dma_wait3A_86] : memref<80x256xi32, #tpu.memory_space<vmem>> -> memref<1x256xi32, #tpu.memory_space<vmem>>
      %dma_wait3A_88 = tpu.memref_squeeze %dma_wait3A_87 : memref<1x256xi32, #tpu.memory_space<vmem>> -> memref<256xi32, #tpu.memory_space<vmem>>
      %dma_wait3A_89 = arith.constant 0 : i32
      %dma_wait3A_90 = arith.constant 0 : i32
      %dma_wait3A_91 = tpu.memref_slice %arg2[%dma_wait3A_89, %dma_wait3A_90] : memref<20000x64xf32, #tpu.memory_space<hbm>> -> memref<20000x64xf32, #tpu.memory_space<hbm>>
      tpu.wait_indirect_dma semaphore(%arg12 : memref<!tpu.dma_semaphore, #tpu.memory_space<semaphore_mem>>) src(%dma_wait3A_91 : memref<20000x64xf32, #tpu.memory_space<hbm>>) dst(%arg9 : memref<256x64xf32, #tpu.memory_space<vmem>>)
      %mul3A_92 = arith.constant 2 : i32
      %mul3A_93 = arith.muli %mul3A_92, %scan3A_55 : i32
      %add3A_94 = arith.constant 1 : i32
      %add3A_95 = arith.addi %mul3A_93, %add3A_94 : i32
      %dma_start3A_96 = arith.constant 0 : i32
      %dma_start3A_97 = tpu.memref_slice %arg7[%add3A_95, %dma_start3A_96] : memref<80x256xi32, #tpu.memory_space<vmem>> -> memref<1x256xi32, #tpu.memory_space<vmem>>
      %dma_start3A_98 = tpu.memref_squeeze %dma_start3A_97 : memref<1x256xi32, #tpu.memory_space<vmem>> -> memref<256xi32, #tpu.memory_space<vmem>>
      %dma_start3A_99 = arith.constant 0 : i32
      %dma_start3A_100 = arith.constant 0 : i32
      %dma_start3A_101 = tpu.memref_slice %arg10[%dma_start3A_99, %dma_start3A_100] : memref<10240x64xf32, #tpu.memory_space<vmem_shared>> -> memref<10240x64xf32, #tpu.memory_space<vmem_shared>>
      tpu.enqueue_indirect_dma source(%arg9 : memref<256x64xf32, #tpu.memory_space<vmem>>) target(%dma_start3A_101 : memref<10240x64xf32, #tpu.memory_space<vmem_shared>>) offsets(%dma_start3A_98 : memref<256xi32, #tpu.memory_space<vmem>>) semaphore(%arg14 : memref<!tpu.dma_semaphore, #tpu.memory_space<semaphore_mem>>) {add = true}
      %dma_wait3A_102 = arith.constant 0 : i32
      %dma_wait3A_103 = tpu.memref_slice %arg7[%mul3A_79, %dma_wait3A_102] : memref<80x256xi32, #tpu.memory_space<vmem>> -> memref<1x256xi32, #tpu.memory_space<vmem>>
      %dma_wait3A_104 = tpu.memref_squeeze %dma_wait3A_103 : memref<1x256xi32, #tpu.memory_space<vmem>> -> memref<256xi32, #tpu.memory_space<vmem>>
      %dma_wait3A_105 = arith.constant 0 : i32
      %dma_wait3A_106 = arith.constant 0 : i32
      %dma_wait3A_107 = tpu.memref_slice %arg10[%dma_wait3A_105, %dma_wait3A_106] : memref<10240x64xf32, #tpu.memory_space<vmem_shared>> -> memref<10240x64xf32, #tpu.memory_space<vmem_shared>>
      tpu.wait_indirect_dma semaphore(%arg13 : memref<!tpu.dma_semaphore, #tpu.memory_space<semaphore_mem>>) src(%arg8 : memref<256x64xf32, #tpu.memory_space<vmem>>) dst(%dma_wait3A_107 : memref<10240x64xf32, #tpu.memory_space<vmem_shared>>)
      %dma_wait3A_108 = arith.constant 0 : i32
      %dma_wait3A_109 = tpu.memref_slice %arg7[%add3A_95, %dma_wait3A_108] : memref<80x256xi32, #tpu.memory_space<vmem>> -> memref<1x256xi32, #tpu.memory_space<vmem>>
      %dma_wait3A_110 = tpu.memref_squeeze %dma_wait3A_109 : memref<1x256xi32, #tpu.memory_space<vmem>> -> memref<256xi32, #tpu.memory_space<vmem>>
      %dma_wait3A_111 = arith.constant 0 : i32
      %dma_wait3A_112 = arith.constant 0 : i32
      %dma_wait3A_113 = tpu.memref_slice %arg10[%dma_wait3A_111, %dma_wait3A_112] : memref<10240x64xf32, #tpu.memory_space<vmem_shared>> -> memref<10240x64xf32, #tpu.memory_space<vmem_shared>>
      tpu.wait_indirect_dma semaphore(%arg14 : memref<!tpu.dma_semaphore, #tpu.memory_space<semaphore_mem>>) src(%arg9 : memref<256x64xf32, #tpu.memory_space<vmem>>) dst(%dma_wait3A_113 : memref<10240x64xf32, #tpu.memory_space<vmem_shared>>)
    }
    %scan3A_28 = arith.constant 40 : i32
    %barrier3A_29 = arith.constant 0 : index
    tpu.barrier barrier_id(%barrier3A_29)
    %mul3A_30 = arith.constant 10240 : i32
    %mul3A_31 = arith.muli %arg0, %mul3A_30 : i32
    %mul3A_32 = arith.constant 640 : i32
    %mul3A_33 = arith.muli %arg1, %mul3A_32 : i32
    %add3A_34 = arith.addi %mul3A_31, %mul3A_33 : i32
    %add3A_35 = arith.constant 0 : i32
    %add3A_36 = arith.addi %mul3A_5, %add3A_35 : i32
    %add3A_37 = arith.constant 0 : i32
    %add3A_38 = arith.addi %add3A_34, %add3A_37 : i32
    "tpu.region"() ({
      %run_scoped3A = tpu.sem_alloc : memref<!tpu.dma_semaphore, #tpu.memory_space<semaphore_mem>>
      %dma_start3A = arith.constant 0 : i32
      %dma_start3A_55 = tpu.memref_slice %arg5[%add3A_38, %dma_start3A] : memref<20480x64xf32, #tpu.memory_space<hbm>> -> memref<128x64xf32, #tpu.memory_space<hbm>>
      %dma_start3A_56 = arith.constant 0 : i32
      %dma_start3A_57 = tpu.memref_slice %arg10[%add3A_36, %dma_start3A_56] : memref<10240x64xf32, #tpu.memory_space<vmem_shared>> -> memref<128x64xf32, #tpu.memory_space<vmem_shared>>
      tpu.enqueue_dma source(%dma_start3A_57 : memref<128x64xf32, #tpu.memory_space<vmem_shared>>) target(%dma_start3A_55 : memref<128x64xf32, #tpu.memory_space<hbm>>) target_semaphore(%run_scoped3A : memref<!tpu.dma_semaphore, #tpu.memory_space<semaphore_mem>>)
      %dma_wait3A = arith.constant 0 : i32
      %dma_wait3A_58 = tpu.memref_slice %arg5[%add3A_38, %dma_wait3A] : memref<20480x64xf32, #tpu.memory_space<hbm>> -> memref<128x64xf32, #tpu.memory_space<hbm>>
      %dma_wait3A_59 = arith.constant 0 : i32
      %dma_wait3A_60 = tpu.memref_slice %arg10[%add3A_36, %dma_wait3A_59] : memref<10240x64xf32, #tpu.memory_space<vmem_shared>> -> memref<128x64xf32, #tpu.memory_space<vmem_shared>>
      tpu.wait_dma2 semaphore(%run_scoped3A : memref<!tpu.dma_semaphore, #tpu.memory_space<semaphore_mem>>) src(%dma_wait3A_60 : memref<128x64xf32, #tpu.memory_space<vmem_shared>>) dst(%dma_wait3A_58 : memref<128x64xf32, #tpu.memory_space<hbm>>)
      tpu.yield
    }) : () -> ()
    %add3A_39 = arith.constant 128 : i32
    %add3A_40 = arith.addi %mul3A_5, %add3A_39 : i32
    %add3A_41 = arith.constant 128 : i32
    %add3A_42 = arith.addi %add3A_34, %add3A_41 : i32
    "tpu.region"() ({
      %run_scoped3A = tpu.sem_alloc : memref<!tpu.dma_semaphore, #tpu.memory_space<semaphore_mem>>
      %dma_start3A = arith.constant 0 : i32
      %dma_start3A_55 = tpu.memref_slice %arg5[%add3A_42, %dma_start3A] : memref<20480x64xf32, #tpu.memory_space<hbm>> -> memref<128x64xf32, #tpu.memory_space<hbm>>
      %dma_start3A_56 = arith.constant 0 : i32
      %dma_start3A_57 = tpu.memref_slice %arg10[%add3A_40, %dma_start3A_56] : memref<10240x64xf32, #tpu.memory_space<vmem_shared>> -> memref<128x64xf32, #tpu.memory_space<vmem_shared>>
      tpu.enqueue_dma source(%dma_start3A_57 : memref<128x64xf32, #tpu.memory_space<vmem_shared>>) target(%dma_start3A_55 : memref<128x64xf32, #tpu.memory_space<hbm>>) target_semaphore(%run_scoped3A : memref<!tpu.dma_semaphore, #tpu.memory_space<semaphore_mem>>)
      %dma_wait3A = arith.constant 0 : i32
      %dma_wait3A_58 = tpu.memref_slice %arg5[%add3A_42, %dma_wait3A] : memref<20480x64xf32, #tpu.memory_space<hbm>> -> memref<128x64xf32, #tpu.memory_space<hbm>>
      %dma_wait3A_59 = arith.constant 0 : i32
      %dma_wait3A_60 = tpu.memref_slice %arg10[%add3A_40, %dma_wait3A_59] : memref<10240x64xf32, #tpu.memory_space<vmem_shared>> -> memref<128x64xf32, #tpu.memory_space<vmem_shared>>
      tpu.wait_dma2 semaphore(%run_scoped3A : memref<!tpu.dma_semaphore, #tpu.memory_space<semaphore_mem>>) src(%dma_wait3A_60 : memref<128x64xf32, #tpu.memory_space<vmem_shared>>) dst(%dma_wait3A_58 : memref<128x64xf32, #tpu.memory_space<hbm>>)
      tpu.yield
    }) : () -> ()
    %add3A_43 = arith.constant 256 : i32
    %add3A_44 = arith.addi %mul3A_5, %add3A_43 : i32
    %add3A_45 = arith.constant 256 : i32
    %add3A_46 = arith.addi %add3A_34, %add3A_45 : i32
    "tpu.region"() ({
      %run_scoped3A = tpu.sem_alloc : memref<!tpu.dma_semaphore, #tpu.memory_space<semaphore_mem>>
      %dma_start3A = arith.constant 0 : i32
      %dma_start3A_55 = tpu.memref_slice %arg5[%add3A_46, %dma_start3A] : memref<20480x64xf32, #tpu.memory_space<hbm>> -> memref<128x64xf32, #tpu.memory_space<hbm>>
      %dma_start3A_56 = arith.constant 0 : i32
      %dma_start3A_57 = tpu.memref_slice %arg10[%add3A_44, %dma_start3A_56] : memref<10240x64xf32, #tpu.memory_space<vmem_shared>> -> memref<128x64xf32, #tpu.memory_space<vmem_shared>>
      tpu.enqueue_dma source(%dma_start3A_57 : memref<128x64xf32, #tpu.memory_space<vmem_shared>>) target(%dma_start3A_55 : memref<128x64xf32, #tpu.memory_space<hbm>>) target_semaphore(%run_scoped3A : memref<!tpu.dma_semaphore, #tpu.memory_space<semaphore_mem>>)
      %dma_wait3A = arith.constant 0 : i32
      %dma_wait3A_58 = tpu.memref_slice %arg5[%add3A_46, %dma_wait3A] : memref<20480x64xf32, #tpu.memory_space<hbm>> -> memref<128x64xf32, #tpu.memory_space<hbm>>
      %dma_wait3A_59 = arith.constant 0 : i32
      %dma_wait3A_60 = tpu.memref_slice %arg10[%add3A_44, %dma_wait3A_59] : memref<10240x64xf32, #tpu.memory_space<vmem_shared>> -> memref<128x64xf32, #tpu.memory_space<vmem_shared>>
      tpu.wait_dma2 semaphore(%run_scoped3A : memref<!tpu.dma_semaphore, #tpu.memory_space<semaphore_mem>>) src(%dma_wait3A_60 : memref<128x64xf32, #tpu.memory_space<vmem_shared>>) dst(%dma_wait3A_58 : memref<128x64xf32, #tpu.memory_space<hbm>>)
      tpu.yield
    }) : () -> ()
    %add3A_47 = arith.constant 384 : i32
    %add3A_48 = arith.addi %mul3A_5, %add3A_47 : i32
    %add3A_49 = arith.constant 384 : i32
    %add3A_50 = arith.addi %add3A_34, %add3A_49 : i32
    "tpu.region"() ({
      %run_scoped3A = tpu.sem_alloc : memref<!tpu.dma_semaphore, #tpu.memory_space<semaphore_mem>>
      %dma_start3A = arith.constant 0 : i32
      %dma_start3A_55 = tpu.memref_slice %arg5[%add3A_50, %dma_start3A] : memref<20480x64xf32, #tpu.memory_space<hbm>> -> memref<128x64xf32, #tpu.memory_space<hbm>>
      %dma_start3A_56 = arith.constant 0 : i32
      %dma_start3A_57 = tpu.memref_slice %arg10[%add3A_48, %dma_start3A_56] : memref<10240x64xf32, #tpu.memory_space<vmem_shared>> -> memref<128x64xf32, #tpu.memory_space<vmem_shared>>
      tpu.enqueue_dma source(%dma_start3A_57 : memref<128x64xf32, #tpu.memory_space<vmem_shared>>) target(%dma_start3A_55 : memref<128x64xf32, #tpu.memory_space<hbm>>) target_semaphore(%run_scoped3A : memref<!tpu.dma_semaphore, #tpu.memory_space<semaphore_mem>>)
      %dma_wait3A = arith.constant 0 : i32
      %dma_wait3A_58 = tpu.memref_slice %arg5[%add3A_50, %dma_wait3A] : memref<20480x64xf32, #tpu.memory_space<hbm>> -> memref<128x64xf32, #tpu.memory_space<hbm>>
      %dma_wait3A_59 = arith.constant 0 : i32
      %dma_wait3A_60 = tpu.memref_slice %arg10[%add3A_48, %dma_wait3A_59] : memref<10240x64xf32, #tpu.memory_space<vmem_shared>> -> memref<128x64xf32, #tpu.memory_space<vmem_shared>>
      tpu.wait_dma2 semaphore(%run_scoped3A : memref<!tpu.dma_semaphore, #tpu.memory_space<semaphore_mem>>) src(%dma_wait3A_60 : memref<128x64xf32, #tpu.memory_space<vmem_shared>>) dst(%dma_wait3A_58 : memref<128x64xf32, #tpu.memory_space<hbm>>)
      tpu.yield
    }) : () -> ()
    %add3A_51 = arith.constant 512 : i32
    %add3A_52 = arith.addi %mul3A_5, %add3A_51 : i32
    %add3A_53 = arith.constant 512 : i32
    %add3A_54 = arith.addi %add3A_34, %add3A_53 : i32
    "tpu.region"() ({
      %run_scoped3A = tpu.sem_alloc : memref<!tpu.dma_semaphore, #tpu.memory_space<semaphore_mem>>
      %dma_start3A = arith.constant 0 : i32
      %dma_start3A_55 = tpu.memref_slice %arg5[%add3A_54, %dma_start3A] : memref<20480x64xf32, #tpu.memory_space<hbm>> -> memref<128x64xf32, #tpu.memory_space<hbm>>
      %dma_start3A_56 = arith.constant 0 : i32
      %dma_start3A_57 = tpu.memref_slice %arg10[%add3A_52, %dma_start3A_56] : memref<10240x64xf32, #tpu.memory_space<vmem_shared>> -> memref<128x64xf32, #tpu.memory_space<vmem_shared>>
      tpu.enqueue_dma source(%dma_start3A_57 : memref<128x64xf32, #tpu.memory_space<vmem_shared>>) target(%dma_start3A_55 : memref<128x64xf32, #tpu.memory_space<hbm>>) target_semaphore(%run_scoped3A : memref<!tpu.dma_semaphore, #tpu.memory_space<semaphore_mem>>)
      %dma_wait3A = arith.constant 0 : i32
      %dma_wait3A_58 = tpu.memref_slice %arg5[%add3A_54, %dma_wait3A] : memref<20480x64xf32, #tpu.memory_space<hbm>> -> memref<128x64xf32, #tpu.memory_space<hbm>>
      %dma_wait3A_59 = arith.constant 0 : i32
      %dma_wait3A_60 = tpu.memref_slice %arg10[%add3A_52, %dma_wait3A_59] : memref<10240x64xf32, #tpu.memory_space<vmem_shared>> -> memref<128x64xf32, #tpu.memory_space<vmem_shared>>
      tpu.wait_dma2 semaphore(%run_scoped3A : memref<!tpu.dma_semaphore, #tpu.memory_space<semaphore_mem>>) src(%dma_wait3A_60 : memref<128x64xf32, #tpu.memory_space<vmem_shared>>) dst(%dma_wait3A_58 : memref<128x64xf32, #tpu.memory_space<hbm>>)
      tpu.yield
    }) : () -> ()
    return
  }
}

#map = affine_map<(d0, d1) -> (0, 0)>
#map1 = affine_map<(d0, d1) -> (0, 0, 0)>
module attributes {stable_mosaic.version = 14 : i64} {
  func.func @_scat_body(%arg0: i32, %arg1: i32, %arg2: memref<20000x64xf32, #tpu.memory_space<hbm>>, %arg3: memref<16x80x256xi32, #tpu.memory_space<hbm>>, %arg4: memref<16x80x256xi32, #tpu.memory_space<hbm>>, %arg5: memref<20480x64xf32, #tpu.memory_space<hbm>>, %arg6: memref<80x256xi32, #tpu.memory_space<vmem>>, %arg7: memref<80x256xi32, #tpu.memory_space<vmem>>, %arg8: memref<256x64xf32, #tpu.memory_space<vmem>>, %arg9: memref<256x64xf32, #tpu.memory_space<vmem>>, %arg10: memref<10240x64xf32, #tpu.memory_space<vmem_shared>>, %arg11: memref<!tpu.dma_semaphore, #tpu.memory_space<semaphore_mem>>, %arg12: memref<!tpu.dma_semaphore, #tpu.memory_space<semaphore_mem>>, %arg13: memref<!tpu.dma_semaphore, #tpu.memory_space<semaphore_mem>>, %arg14: memref<!tpu.dma_semaphore, #tpu.memory_space<semaphore_mem>>) attributes {dimension_semantics = [#tpu.dimension_semantics<core_parallel>, #tpu.dimension_semantics<subcore_parallel>], iteration_bounds = array<i64: 2, 16>, scalar_prefetch = 0 : i64, scratch_operands = 9 : i64, tpu.core_type = #tpu.core_type<sc_vector_subcore>, window_params = [{transform_indices = #map}, {transform_indices = #map1}, {transform_indices = #map1}, {transform_indices = #map}]} {
    %scan3A = arith.constant 0 : i32
    %scan3A_0 = arith.constant 0 : i32
    %scan3A_1 = arith.constant 1024 : i32
    %scan3A_2 = arith.addi %scan3A_0, %scan3A_1 : i32
    %scan3A_3 = arith.constant 1 : i32
    scf.for %scan3A_55 = %scan3A_0 to %scan3A_2 step %scan3A_3  : i32 {
      %jit3A = arith.constant 4 : i32
      %div3A = arith.divsi %scan3A_55, %jit3A : i32
      %sign3A = arith.constant 0 : i32
      %sign3A_56 = arith.cmpi sgt, %scan3A_55, %sign3A : i32
      %sign3A_57 = arith.extui %sign3A_56 : i1 to i32
      %sign3A_58 = arith.constant 0 : i32
      %sign3A_59 = arith.cmpi slt, %scan3A_55, %sign3A_58 : i32
      %sign3A_60 = arith.extui %sign3A_59 : i1 to i32
      %sign3A_61 = arith.subi %sign3A_57, %sign3A_60 : i32
      %sign3A_62 = arith.constant 0 : i32
      %sign3A_63 = arith.cmpi sgt, %jit3A, %sign3A_62 : i32
      %sign3A_64 = arith.extui %sign3A_63 : i1 to i32
      %sign3A_65 = arith.constant 0 : i32
      %sign3A_66 = arith.cmpi slt, %jit3A, %sign3A_65 : i32
      %sign3A_67 = arith.extui %sign3A_66 : i1 to i32
      %sign3A_68 = arith.subi %sign3A_64, %sign3A_67 : i32
      %ne3A = arith.cmpi ne, %sign3A_61, %sign3A_68 : i32
      %rem3A = arith.remsi %scan3A_55, %jit3A : i32
      %ne3A_69 = arith.constant 0 : i32
      %ne3A_70 = arith.cmpi ne, %rem3A, %ne3A_69 : i32
      %and3A = arith.andi %ne3A, %ne3A_70 : i1
      %sub3A = arith.constant 1 : i32
      %sub3A_71 = arith.subi %div3A, %sub3A : i32
      %select_n3A = arith.select %and3A, %sub3A_71, %div3A : i32
      %jit3A_72 = arith.constant 4 : i32
      %eq3A = arith.constant 0 : i32
      %eq3A_73 = arith.cmpi eq, %jit3A_72, %eq3A : i32
      %jit3A_74 = arith.constant 1 : i32
      %select_n3A_75 = arith.select %eq3A_73, %jit3A_74, %jit3A_72 : i32
      %rem3A_76 = arith.remsi %scan3A_55, %select_n3A_75 : i32
      %ne3A_77 = arith.constant 0 : i32
      %ne3A_78 = arith.cmpi ne, %rem3A_76, %ne3A_77 : i32
      %lt3A = arith.constant 0 : i32
      %lt3A_79 = arith.cmpi slt, %rem3A_76, %lt3A : i32
      %lt3A_80 = arith.constant 0 : i32
      %lt3A_81 = arith.cmpi slt, %select_n3A_75, %lt3A_80 : i32
      %ne3A_82 = arith.xori %lt3A_79, %lt3A_81 : i1
      %and3A_83 = arith.andi %ne3A_82, %ne3A_78 : i1
      %add3A_84 = arith.addi %rem3A_76, %select_n3A_75 : i32
      %select_n3A_85 = arith.select %and3A_83, %add3A_84, %rem3A_76 : i32
      %broadcast_in_dim3A = arith.constant 0.000000e+00 : f32
      %broadcast_in_dim3A_86 = vector.broadcast %broadcast_in_dim3A : f32 to vector<16xf32>
      %mul3A_87 = arith.constant 16 : i32
      %mul3A_88 = arith.muli %select_n3A_85, %mul3A_87 : i32
      %swap3A = arith.index_cast %select_n3A : i32 to index
      %swap3A_89 = arith.index_cast %mul3A_88 : i32 to index
      %swap3A_90 = tpu.vector_load %arg8[%swap3A, %swap3A_89] {strides = array<i32>} : memref<256x64xf32, #tpu.memory_space<vmem>>, vector<1x16xf32>,
      %swap3A_91 = vector.shape_cast %swap3A_90 : vector<1x16xf32> to vector<16xf32>
      %swap3A_92 = vector.shape_cast %broadcast_in_dim3A_86 : vector<16xf32> to vector<1x16xf32>
      tpu.vector_store %arg8[%swap3A, %swap3A_89], %swap3A_92 {strides = array<i32>} : memref<256x64xf32, #tpu.memory_space<vmem>>, vector<1x16xf32>,
    }
    %scan3A_4 = arith.constant 1024 : i32
    %mul3A = arith.constant 640 : i32
    %mul3A_5 = arith.muli %arg1, %mul3A : i32
    %add3A = arith.constant 0 : i32
    %add3A_6 = arith.addi %mul3A_5, %add3A : i32
    "tpu.region"() ({
      %run_scoped3A = tpu.sem_alloc : memref<!tpu.dma_semaphore, #tpu.memory_space<semaphore_mem>>
      %dma_start3A = arith.constant 0 : i32
      %dma_start3A_55 = arith.constant 0 : i32
      %dma_start3A_56 = tpu.memref_slice %arg8[%dma_start3A, %dma_start3A_55] : memref<256x64xf32, #tpu.memory_space<vmem>> -> memref<128x64xf32, #tpu.memory_space<vmem>>
      %dma_start3A_57 = arith.constant 0 : i32
      %dma_start3A_58 = tpu.memref_slice %arg10[%add3A_6, %dma_start3A_57] : memref<10240x64xf32, #tpu.memory_space<vmem_shared>> -> memref<128x64xf32, #tpu.memory_space<vmem_shared>>
      %dma_start3A_59 = arith.constant 0 : i32
      %dma_start3A_60 = tpu.memref_slice %arg10[%add3A_6, %dma_start3A_59] : memref<10240x64xf32, #tpu.memory_space<vmem_shared>> -> memref<128x64xf32, #tpu.memory_space<vmem_shared>>
      %dma_start3A_61 = arith.constant 0 : i32
      %dma_start3A_62 = arith.constant 0 : i32
      %dma_start3A_63 = tpu.memref_slice %arg8[%dma_start3A_61, %dma_start3A_62] : memref<256x64xf32, #tpu.memory_space<vmem>> -> memref<128x64xf32, #tpu.memory_space<vmem>>
      tpu.enqueue_dma source(%dma_start3A_63 : memref<128x64xf32, #tpu.memory_space<vmem>>) target(%dma_start3A_60 : memref<128x64xf32, #tpu.memory_space<vmem_shared>>) target_semaphore(%run_scoped3A : memref<!tpu.dma_semaphore, #tpu.memory_space<semaphore_mem>>)
      %dma_wait3A = arith.constant 0 : i32
      %dma_wait3A_64 = arith.constant 0 : i32
      %dma_wait3A_65 = tpu.memref_slice %arg8[%dma_wait3A, %dma_wait3A_64] : memref<256x64xf32, #tpu.memory_space<vmem>> -> memref<128x64xf32, #tpu.memory_space<vmem>>
      %dma_wait3A_66 = arith.constant 0 : i32
      %dma_wait3A_67 = tpu.memref_slice %arg10[%add3A_6, %dma_wait3A_66] : memref<10240x64xf32, #tpu.memory_space<vmem_shared>> -> memref<128x64xf32, #tpu.memory_space<vmem_shared>>
      %dma_wait3A_68 = arith.constant 0 : i32
      %dma_wait3A_69 = tpu.memref_slice %arg10[%add3A_6, %dma_wait3A_68] : memref<10240x64xf32, #tpu.memory_space<vmem_shared>> -> memref<128x64xf32, #tpu.memory_space<vmem_shared>>
      %dma_wait3A_70 = arith.constant 0 : i32
      %dma_wait3A_71 = arith.constant 0 : i32
      %dma_wait3A_72 = tpu.memref_slice %arg8[%dma_wait3A_70, %dma_wait3A_71] : memref<256x64xf32, #tpu.memory_space<vmem>> -> memref<128x64xf32, #tpu.memory_space<vmem>>
      tpu.wait_dma2 semaphore(%run_scoped3A : memref<!tpu.dma_semaphore, #tpu.memory_space<semaphore_mem>>) src(%dma_wait3A_72 : memref<128x64xf32, #tpu.memory_space<vmem>>) dst(%dma_wait3A_69 : memref<128x64xf32, #tpu.memory_space<vmem_shared>>)
      tpu.yield
    }) : () -> ()
    %add3A_7 = arith.constant 128 : i32
    %add3A_8 = arith.addi %mul3A_5, %add3A_7 : i32
    "tpu.region"() ({
      %run_scoped3A = tpu.sem_alloc : memref<!tpu.dma_semaphore, #tpu.memory_space<semaphore_mem>>
      %dma_start3A = arith.constant 0 : i32
      %dma_start3A_55 = arith.constant 0 : i32
      %dma_start3A_56 = tpu.memref_slice %arg8[%dma_start3A, %dma_start3A_55] : memref<256x64xf32, #tpu.memory_space<vmem>> -> memref<128x64xf32, #tpu.memory_space<vmem>>
      %dma_start3A_57 = arith.constant 0 : i32
      %dma_start3A_58 = tpu.memref_slice %arg10[%add3A_8, %dma_start3A_57] : memref<10240x64xf32, #tpu.memory_space<vmem_shared>> -> memref<128x64xf32, #tpu.memory_space<vmem_shared>>
      %dma_start3A_59 = arith.constant 0 : i32
      %dma_start3A_60 = tpu.memref_slice %arg10[%add3A_8, %dma_start3A_59] : memref<10240x64xf32, #tpu.memory_space<vmem_shared>> -> memref<128x64xf32, #tpu.memory_space<vmem_shared>>
      %dma_start3A_61 = arith.constant 0 : i32
      %dma_start3A_62 = arith.constant 0 : i32
      %dma_start3A_63 = tpu.memref_slice %arg8[%dma_start3A_61, %dma_start3A_62] : memref<256x64xf32, #tpu.memory_space<vmem>> -> memref<128x64xf32, #tpu.memory_space<vmem>>
      tpu.enqueue_dma source(%dma_start3A_63 : memref<128x64xf32, #tpu.memory_space<vmem>>) target(%dma_start3A_60 : memref<128x64xf32, #tpu.memory_space<vmem_shared>>) target_semaphore(%run_scoped3A : memref<!tpu.dma_semaphore, #tpu.memory_space<semaphore_mem>>)
      %dma_wait3A = arith.constant 0 : i32
      %dma_wait3A_64 = arith.constant 0 : i32
      %dma_wait3A_65 = tpu.memref_slice %arg8[%dma_wait3A, %dma_wait3A_64] : memref<256x64xf32, #tpu.memory_space<vmem>> -> memref<128x64xf32, #tpu.memory_space<vmem>>
      %dma_wait3A_66 = arith.constant 0 : i32
      %dma_wait3A_67 = tpu.memref_slice %arg10[%add3A_8, %dma_wait3A_66] : memref<10240x64xf32, #tpu.memory_space<vmem_shared>> -> memref<128x64xf32, #tpu.memory_space<vmem_shared>>
      %dma_wait3A_68 = arith.constant 0 : i32
      %dma_wait3A_69 = tpu.memref_slice %arg10[%add3A_8, %dma_wait3A_68] : memref<10240x64xf32, #tpu.memory_space<vmem_shared>> -> memref<128x64xf32, #tpu.memory_space<vmem_shared>>
      %dma_wait3A_70 = arith.constant 0 : i32
      %dma_wait3A_71 = arith.constant 0 : i32
      %dma_wait3A_72 = tpu.memref_slice %arg8[%dma_wait3A_70, %dma_wait3A_71] : memref<256x64xf32, #tpu.memory_space<vmem>> -> memref<128x64xf32, #tpu.memory_space<vmem>>
      tpu.wait_dma2 semaphore(%run_scoped3A : memref<!tpu.dma_semaphore, #tpu.memory_space<semaphore_mem>>) src(%dma_wait3A_72 : memref<128x64xf32, #tpu.memory_space<vmem>>) dst(%dma_wait3A_69 : memref<128x64xf32, #tpu.memory_space<vmem_shared>>)
      tpu.yield
    }) : () -> ()
    %add3A_9 = arith.constant 256 : i32
    %add3A_10 = arith.addi %mul3A_5, %add3A_9 : i32
    "tpu.region"() ({
      %run_scoped3A = tpu.sem_alloc : memref<!tpu.dma_semaphore, #tpu.memory_space<semaphore_mem>>
      %dma_start3A = arith.constant 0 : i32
      %dma_start3A_55 = arith.constant 0 : i32
      %dma_start3A_56 = tpu.memref_slice %arg8[%dma_start3A, %dma_start3A_55] : memref<256x64xf32, #tpu.memory_space<vmem>> -> memref<128x64xf32, #tpu.memory_space<vmem>>
      %dma_start3A_57 = arith.constant 0 : i32
      %dma_start3A_58 = tpu.memref_slice %arg10[%add3A_10, %dma_start3A_57] : memref<10240x64xf32, #tpu.memory_space<vmem_shared>> -> memref<128x64xf32, #tpu.memory_space<vmem_shared>>
      %dma_start3A_59 = arith.constant 0 : i32
      %dma_start3A_60 = tpu.memref_slice %arg10[%add3A_10, %dma_start3A_59] : memref<10240x64xf32, #tpu.memory_space<vmem_shared>> -> memref<128x64xf32, #tpu.memory_space<vmem_shared>>
      %dma_start3A_61 = arith.constant 0 : i32
      %dma_start3A_62 = arith.constant 0 : i32
      %dma_start3A_63 = tpu.memref_slice %arg8[%dma_start3A_61, %dma_start3A_62] : memref<256x64xf32, #tpu.memory_space<vmem>> -> memref<128x64xf32, #tpu.memory_space<vmem>>
      tpu.enqueue_dma source(%dma_start3A_63 : memref<128x64xf32, #tpu.memory_space<vmem>>) target(%dma_start3A_60 : memref<128x64xf32, #tpu.memory_space<vmem_shared>>) target_semaphore(%run_scoped3A : memref<!tpu.dma_semaphore, #tpu.memory_space<semaphore_mem>>)
      %dma_wait3A = arith.constant 0 : i32
      %dma_wait3A_64 = arith.constant 0 : i32
      %dma_wait3A_65 = tpu.memref_slice %arg8[%dma_wait3A, %dma_wait3A_64] : memref<256x64xf32, #tpu.memory_space<vmem>> -> memref<128x64xf32, #tpu.memory_space<vmem>>
      %dma_wait3A_66 = arith.constant 0 : i32
      %dma_wait3A_67 = tpu.memref_slice %arg10[%add3A_10, %dma_wait3A_66] : memref<10240x64xf32, #tpu.memory_space<vmem_shared>> -> memref<128x64xf32, #tpu.memory_space<vmem_shared>>
      %dma_wait3A_68 = arith.constant 0 : i32
      %dma_wait3A_69 = tpu.memref_slice %arg10[%add3A_10, %dma_wait3A_68] : memref<10240x64xf32, #tpu.memory_space<vmem_shared>> -> memref<128x64xf32, #tpu.memory_space<vmem_shared>>
      %dma_wait3A_70 = arith.constant 0 : i32
      %dma_wait3A_71 = arith.constant 0 : i32
      %dma_wait3A_72 = tpu.memref_slice %arg8[%dma_wait3A_70, %dma_wait3A_71] : memref<256x64xf32, #tpu.memory_space<vmem>> -> memref<128x64xf32, #tpu.memory_space<vmem>>
      tpu.wait_dma2 semaphore(%run_scoped3A : memref<!tpu.dma_semaphore, #tpu.memory_space<semaphore_mem>>) src(%dma_wait3A_72 : memref<128x64xf32, #tpu.memory_space<vmem>>) dst(%dma_wait3A_69 : memref<128x64xf32, #tpu.memory_space<vmem_shared>>)
      tpu.yield
    }) : () -> ()
    %add3A_11 = arith.constant 384 : i32
    %add3A_12 = arith.addi %mul3A_5, %add3A_11 : i32
    "tpu.region"() ({
      %run_scoped3A = tpu.sem_alloc : memref<!tpu.dma_semaphore, #tpu.memory_space<semaphore_mem>>
      %dma_start3A = arith.constant 0 : i32
      %dma_start3A_55 = arith.constant 0 : i32
      %dma_start3A_56 = tpu.memref_slice %arg8[%dma_start3A, %dma_start3A_55] : memref<256x64xf32, #tpu.memory_space<vmem>> -> memref<128x64xf32, #tpu.memory_space<vmem>>
      %dma_start3A_57 = arith.constant 0 : i32
      %dma_start3A_58 = tpu.memref_slice %arg10[%add3A_12, %dma_start3A_57] : memref<10240x64xf32, #tpu.memory_space<vmem_shared>> -> memref<128x64xf32, #tpu.memory_space<vmem_shared>>
      %dma_start3A_59 = arith.constant 0 : i32
      %dma_start3A_60 = tpu.memref_slice %arg10[%add3A_12, %dma_start3A_59] : memref<10240x64xf32, #tpu.memory_space<vmem_shared>> -> memref<128x64xf32, #tpu.memory_space<vmem_shared>>
      %dma_start3A_61 = arith.constant 0 : i32
      %dma_start3A_62 = arith.constant 0 : i32
      %dma_start3A_63 = tpu.memref_slice %arg8[%dma_start3A_61, %dma_start3A_62] : memref<256x64xf32, #tpu.memory_space<vmem>> -> memref<128x64xf32, #tpu.memory_space<vmem>>
      tpu.enqueue_dma source(%dma_start3A_63 : memref<128x64xf32, #tpu.memory_space<vmem>>) target(%dma_start3A_60 : memref<128x64xf32, #tpu.memory_space<vmem_shared>>) target_semaphore(%run_scoped3A : memref<!tpu.dma_semaphore, #tpu.memory_space<semaphore_mem>>)
      %dma_wait3A = arith.constant 0 : i32
      %dma_wait3A_64 = arith.constant 0 : i32
      %dma_wait3A_65 = tpu.memref_slice %arg8[%dma_wait3A, %dma_wait3A_64] : memref<256x64xf32, #tpu.memory_space<vmem>> -> memref<128x64xf32, #tpu.memory_space<vmem>>
      %dma_wait3A_66 = arith.constant 0 : i32
      %dma_wait3A_67 = tpu.memref_slice %arg10[%add3A_12, %dma_wait3A_66] : memref<10240x64xf32, #tpu.memory_space<vmem_shared>> -> memref<128x64xf32, #tpu.memory_space<vmem_shared>>
      %dma_wait3A_68 = arith.constant 0 : i32
      %dma_wait3A_69 = tpu.memref_slice %arg10[%add3A_12, %dma_wait3A_68] : memref<10240x64xf32, #tpu.memory_space<vmem_shared>> -> memref<128x64xf32, #tpu.memory_space<vmem_shared>>
      %dma_wait3A_70 = arith.constant 0 : i32
      %dma_wait3A_71 = arith.constant 0 : i32
      %dma_wait3A_72 = tpu.memref_slice %arg8[%dma_wait3A_70, %dma_wait3A_71] : memref<256x64xf32, #tpu.memory_space<vmem>> -> memref<128x64xf32, #tpu.memory_space<vmem>>
      tpu.wait_dma2 semaphore(%run_scoped3A : memref<!tpu.dma_semaphore, #tpu.memory_space<semaphore_mem>>) src(%dma_wait3A_72 : memref<128x64xf32, #tpu.memory_space<vmem>>) dst(%dma_wait3A_69 : memref<128x64xf32, #tpu.memory_space<vmem_shared>>)
      tpu.yield
    }) : () -> ()
    %add3A_13 = arith.constant 512 : i32
    %add3A_14 = arith.addi %mul3A_5, %add3A_13 : i32
    "tpu.region"() ({
      %run_scoped3A = tpu.sem_alloc : memref<!tpu.dma_semaphore, #tpu.memory_space<semaphore_mem>>
      %dma_start3A = arith.constant 0 : i32
      %dma_start3A_55 = arith.constant 0 : i32
      %dma_start3A_56 = tpu.memref_slice %arg8[%dma_start3A, %dma_start3A_55] : memref<256x64xf32, #tpu.memory_space<vmem>> -> memref<128x64xf32, #tpu.memory_space<vmem>>
      %dma_start3A_57 = arith.constant 0 : i32
      %dma_start3A_58 = tpu.memref_slice %arg10[%add3A_14, %dma_start3A_57] : memref<10240x64xf32, #tpu.memory_space<vmem_shared>> -> memref<128x64xf32, #tpu.memory_space<vmem_shared>>
      %dma_start3A_59 = arith.constant 0 : i32
      %dma_start3A_60 = tpu.memref_slice %arg10[%add3A_14, %dma_start3A_59] : memref<10240x64xf32, #tpu.memory_space<vmem_shared>> -> memref<128x64xf32, #tpu.memory_space<vmem_shared>>
      %dma_start3A_61 = arith.constant 0 : i32
      %dma_start3A_62 = arith.constant 0 : i32
      %dma_start3A_63 = tpu.memref_slice %arg8[%dma_start3A_61, %dma_start3A_62] : memref<256x64xf32, #tpu.memory_space<vmem>> -> memref<128x64xf32, #tpu.memory_space<vmem>>
      tpu.enqueue_dma source(%dma_start3A_63 : memref<128x64xf32, #tpu.memory_space<vmem>>) target(%dma_start3A_60 : memref<128x64xf32, #tpu.memory_space<vmem_shared>>) target_semaphore(%run_scoped3A : memref<!tpu.dma_semaphore, #tpu.memory_space<semaphore_mem>>)
      %dma_wait3A = arith.constant 0 : i32
      %dma_wait3A_64 = arith.constant 0 : i32
      %dma_wait3A_65 = tpu.memref_slice %arg8[%dma_wait3A, %dma_wait3A_64] : memref<256x64xf32, #tpu.memory_space<vmem>> -> memref<128x64xf32, #tpu.memory_space<vmem>>
      %dma_wait3A_66 = arith.constant 0 : i32
      %dma_wait3A_67 = tpu.memref_slice %arg10[%add3A_14, %dma_wait3A_66] : memref<10240x64xf32, #tpu.memory_space<vmem_shared>> -> memref<128x64xf32, #tpu.memory_space<vmem_shared>>
      %dma_wait3A_68 = arith.constant 0 : i32
      %dma_wait3A_69 = tpu.memref_slice %arg10[%add3A_14, %dma_wait3A_68] : memref<10240x64xf32, #tpu.memory_space<vmem_shared>> -> memref<128x64xf32, #tpu.memory_space<vmem_shared>>
      %dma_wait3A_70 = arith.constant 0 : i32
      %dma_wait3A_71 = arith.constant 0 : i32
      %dma_wait3A_72 = tpu.memref_slice %arg8[%dma_wait3A_70, %dma_wait3A_71] : memref<256x64xf32, #tpu.memory_space<vmem>> -> memref<128x64xf32, #tpu.memory_space<vmem>>
      tpu.wait_dma2 semaphore(%run_scoped3A : memref<!tpu.dma_semaphore, #tpu.memory_space<semaphore_mem>>) src(%dma_wait3A_72 : memref<128x64xf32, #tpu.memory_space<vmem>>) dst(%dma_wait3A_69 : memref<128x64xf32, #tpu.memory_space<vmem_shared>>)
      tpu.yield
    }) : () -> ()
    %barrier3A = arith.constant 0 : index
    tpu.barrier barrier_id(%barrier3A)
    "tpu.region"() ({
      %run_scoped3A = tpu.sem_alloc : memref<!tpu.dma_semaphore, #tpu.memory_space<semaphore_mem>>
      %dma_start3A = arith.constant 0 : i32
      %dma_start3A_55 = arith.constant 0 : i32
      %dma_start3A_56 = tpu.memref_slice %arg3[%arg1, %dma_start3A, %dma_start3A_55] : memref<16x80x256xi32, #tpu.memory_space<hbm>> -> memref<1x80x256xi32, #tpu.memory_space<hbm>>
      %dma_start3A_57 = tpu.memref_squeeze %dma_start3A_56 : memref<1x80x256xi32, #tpu.memory_space<hbm>> -> memref<80x256xi32, #tpu.memory_space<hbm>>
      %dma_start3A_58 = arith.constant 0 : i32
      %dma_start3A_59 = arith.constant 0 : i32
      %dma_start3A_60 = tpu.memref_slice %arg3[%arg1, %dma_start3A_58, %dma_start3A_59] : memref<16x80x256xi32, #tpu.memory_space<hbm>> -> memref<1x80x256xi32, #tpu.memory_space<hbm>>
      %dma_start3A_61 = tpu.memref_squeeze %dma_start3A_60 : memref<1x80x256xi32, #tpu.memory_space<hbm>> -> memref<80x256xi32, #tpu.memory_space<hbm>>
      tpu.enqueue_dma source(%dma_start3A_61 : memref<80x256xi32, #tpu.memory_space<hbm>>) target(%arg6 : memref<80x256xi32, #tpu.memory_space<vmem>>) target_semaphore(%run_scoped3A : memref<!tpu.dma_semaphore, #tpu.memory_space<semaphore_mem>>)
      %dma_wait3A = arith.constant 0 : i32
      %dma_wait3A_62 = arith.constant 0 : i32
      %dma_wait3A_63 = tpu.memref_slice %arg3[%arg1, %dma_wait3A, %dma_wait3A_62] : memref<16x80x256xi32, #tpu.memory_space<hbm>> -> memref<1x80x256xi32, #tpu.memory_space<hbm>>
      %dma_wait3A_64 = tpu.memref_squeeze %dma_wait3A_63 : memref<1x80x256xi32, #tpu.memory_space<hbm>> -> memref<80x256xi32, #tpu.memory_space<hbm>>
      %dma_wait3A_65 = arith.constant 0 : i32
      %dma_wait3A_66 = arith.constant 0 : i32
      %dma_wait3A_67 = tpu.memref_slice %arg3[%arg1, %dma_wait3A_65, %dma_wait3A_66] : memref<16x80x256xi32, #tpu.memory_space<hbm>> -> memref<1x80x256xi32, #tpu.memory_space<hbm>>
      %dma_wait3A_68 = tpu.memref_squeeze %dma_wait3A_67 : memref<1x80x256xi32, #tpu.memory_space<hbm>> -> memref<80x256xi32, #tpu.memory_space<hbm>>
      tpu.wait_dma2 semaphore(%run_scoped3A : memref<!tpu.dma_semaphore, #tpu.memory_space<semaphore_mem>>) src(%dma_wait3A_68 : memref<80x256xi32, #tpu.memory_space<hbm>>) dst(%arg6 : memref<80x256xi32, #tpu.memory_space<vmem>>)
      tpu.yield
    }) : () -> ()
    "tpu.region"() ({
      %run_scoped3A = tpu.sem_alloc : memref<!tpu.dma_semaphore, #tpu.memory_space<semaphore_mem>>
      %dma_start3A = arith.constant 0 : i32
      %dma_start3A_55 = arith.constant 0 : i32
      %dma_start3A_56 = tpu.memref_slice %arg4[%arg1, %dma_start3A, %dma_start3A_55] : memref<16x80x256xi32, #tpu.memory_space<hbm>> -> memref<1x80x256xi32, #tpu.memory_space<hbm>>
      %dma_start3A_57 = tpu.memref_squeeze %dma_start3A_56 : memref<1x80x256xi32, #tpu.memory_space<hbm>> -> memref<80x256xi32, #tpu.memory_space<hbm>>
      %dma_start3A_58 = arith.constant 0 : i32
      %dma_start3A_59 = arith.constant 0 : i32
      %dma_start3A_60 = tpu.memref_slice %arg4[%arg1, %dma_start3A_58, %dma_start3A_59] : memref<16x80x256xi32, #tpu.memory_space<hbm>> -> memref<1x80x256xi32, #tpu.memory_space<hbm>>
      %dma_start3A_61 = tpu.memref_squeeze %dma_start3A_60 : memref<1x80x256xi32, #tpu.memory_space<hbm>> -> memref<80x256xi32, #tpu.memory_space<hbm>>
      tpu.enqueue_dma source(%dma_start3A_61 : memref<80x256xi32, #tpu.memory_space<hbm>>) target(%arg7 : memref<80x256xi32, #tpu.memory_space<vmem>>) target_semaphore(%run_scoped3A : memref<!tpu.dma_semaphore, #tpu.memory_space<semaphore_mem>>)
      %dma_wait3A = arith.constant 0 : i32
      %dma_wait3A_62 = arith.constant 0 : i32
      %dma_wait3A_63 = tpu.memref_slice %arg4[%arg1, %dma_wait3A, %dma_wait3A_62] : memref<16x80x256xi32, #tpu.memory_space<hbm>> -> memref<1x80x256xi32, #tpu.memory_space<hbm>>
      %dma_wait3A_64 = tpu.memref_squeeze %dma_wait3A_63 : memref<1x80x256xi32, #tpu.memory_space<hbm>> -> memref<80x256xi32, #tpu.memory_space<hbm>>
      %dma_wait3A_65 = arith.constant 0 : i32
      %dma_wait3A_66 = arith.constant 0 : i32
      %dma_wait3A_67 = tpu.memref_slice %arg4[%arg1, %dma_wait3A_65, %dma_wait3A_66] : memref<16x80x256xi32, #tpu.memory_space<hbm>> -> memref<1x80x256xi32, #tpu.memory_space<hbm>>
      %dma_wait3A_68 = tpu.memref_squeeze %dma_wait3A_67 : memref<1x80x256xi32, #tpu.memory_space<hbm>> -> memref<80x256xi32, #tpu.memory_space<hbm>>
      tpu.wait_dma2 semaphore(%run_scoped3A : memref<!tpu.dma_semaphore, #tpu.memory_space<semaphore_mem>>) src(%dma_wait3A_68 : memref<80x256xi32, #tpu.memory_space<hbm>>) dst(%arg7 : memref<80x256xi32, #tpu.memory_space<vmem>>)
      tpu.yield
    }) : () -> ()
    %mul3A_15 = arith.constant 10000 : i32
    %mul3A_16 = arith.muli %arg0, %mul3A_15 : i32
    %scan3A_17 = arith.constant 0 : i32
    %scan3A_18 = arith.constant 0 : i32
    %scan3A_19 = arith.constant 1280 : i32
    %scan3A_20 = arith.addi %scan3A_18, %scan3A_19 : i32
    %scan3A_21 = arith.constant 1 : i32
    scf.for %scan3A_55 = %scan3A_18 to %scan3A_20 step %scan3A_21  : i32 {
      %jit3A = arith.constant 16 : i32
      %div3A = arith.divsi %scan3A_55, %jit3A : i32
      %sign3A = arith.constant 0 : i32
      %sign3A_56 = arith.cmpi sgt, %scan3A_55, %sign3A : i32
      %sign3A_57 = arith.extui %sign3A_56 : i1 to i32
      %sign3A_58 = arith.constant 0 : i32
      %sign3A_59 = arith.cmpi slt, %scan3A_55, %sign3A_58 : i32
      %sign3A_60 = arith.extui %sign3A_59 : i1 to i32
      %sign3A_61 = arith.subi %sign3A_57, %sign3A_60 : i32
      %sign3A_62 = arith.constant 0 : i32
      %sign3A_63 = arith.cmpi sgt, %jit3A, %sign3A_62 : i32
      %sign3A_64 = arith.extui %sign3A_63 : i1 to i32
      %sign3A_65 = arith.constant 0 : i32
      %sign3A_66 = arith.cmpi slt, %jit3A, %sign3A_65 : i32
      %sign3A_67 = arith.extui %sign3A_66 : i1 to i32
      %sign3A_68 = arith.subi %sign3A_64, %sign3A_67 : i32
      %ne3A = arith.cmpi ne, %sign3A_61, %sign3A_68 : i32
      %rem3A = arith.remsi %scan3A_55, %jit3A : i32
      %ne3A_69 = arith.constant 0 : i32
      %ne3A_70 = arith.cmpi ne, %rem3A, %ne3A_69 : i32
      %and3A = arith.andi %ne3A, %ne3A_70 : i1
      %sub3A = arith.constant 1 : i32
      %sub3A_71 = arith.subi %div3A, %sub3A : i32
      %select_n3A = arith.select %and3A, %sub3A_71, %div3A : i32
      %jit3A_72 = arith.constant 16 : i32
      %eq3A = arith.constant 0 : i32
      %eq3A_73 = arith.cmpi eq, %jit3A_72, %eq3A : i32
      %jit3A_74 = arith.constant 1 : i32
      %select_n3A_75 = arith.select %eq3A_73, %jit3A_74, %jit3A_72 : i32
      %rem3A_76 = arith.remsi %scan3A_55, %select_n3A_75 : i32
      %ne3A_77 = arith.constant 0 : i32
      %ne3A_78 = arith.cmpi ne, %rem3A_76, %ne3A_77 : i32
      %lt3A = arith.constant 0 : i32
      %lt3A_79 = arith.cmpi slt, %rem3A_76, %lt3A : i32
      %lt3A_80 = arith.constant 0 : i32
      %lt3A_81 = arith.cmpi slt, %select_n3A_75, %lt3A_80 : i32
      %ne3A_82 = arith.xori %lt3A_79, %lt3A_81 : i1
      %and3A_83 = arith.andi %ne3A_82, %ne3A_78 : i1
      %add3A_84 = arith.addi %rem3A_76, %select_n3A_75 : i32
      %select_n3A_85 = arith.select %and3A_83, %add3A_84, %rem3A_76 : i32
      %mul3A_86 = arith.constant 16 : i32
      %mul3A_87 = arith.muli %select_n3A_85, %mul3A_86 : i32
      %get3A = arith.index_cast %select_n3A : i32 to index
      %get3A_88 = arith.index_cast %mul3A_87 : i32 to index
      %get3A_89 = tpu.vector_load %arg6[%get3A, %get3A_88] {strides = array<i32>} : memref<80x256xi32, #tpu.memory_space<vmem>>, vector<1x16xi32>,
      %get3A_90 = vector.shape_cast %get3A_89 : vector<1x16xi32> to vector<16xi32>
      %add3A_91 = vector.broadcast %mul3A_16 : i32 to vector<16xi32>
      %add3A_92 = arith.addi %get3A_90, %add3A_91 : vector<16xi32>
      %mul3A_93 = arith.constant 16 : i32
      %mul3A_94 = arith.muli %select_n3A_85, %mul3A_93 : i32
      %swap3A = arith.index_cast %select_n3A : i32 to index
      %swap3A_95 = arith.index_cast %mul3A_94 : i32 to index
      %swap3A_96 = tpu.vector_load %arg6[%swap3A, %swap3A_95] {strides = array<i32>} : memref<80x256xi32, #tpu.memory_space<vmem>>, vector<1x16xi32>,
      %swap3A_97 = vector.shape_cast %swap3A_96 : vector<1x16xi32> to vector<16xi32>
      %swap3A_98 = vector.shape_cast %add3A_92 : vector<16xi32> to vector<1x16xi32>
      tpu.vector_store %arg6[%swap3A, %swap3A_95], %swap3A_98 {strides = array<i32>} : memref<80x256xi32, #tpu.memory_space<vmem>>, vector<1x16xi32>,
    }
    %scan3A_22 = arith.constant 1280 : i32
    %scan3A_23 = arith.constant 0 : i32
    %scan3A_24 = arith.constant 0 : i32
    %scan3A_25 = arith.constant 40 : i32
    %scan3A_26 = arith.addi %scan3A_24, %scan3A_25 : i32
    %scan3A_27 = arith.constant 1 : i32
    scf.for %scan3A_55 = %scan3A_24 to %scan3A_26 step %scan3A_27  : i32 {
      %mul3A_56 = arith.constant 2 : i32
      %mul3A_57 = arith.muli %mul3A_56, %scan3A_55 : i32
      %dma_start3A = arith.constant 0 : i32
      %dma_start3A_58 = tpu.memref_slice %arg6[%mul3A_57, %dma_start3A] : memref<80x256xi32, #tpu.memory_space<vmem>> -> memref<1x256xi32, #tpu.memory_space<vmem>>
      %dma_start3A_59 = tpu.memref_squeeze %dma_start3A_58 : memref<1x256xi32, #tpu.memory_space<vmem>> -> memref<256xi32, #tpu.memory_space<vmem>>
      %dma_start3A_60 = arith.constant 0 : i32
      %dma_start3A_61 = arith.constant 0 : i32
      %dma_start3A_62 = tpu.memref_slice %arg2[%dma_start3A_60, %dma_start3A_61] : memref<20000x64xf32, #tpu.memory_space<hbm>> -> memref<20000x64xf32, #tpu.memory_space<hbm>>
      tpu.enqueue_indirect_dma source(%dma_start3A_62 : memref<20000x64xf32, #tpu.memory_space<hbm>>) target(%arg8 : memref<256x64xf32, #tpu.memory_space<vmem>>) offsets(%dma_start3A_59 : memref<256xi32, #tpu.memory_space<vmem>>) semaphore(%arg11 : memref<!tpu.dma_semaphore, #tpu.memory_space<semaphore_mem>>)
      %mul3A_63 = arith.constant 2 : i32
      %mul3A_64 = arith.muli %mul3A_63, %scan3A_55 : i32
      %add3A_65 = arith.constant 1 : i32
      %add3A_66 = arith.addi %mul3A_64, %add3A_65 : i32
      %dma_start3A_67 = arith.constant 0 : i32
      %dma_start3A_68 = tpu.memref_slice %arg6[%add3A_66, %dma_start3A_67] : memref<80x256xi32, #tpu.memory_space<vmem>> -> memref<1x256xi32, #tpu.memory_space<vmem>>
      %dma_start3A_69 = tpu.memref_squeeze %dma_start3A_68 : memref<1x256xi32, #tpu.memory_space<vmem>> -> memref<256xi32, #tpu.memory_space<vmem>>
      %dma_start3A_70 = arith.constant 0 : i32
      %dma_start3A_71 = arith.constant 0 : i32
      %dma_start3A_72 = tpu.memref_slice %arg2[%dma_start3A_70, %dma_start3A_71] : memref<20000x64xf32, #tpu.memory_space<hbm>> -> memref<20000x64xf32, #tpu.memory_space<hbm>>
      tpu.enqueue_indirect_dma source(%dma_start3A_72 : memref<20000x64xf32, #tpu.memory_space<hbm>>) target(%arg9 : memref<256x64xf32, #tpu.memory_space<vmem>>) offsets(%dma_start3A_69 : memref<256xi32, #tpu.memory_space<vmem>>) semaphore(%arg12 : memref<!tpu.dma_semaphore, #tpu.memory_space<semaphore_mem>>)
      %dma_wait3A = arith.constant 0 : i32
      %dma_wait3A_73 = tpu.memref_slice %arg6[%mul3A_57, %dma_wait3A] : memref<80x256xi32, #tpu.memory_space<vmem>> -> memref<1x256xi32, #tpu.memory_space<vmem>>
      %dma_wait3A_74 = tpu.memref_squeeze %dma_wait3A_73 : memref<1x256xi32, #tpu.memory_space<vmem>> -> memref<256xi32, #tpu.memory_space<vmem>>
      %dma_wait3A_75 = arith.constant 0 : i32
      %dma_wait3A_76 = arith.constant 0 : i32
      %dma_wait3A_77 = tpu.memref_slice %arg2[%dma_wait3A_75, %dma_wait3A_76] : memref<20000x64xf32, #tpu.memory_space<hbm>> -> memref<20000x64xf32, #tpu.memory_space<hbm>>
      tpu.wait_indirect_dma semaphore(%arg11 : memref<!tpu.dma_semaphore, #tpu.memory_space<semaphore_mem>>) src(%dma_wait3A_77 : memref<20000x64xf32, #tpu.memory_space<hbm>>) dst(%arg8 : memref<256x64xf32, #tpu.memory_space<vmem>>)
      %mul3A_78 = arith.constant 2 : i32
      %mul3A_79 = arith.muli %mul3A_78, %scan3A_55 : i32
      %dma_start3A_80 = arith.constant 0 : i32
      %dma_start3A_81 = tpu.memref_slice %arg7[%mul3A_79, %dma_start3A_80] : memref<80x256xi32, #tpu.memory_space<vmem>> -> memref<1x256xi32, #tpu.memory_space<vmem>>
      %dma_start3A_82 = tpu.memref_squeeze %dma_start3A_81 : memref<1x256xi32, #tpu.memory_space<vmem>> -> memref<256xi32, #tpu.memory_space<vmem>>
      %dma_start3A_83 = arith.constant 0 : i32
      %dma_start3A_84 = arith.constant 0 : i32
      %dma_start3A_85 = tpu.memref_slice %arg10[%dma_start3A_83, %dma_start3A_84] : memref<10240x64xf32, #tpu.memory_space<vmem_shared>> -> memref<10240x64xf32, #tpu.memory_space<vmem_shared>>
      tpu.enqueue_indirect_dma source(%arg8 : memref<256x64xf32, #tpu.memory_space<vmem>>) target(%dma_start3A_85 : memref<10240x64xf32, #tpu.memory_space<vmem_shared>>) offsets(%dma_start3A_82 : memref<256xi32, #tpu.memory_space<vmem>>) semaphore(%arg13 : memref<!tpu.dma_semaphore, #tpu.memory_space<semaphore_mem>>) {add = true}
      %dma_wait3A_86 = arith.constant 0 : i32
      %dma_wait3A_87 = tpu.memref_slice %arg6[%add3A_66, %dma_wait3A_86] : memref<80x256xi32, #tpu.memory_space<vmem>> -> memref<1x256xi32, #tpu.memory_space<vmem>>
      %dma_wait3A_88 = tpu.memref_squeeze %dma_wait3A_87 : memref<1x256xi32, #tpu.memory_space<vmem>> -> memref<256xi32, #tpu.memory_space<vmem>>
      %dma_wait3A_89 = arith.constant 0 : i32
      %dma_wait3A_90 = arith.constant 0 : i32
      %dma_wait3A_91 = tpu.memref_slice %arg2[%dma_wait3A_89, %dma_wait3A_90] : memref<20000x64xf32, #tpu.memory_space<hbm>> -> memref<20000x64xf32, #tpu.memory_space<hbm>>
      tpu.wait_indirect_dma semaphore(%arg12 : memref<!tpu.dma_semaphore, #tpu.memory_space<semaphore_mem>>) src(%dma_wait3A_91 : memref<20000x64xf32, #tpu.memory_space<hbm>>) dst(%arg9 : memref<256x64xf32, #tpu.memory_space<vmem>>)
      %mul3A_92 = arith.constant 2 : i32
      %mul3A_93 = arith.muli %mul3A_92, %scan3A_55 : i32
      %add3A_94 = arith.constant 1 : i32
      %add3A_95 = arith.addi %mul3A_93, %add3A_94 : i32
      %dma_start3A_96 = arith.constant 0 : i32
      %dma_start3A_97 = tpu.memref_slice %arg7[%add3A_95, %dma_start3A_96] : memref<80x256xi32, #tpu.memory_space<vmem>> -> memref<1x256xi32, #tpu.memory_space<vmem>>
      %dma_start3A_98 = tpu.memref_squeeze %dma_start3A_97 : memref<1x256xi32, #tpu.memory_space<vmem>> -> memref<256xi32, #tpu.memory_space<vmem>>
      %dma_start3A_99 = arith.constant 0 : i32
      %dma_start3A_100 = arith.constant 0 : i32
      %dma_start3A_101 = tpu.memref_slice %arg10[%dma_start3A_99, %dma_start3A_100] : memref<10240x64xf32, #tpu.memory_space<vmem_shared>> -> memref<10240x64xf32, #tpu.memory_space<vmem_shared>>
      tpu.enqueue_indirect_dma source(%arg9 : memref<256x64xf32, #tpu.memory_space<vmem>>) target(%dma_start3A_101 : memref<10240x64xf32, #tpu.memory_space<vmem_shared>>) offsets(%dma_start3A_98 : memref<256xi32, #tpu.memory_space<vmem>>) semaphore(%arg14 : memref<!tpu.dma_semaphore, #tpu.memory_space<semaphore_mem>>) {add = true}
      %dma_wait3A_102 = arith.constant 0 : i32
      %dma_wait3A_103 = tpu.memref_slice %arg7[%mul3A_79, %dma_wait3A_102] : memref<80x256xi32, #tpu.memory_space<vmem>> -> memref<1x256xi32, #tpu.memory_space<vmem>>
      %dma_wait3A_104 = tpu.memref_squeeze %dma_wait3A_103 : memref<1x256xi32, #tpu.memory_space<vmem>> -> memref<256xi32, #tpu.memory_space<vmem>>
      %dma_wait3A_105 = arith.constant 0 : i32
      %dma_wait3A_106 = arith.constant 0 : i32
      %dma_wait3A_107 = tpu.memref_slice %arg10[%dma_wait3A_105, %dma_wait3A_106] : memref<10240x64xf32, #tpu.memory_space<vmem_shared>> -> memref<10240x64xf32, #tpu.memory_space<vmem_shared>>
      tpu.wait_indirect_dma semaphore(%arg13 : memref<!tpu.dma_semaphore, #tpu.memory_space<semaphore_mem>>) src(%arg8 : memref<256x64xf32, #tpu.memory_space<vmem>>) dst(%dma_wait3A_107 : memref<10240x64xf32, #tpu.memory_space<vmem_shared>>)
      %dma_wait3A_108 = arith.constant 0 : i32
      %dma_wait3A_109 = tpu.memref_slice %arg7[%add3A_95, %dma_wait3A_108] : memref<80x256xi32, #tpu.memory_space<vmem>> -> memref<1x256xi32, #tpu.memory_space<vmem>>
      %dma_wait3A_110 = tpu.memref_squeeze %dma_wait3A_109 : memref<1x256xi32, #tpu.memory_space<vmem>> -> memref<256xi32, #tpu.memory_space<vmem>>
      %dma_wait3A_111 = arith.constant 0 : i32
      %dma_wait3A_112 = arith.constant 0 : i32
      %dma_wait3A_113 = tpu.memref_slice %arg10[%dma_wait3A_111, %dma_wait3A_112] : memref<10240x64xf32, #tpu.memory_space<vmem_shared>> -> memref<10240x64xf32, #tpu.memory_space<vmem_shared>>
      tpu.wait_indirect_dma semaphore(%arg14 : memref<!tpu.dma_semaphore, #tpu.memory_space<semaphore_mem>>) src(%arg9 : memref<256x64xf32, #tpu.memory_space<vmem>>) dst(%dma_wait3A_113 : memref<10240x64xf32, #tpu.memory_space<vmem_shared>>)
    }
    %scan3A_28 = arith.constant 40 : i32
    %barrier3A_29 = arith.constant 0 : index
    tpu.barrier barrier_id(%barrier3A_29)
    %mul3A_30 = arith.constant 10240 : i32
    %mul3A_31 = arith.muli %arg0, %mul3A_30 : i32
    %mul3A_32 = arith.constant 640 : i32
    %mul3A_33 = arith.muli %arg1, %mul3A_32 : i32
    %add3A_34 = arith.addi %mul3A_31, %mul3A_33 : i32
    %add3A_35 = arith.constant 0 : i32
    %add3A_36 = arith.addi %mul3A_5, %add3A_35 : i32
    %add3A_37 = arith.constant 0 : i32
    %add3A_38 = arith.addi %add3A_34, %add3A_37 : i32
    "tpu.region"() ({
      %run_scoped3A = tpu.sem_alloc : memref<!tpu.dma_semaphore, #tpu.memory_space<semaphore_mem>>
      %dma_start3A = arith.constant 0 : i32
      %dma_start3A_55 = tpu.memref_slice %arg5[%add3A_38, %dma_start3A] : memref<20480x64xf32, #tpu.memory_space<hbm>> -> memref<128x64xf32, #tpu.memory_space<hbm>>
      %dma_start3A_56 = arith.constant 0 : i32
      %dma_start3A_57 = tpu.memref_slice %arg10[%add3A_36, %dma_start3A_56] : memref<10240x64xf32, #tpu.memory_space<vmem_shared>> -> memref<128x64xf32, #tpu.memory_space<vmem_shared>>
      tpu.enqueue_dma source(%dma_start3A_57 : memref<128x64xf32, #tpu.memory_space<vmem_shared>>) target(%dma_start3A_55 : memref<128x64xf32, #tpu.memory_space<hbm>>) target_semaphore(%run_scoped3A : memref<!tpu.dma_semaphore, #tpu.memory_space<semaphore_mem>>)
      %dma_wait3A = arith.constant 0 : i32
      %dma_wait3A_58 = tpu.memref_slice %arg5[%add3A_38, %dma_wait3A] : memref<20480x64xf32, #tpu.memory_space<hbm>> -> memref<128x64xf32, #tpu.memory_space<hbm>>
      %dma_wait3A_59 = arith.constant 0 : i32
      %dma_wait3A_60 = tpu.memref_slice %arg10[%add3A_36, %dma_wait3A_59] : memref<10240x64xf32, #tpu.memory_space<vmem_shared>> -> memref<128x64xf32, #tpu.memory_space<vmem_shared>>
      tpu.wait_dma2 semaphore(%run_scoped3A : memref<!tpu.dma_semaphore, #tpu.memory_space<semaphore_mem>>) src(%dma_wait3A_60 : memref<128x64xf32, #tpu.memory_space<vmem_shared>>) dst(%dma_wait3A_58 : memref<128x64xf32, #tpu.memory_space<hbm>>)
      tpu.yield
    }) : () -> ()
    %add3A_39 = arith.constant 128 : i32
    %add3A_40 = arith.addi %mul3A_5, %add3A_39 : i32
    %add3A_41 = arith.constant 128 : i32
    %add3A_42 = arith.addi %add3A_34, %add3A_41 : i32
    "tpu.region"() ({
      %run_scoped3A = tpu.sem_alloc : memref<!tpu.dma_semaphore, #tpu.memory_space<semaphore_mem>>
      %dma_start3A = arith.constant 0 : i32
      %dma_start3A_55 = tpu.memref_slice %arg5[%add3A_42, %dma_start3A] : memref<20480x64xf32, #tpu.memory_space<hbm>> -> memref<128x64xf32, #tpu.memory_space<hbm>>
      %dma_start3A_56 = arith.constant 0 : i32
      %dma_start3A_57 = tpu.memref_slice %arg10[%add3A_40, %dma_start3A_56] : memref<10240x64xf32, #tpu.memory_space<vmem_shared>> -> memref<128x64xf32, #tpu.memory_space<vmem_shared>>
      tpu.enqueue_dma source(%dma_start3A_57 : memref<128x64xf32, #tpu.memory_space<vmem_shared>>) target(%dma_start3A_55 : memref<128x64xf32, #tpu.memory_space<hbm>>) target_semaphore(%run_scoped3A : memref<!tpu.dma_semaphore, #tpu.memory_space<semaphore_mem>>)
      %dma_wait3A = arith.constant 0 : i32
      %dma_wait3A_58 = tpu.memref_slice %arg5[%add3A_42, %dma_wait3A] : memref<20480x64xf32, #tpu.memory_space<hbm>> -> memref<128x64xf32, #tpu.memory_space<hbm>>
      %dma_wait3A_59 = arith.constant 0 : i32
      %dma_wait3A_60 = tpu.memref_slice %arg10[%add3A_40, %dma_wait3A_59] : memref<10240x64xf32, #tpu.memory_space<vmem_shared>> -> memref<128x64xf32, #tpu.memory_space<vmem_shared>>
      tpu.wait_dma2 semaphore(%run_scoped3A : memref<!tpu.dma_semaphore, #tpu.memory_space<semaphore_mem>>) src(%dma_wait3A_60 : memref<128x64xf32, #tpu.memory_space<vmem_shared>>) dst(%dma_wait3A_58 : memref<128x64xf32, #tpu.memory_space<hbm>>)
      tpu.yield
    }) : () -> ()
    %add3A_43 = arith.constant 256 : i32
    %add3A_44 = arith.addi %mul3A_5, %add3A_43 : i32
    %add3A_45 = arith.constant 256 : i32
    %add3A_46 = arith.addi %add3A_34, %add3A_45 : i32
    "tpu.region"() ({
      %run_scoped3A = tpu.sem_alloc : memref<!tpu.dma_semaphore, #tpu.memory_space<semaphore_mem>>
      %dma_start3A = arith.constant 0 : i32
      %dma_start3A_55 = tpu.memref_slice %arg5[%add3A_46, %dma_start3A] : memref<20480x64xf32, #tpu.memory_space<hbm>> -> memref<128x64xf32, #tpu.memory_space<hbm>>
      %dma_start3A_56 = arith.constant 0 : i32
      %dma_start3A_57 = tpu.memref_slice %arg10[%add3A_44, %dma_start3A_56] : memref<10240x64xf32, #tpu.memory_space<vmem_shared>> -> memref<128x64xf32, #tpu.memory_space<vmem_shared>>
      tpu.enqueue_dma source(%dma_start3A_57 : memref<128x64xf32, #tpu.memory_space<vmem_shared>>) target(%dma_start3A_55 : memref<128x64xf32, #tpu.memory_space<hbm>>) target_semaphore(%run_scoped3A : memref<!tpu.dma_semaphore, #tpu.memory_space<semaphore_mem>>)
      %dma_wait3A = arith.constant 0 : i32
      %dma_wait3A_58 = tpu.memref_slice %arg5[%add3A_46, %dma_wait3A] : memref<20480x64xf32, #tpu.memory_space<hbm>> -> memref<128x64xf32, #tpu.memory_space<hbm>>
      %dma_wait3A_59 = arith.constant 0 : i32
      %dma_wait3A_60 = tpu.memref_slice %arg10[%add3A_44, %dma_wait3A_59] : memref<10240x64xf32, #tpu.memory_space<vmem_shared>> -> memref<128x64xf32, #tpu.memory_space<vmem_shared>>
      tpu.wait_dma2 semaphore(%run_scoped3A : memref<!tpu.dma_semaphore, #tpu.memory_space<semaphore_mem>>) src(%dma_wait3A_60 : memref<128x64xf32, #tpu.memory_space<vmem_shared>>) dst(%dma_wait3A_58 : memref<128x64xf32, #tpu.memory_space<hbm>>)
      tpu.yield
    }) : () -> ()
    %add3A_47 = arith.constant 384 : i32
    %add3A_48 = arith.addi %mul3A_5, %add3A_47 : i32
    %add3A_49 = arith.constant 384 : i32
    %add3A_50 = arith.addi %add3A_34, %add3A_49 : i32
    "tpu.region"() ({
      %run_scoped3A = tpu.sem_alloc : memref<!tpu.dma_semaphore, #tpu.memory_space<semaphore_mem>>
      %dma_start3A = arith.constant 0 : i32
      %dma_start3A_55 = tpu.memref_slice %arg5[%add3A_50, %dma_start3A] : memref<20480x64xf32, #tpu.memory_space<hbm>> -> memref<128x64xf32, #tpu.memory_space<hbm>>
      %dma_start3A_56 = arith.constant 0 : i32
      %dma_start3A_57 = tpu.memref_slice %arg10[%add3A_48, %dma_start3A_56] : memref<10240x64xf32, #tpu.memory_space<vmem_shared>> -> memref<128x64xf32, #tpu.memory_space<vmem_shared>>
      tpu.enqueue_dma source(%dma_start3A_57 : memref<128x64xf32, #tpu.memory_space<vmem_shared>>) target(%dma_start3A_55 : memref<128x64xf32, #tpu.memory_space<hbm>>) target_semaphore(%run_scoped3A : memref<!tpu.dma_semaphore, #tpu.memory_space<semaphore_mem>>)
      %dma_wait3A = arith.constant 0 : i32
      %dma_wait3A_58 = tpu.memref_slice %arg5[%add3A_50, %dma_wait3A] : memref<20480x64xf32, #tpu.memory_space<hbm>> -> memref<128x64xf32, #tpu.memory_space<hbm>>
      %dma_wait3A_59 = arith.constant 0 : i32
      %dma_wait3A_60 = tpu.memref_slice %arg10[%add3A_48, %dma_wait3A_59] : memref<10240x64xf32, #tpu.memory_space<vmem_shared>> -> memref<128x64xf32, #tpu.memory_space<vmem_shared>>
      tpu.wait_dma2 semaphore(%run_scoped3A : memref<!tpu.dma_semaphore, #tpu.memory_space<semaphore_mem>>) src(%dma_wait3A_60 : memref<128x64xf32, #tpu.memory_space<vmem_shared>>) dst(%dma_wait3A_58 : memref<128x64xf32, #tpu.memory_space<hbm>>)
      tpu.yield
    }) : () -> ()
    %add3A_51 = arith.constant 512 : i32
    %add3A_52 = arith.addi %mul3A_5, %add3A_51 : i32
    %add3A_53 = arith.constant 512 : i32
    %add3A_54 = arith.addi %add3A_34, %add3A_53 : i32
    "tpu.region"() ({
      %run_scoped3A = tpu.sem_alloc : memref<!tpu.dma_semaphore, #tpu.memory_space<semaphore_mem>>
      %dma_start3A = arith.constant 0 : i32
      %dma_start3A_55 = tpu.memref_slice %arg5[%add3A_54, %dma_start3A] : memref<20480x64xf32, #tpu.memory_space<hbm>> -> memref<128x64xf32, #tpu.memory_space<hbm>>
      %dma_start3A_56 = arith.constant 0 : i32
      %dma_start3A_57 = tpu.memref_slice %arg10[%add3A_52, %dma_start3A_56] : memref<10240x64xf32, #tpu.memory_space<vmem_shared>> -> memref<128x64xf32, #tpu.memory_space<vmem_shared>>
      tpu.enqueue_dma source(%dma_start3A_57 : memref<128x64xf32, #tpu.memory_space<vmem_shared>>) target(%dma_start3A_55 : memref<128x64xf32, #tpu.memory_space<hbm>>) target_semaphore(%run_scoped3A : memref<!tpu.dma_semaphore, #tpu.memory_space<semaphore_mem>>)
      %dma_wait3A = arith.constant 0 : i32
      %dma_wait3A_58 = tpu.memref_slice %arg5[%add3A_54, %dma_wait3A] : memref<20480x64xf32, #tpu.memory_space<hbm>> -> memref<128x64xf32, #tpu.memory_space<hbm>>
      %dma_wait3A_59 = arith.constant 0 : i32
      %dma_wait3A_60 = tpu.memref_slice %arg10[%add3A_52, %dma_wait3A_59] : memref<10240x64xf32, #tpu.memory_space<vmem_shared>> -> memref<128x64xf32, #tpu.memory_space<vmem_shared>>
      tpu.wait_dma2 semaphore(%run_scoped3A : memref<!tpu.dma_semaphore, #tpu.memory_space<semaphore_mem>>) src(%dma_wait3A_60 : memref<128x64xf32, #tpu.memory_space<vmem_shared>>) dst(%dma_wait3A_58 : memref<128x64xf32, #tpu.memory_space<hbm>>)
      tpu.yield
    }) : () -> ()
    return
  }
}

#map = affine_map<(d0, d1) -> (0, 0)>
#map1 = affine_map<(d0, d1) -> (0, 0, 0)>
module attributes {stable_mosaic.version = 14 : i64} {
  func.func @_scat_body(%arg0: i32, %arg1: i32, %arg2: memref<20000x64xf32, #tpu.memory_space<hbm>>, %arg3: memref<16x80x256xi32, #tpu.memory_space<hbm>>, %arg4: memref<16x80x256xi32, #tpu.memory_space<hbm>>, %arg5: memref<20480x64xf32, #tpu.memory_space<hbm>>, %arg6: memref<80x256xi32, #tpu.memory_space<vmem>>, %arg7: memref<80x256xi32, #tpu.memory_space<vmem>>, %arg8: memref<256x64xf32, #tpu.memory_space<vmem>>, %arg9: memref<256x64xf32, #tpu.memory_space<vmem>>, %arg10: memref<10240x64xf32, #tpu.memory_space<vmem_shared>>, %arg11: memref<!tpu.dma_semaphore, #tpu.memory_space<semaphore_mem>>, %arg12: memref<!tpu.dma_semaphore, #tpu.memory_space<semaphore_mem>>, %arg13: memref<!tpu.dma_semaphore, #tpu.memory_space<semaphore_mem>>, %arg14: memref<!tpu.dma_semaphore, #tpu.memory_space<semaphore_mem>>) attributes {dimension_semantics = [#tpu.dimension_semantics<core_parallel>, #tpu.dimension_semantics<subcore_parallel>], iteration_bounds = array<i64: 2, 16>, scalar_prefetch = 0 : i64, scratch_operands = 9 : i64, tpu.core_type = #tpu.core_type<sc_vector_subcore>, window_params = [{transform_indices = #map}, {transform_indices = #map1}, {transform_indices = #map1}, {transform_indices = #map}]} {
    %scan3A = arith.constant 0 : i32
    %scan3A_0 = arith.constant 0 : i32
    %scan3A_1 = arith.constant 1024 : i32
    %scan3A_2 = arith.addi %scan3A_0, %scan3A_1 : i32
    %scan3A_3 = arith.constant 1 : i32
    scf.for %scan3A_55 = %scan3A_0 to %scan3A_2 step %scan3A_3  : i32 {
      %jit3A = arith.constant 4 : i32
      %div3A = arith.divsi %scan3A_55, %jit3A : i32
      %sign3A = arith.constant 0 : i32
      %sign3A_56 = arith.cmpi sgt, %scan3A_55, %sign3A : i32
      %sign3A_57 = arith.extui %sign3A_56 : i1 to i32
      %sign3A_58 = arith.constant 0 : i32
      %sign3A_59 = arith.cmpi slt, %scan3A_55, %sign3A_58 : i32
      %sign3A_60 = arith.extui %sign3A_59 : i1 to i32
      %sign3A_61 = arith.subi %sign3A_57, %sign3A_60 : i32
      %sign3A_62 = arith.constant 0 : i32
      %sign3A_63 = arith.cmpi sgt, %jit3A, %sign3A_62 : i32
      %sign3A_64 = arith.extui %sign3A_63 : i1 to i32
      %sign3A_65 = arith.constant 0 : i32
      %sign3A_66 = arith.cmpi slt, %jit3A, %sign3A_65 : i32
      %sign3A_67 = arith.extui %sign3A_66 : i1 to i32
      %sign3A_68 = arith.subi %sign3A_64, %sign3A_67 : i32
      %ne3A = arith.cmpi ne, %sign3A_61, %sign3A_68 : i32
      %rem3A = arith.remsi %scan3A_55, %jit3A : i32
      %ne3A_69 = arith.constant 0 : i32
      %ne3A_70 = arith.cmpi ne, %rem3A, %ne3A_69 : i32
      %and3A = arith.andi %ne3A, %ne3A_70 : i1
      %sub3A = arith.constant 1 : i32
      %sub3A_71 = arith.subi %div3A, %sub3A : i32
      %select_n3A = arith.select %and3A, %sub3A_71, %div3A : i32
      %jit3A_72 = arith.constant 4 : i32
      %eq3A = arith.constant 0 : i32
      %eq3A_73 = arith.cmpi eq, %jit3A_72, %eq3A : i32
      %jit3A_74 = arith.constant 1 : i32
      %select_n3A_75 = arith.select %eq3A_73, %jit3A_74, %jit3A_72 : i32
      %rem3A_76 = arith.remsi %scan3A_55, %select_n3A_75 : i32
      %ne3A_77 = arith.constant 0 : i32
      %ne3A_78 = arith.cmpi ne, %rem3A_76, %ne3A_77 : i32
      %lt3A = arith.constant 0 : i32
      %lt3A_79 = arith.cmpi slt, %rem3A_76, %lt3A : i32
      %lt3A_80 = arith.constant 0 : i32
      %lt3A_81 = arith.cmpi slt, %select_n3A_75, %lt3A_80 : i32
      %ne3A_82 = arith.xori %lt3A_79, %lt3A_81 : i1
      %and3A_83 = arith.andi %ne3A_82, %ne3A_78 : i1
      %add3A_84 = arith.addi %rem3A_76, %select_n3A_75 : i32
      %select_n3A_85 = arith.select %and3A_83, %add3A_84, %rem3A_76 : i32
      %broadcast_in_dim3A = arith.constant 0.000000e+00 : f32
      %broadcast_in_dim3A_86 = vector.broadcast %broadcast_in_dim3A : f32 to vector<16xf32>
      %mul3A_87 = arith.constant 16 : i32
      %mul3A_88 = arith.muli %select_n3A_85, %mul3A_87 : i32
      %swap3A = arith.index_cast %select_n3A : i32 to index
      %swap3A_89 = arith.index_cast %mul3A_88 : i32 to index
      %swap3A_90 = tpu.vector_load %arg8[%swap3A, %swap3A_89] {strides = array<i32>} : memref<256x64xf32, #tpu.memory_space<vmem>>, vector<1x16xf32>,
      %swap3A_91 = vector.shape_cast %swap3A_90 : vector<1x16xf32> to vector<16xf32>
      %swap3A_92 = vector.shape_cast %broadcast_in_dim3A_86 : vector<16xf32> to vector<1x16xf32>
      tpu.vector_store %arg8[%swap3A, %swap3A_89], %swap3A_92 {strides = array<i32>} : memref<256x64xf32, #tpu.memory_space<vmem>>, vector<1x16xf32>,
    }
    %scan3A_4 = arith.constant 1024 : i32
    %mul3A = arith.constant 640 : i32
    %mul3A_5 = arith.muli %arg1, %mul3A : i32
    %add3A = arith.constant 0 : i32
    %add3A_6 = arith.addi %mul3A_5, %add3A : i32
    "tpu.region"() ({
      %run_scoped3A = tpu.sem_alloc : memref<!tpu.dma_semaphore, #tpu.memory_space<semaphore_mem>>
      %dma_start3A = arith.constant 0 : i32
      %dma_start3A_55 = arith.constant 0 : i32
      %dma_start3A_56 = tpu.memref_slice %arg8[%dma_start3A, %dma_start3A_55] : memref<256x64xf32, #tpu.memory_space<vmem>> -> memref<128x64xf32, #tpu.memory_space<vmem>>
      %dma_start3A_57 = arith.constant 0 : i32
      %dma_start3A_58 = tpu.memref_slice %arg10[%add3A_6, %dma_start3A_57] : memref<10240x64xf32, #tpu.memory_space<vmem_shared>> -> memref<128x64xf32, #tpu.memory_space<vmem_shared>>
      %dma_start3A_59 = arith.constant 0 : i32
      %dma_start3A_60 = tpu.memref_slice %arg10[%add3A_6, %dma_start3A_59] : memref<10240x64xf32, #tpu.memory_space<vmem_shared>> -> memref<128x64xf32, #tpu.memory_space<vmem_shared>>
      %dma_start3A_61 = arith.constant 0 : i32
      %dma_start3A_62 = arith.constant 0 : i32
      %dma_start3A_63 = tpu.memref_slice %arg8[%dma_start3A_61, %dma_start3A_62] : memref<256x64xf32, #tpu.memory_space<vmem>> -> memref<128x64xf32, #tpu.memory_space<vmem>>
      tpu.enqueue_dma source(%dma_start3A_63 : memref<128x64xf32, #tpu.memory_space<vmem>>) target(%dma_start3A_60 : memref<128x64xf32, #tpu.memory_space<vmem_shared>>) target_semaphore(%run_scoped3A : memref<!tpu.dma_semaphore, #tpu.memory_space<semaphore_mem>>)
      %dma_wait3A = arith.constant 0 : i32
      %dma_wait3A_64 = arith.constant 0 : i32
      %dma_wait3A_65 = tpu.memref_slice %arg8[%dma_wait3A, %dma_wait3A_64] : memref<256x64xf32, #tpu.memory_space<vmem>> -> memref<128x64xf32, #tpu.memory_space<vmem>>
      %dma_wait3A_66 = arith.constant 0 : i32
      %dma_wait3A_67 = tpu.memref_slice %arg10[%add3A_6, %dma_wait3A_66] : memref<10240x64xf32, #tpu.memory_space<vmem_shared>> -> memref<128x64xf32, #tpu.memory_space<vmem_shared>>
      %dma_wait3A_68 = arith.constant 0 : i32
      %dma_wait3A_69 = tpu.memref_slice %arg10[%add3A_6, %dma_wait3A_68] : memref<10240x64xf32, #tpu.memory_space<vmem_shared>> -> memref<128x64xf32, #tpu.memory_space<vmem_shared>>
      %dma_wait3A_70 = arith.constant 0 : i32
      %dma_wait3A_71 = arith.constant 0 : i32
      %dma_wait3A_72 = tpu.memref_slice %arg8[%dma_wait3A_70, %dma_wait3A_71] : memref<256x64xf32, #tpu.memory_space<vmem>> -> memref<128x64xf32, #tpu.memory_space<vmem>>
      tpu.wait_dma2 semaphore(%run_scoped3A : memref<!tpu.dma_semaphore, #tpu.memory_space<semaphore_mem>>) src(%dma_wait3A_72 : memref<128x64xf32, #tpu.memory_space<vmem>>) dst(%dma_wait3A_69 : memref<128x64xf32, #tpu.memory_space<vmem_shared>>)
      tpu.yield
    }) : () -> ()
    %add3A_7 = arith.constant 128 : i32
    %add3A_8 = arith.addi %mul3A_5, %add3A_7 : i32
    "tpu.region"() ({
      %run_scoped3A = tpu.sem_alloc : memref<!tpu.dma_semaphore, #tpu.memory_space<semaphore_mem>>
      %dma_start3A = arith.constant 0 : i32
      %dma_start3A_55 = arith.constant 0 : i32
      %dma_start3A_56 = tpu.memref_slice %arg8[%dma_start3A, %dma_start3A_55] : memref<256x64xf32, #tpu.memory_space<vmem>> -> memref<128x64xf32, #tpu.memory_space<vmem>>
      %dma_start3A_57 = arith.constant 0 : i32
      %dma_start3A_58 = tpu.memref_slice %arg10[%add3A_8, %dma_start3A_57] : memref<10240x64xf32, #tpu.memory_space<vmem_shared>> -> memref<128x64xf32, #tpu.memory_space<vmem_shared>>
      %dma_start3A_59 = arith.constant 0 : i32
      %dma_start3A_60 = tpu.memref_slice %arg10[%add3A_8, %dma_start3A_59] : memref<10240x64xf32, #tpu.memory_space<vmem_shared>> -> memref<128x64xf32, #tpu.memory_space<vmem_shared>>
      %dma_start3A_61 = arith.constant 0 : i32
      %dma_start3A_62 = arith.constant 0 : i32
      %dma_start3A_63 = tpu.memref_slice %arg8[%dma_start3A_61, %dma_start3A_62] : memref<256x64xf32, #tpu.memory_space<vmem>> -> memref<128x64xf32, #tpu.memory_space<vmem>>
      tpu.enqueue_dma source(%dma_start3A_63 : memref<128x64xf32, #tpu.memory_space<vmem>>) target(%dma_start3A_60 : memref<128x64xf32, #tpu.memory_space<vmem_shared>>) target_semaphore(%run_scoped3A : memref<!tpu.dma_semaphore, #tpu.memory_space<semaphore_mem>>)
      %dma_wait3A = arith.constant 0 : i32
      %dma_wait3A_64 = arith.constant 0 : i32
      %dma_wait3A_65 = tpu.memref_slice %arg8[%dma_wait3A, %dma_wait3A_64] : memref<256x64xf32, #tpu.memory_space<vmem>> -> memref<128x64xf32, #tpu.memory_space<vmem>>
      %dma_wait3A_66 = arith.constant 0 : i32
      %dma_wait3A_67 = tpu.memref_slice %arg10[%add3A_8, %dma_wait3A_66] : memref<10240x64xf32, #tpu.memory_space<vmem_shared>> -> memref<128x64xf32, #tpu.memory_space<vmem_shared>>
      %dma_wait3A_68 = arith.constant 0 : i32
      %dma_wait3A_69 = tpu.memref_slice %arg10[%add3A_8, %dma_wait3A_68] : memref<10240x64xf32, #tpu.memory_space<vmem_shared>> -> memref<128x64xf32, #tpu.memory_space<vmem_shared>>
      %dma_wait3A_70 = arith.constant 0 : i32
      %dma_wait3A_71 = arith.constant 0 : i32
      %dma_wait3A_72 = tpu.memref_slice %arg8[%dma_wait3A_70, %dma_wait3A_71] : memref<256x64xf32, #tpu.memory_space<vmem>> -> memref<128x64xf32, #tpu.memory_space<vmem>>
      tpu.wait_dma2 semaphore(%run_scoped3A : memref<!tpu.dma_semaphore, #tpu.memory_space<semaphore_mem>>) src(%dma_wait3A_72 : memref<128x64xf32, #tpu.memory_space<vmem>>) dst(%dma_wait3A_69 : memref<128x64xf32, #tpu.memory_space<vmem_shared>>)
      tpu.yield
    }) : () -> ()
    %add3A_9 = arith.constant 256 : i32
    %add3A_10 = arith.addi %mul3A_5, %add3A_9 : i32
    "tpu.region"() ({
      %run_scoped3A = tpu.sem_alloc : memref<!tpu.dma_semaphore, #tpu.memory_space<semaphore_mem>>
      %dma_start3A = arith.constant 0 : i32
      %dma_start3A_55 = arith.constant 0 : i32
      %dma_start3A_56 = tpu.memref_slice %arg8[%dma_start3A, %dma_start3A_55] : memref<256x64xf32, #tpu.memory_space<vmem>> -> memref<128x64xf32, #tpu.memory_space<vmem>>
      %dma_start3A_57 = arith.constant 0 : i32
      %dma_start3A_58 = tpu.memref_slice %arg10[%add3A_10, %dma_start3A_57] : memref<10240x64xf32, #tpu.memory_space<vmem_shared>> -> memref<128x64xf32, #tpu.memory_space<vmem_shared>>
      %dma_start3A_59 = arith.constant 0 : i32
      %dma_start3A_60 = tpu.memref_slice %arg10[%add3A_10, %dma_start3A_59] : memref<10240x64xf32, #tpu.memory_space<vmem_shared>> -> memref<128x64xf32, #tpu.memory_space<vmem_shared>>
      %dma_start3A_61 = arith.constant 0 : i32
      %dma_start3A_62 = arith.constant 0 : i32
      %dma_start3A_63 = tpu.memref_slice %arg8[%dma_start3A_61, %dma_start3A_62] : memref<256x64xf32, #tpu.memory_space<vmem>> -> memref<128x64xf32, #tpu.memory_space<vmem>>
      tpu.enqueue_dma source(%dma_start3A_63 : memref<128x64xf32, #tpu.memory_space<vmem>>) target(%dma_start3A_60 : memref<128x64xf32, #tpu.memory_space<vmem_shared>>) target_semaphore(%run_scoped3A : memref<!tpu.dma_semaphore, #tpu.memory_space<semaphore_mem>>)
      %dma_wait3A = arith.constant 0 : i32
      %dma_wait3A_64 = arith.constant 0 : i32
      %dma_wait3A_65 = tpu.memref_slice %arg8[%dma_wait3A, %dma_wait3A_64] : memref<256x64xf32, #tpu.memory_space<vmem>> -> memref<128x64xf32, #tpu.memory_space<vmem>>
      %dma_wait3A_66 = arith.constant 0 : i32
      %dma_wait3A_67 = tpu.memref_slice %arg10[%add3A_10, %dma_wait3A_66] : memref<10240x64xf32, #tpu.memory_space<vmem_shared>> -> memref<128x64xf32, #tpu.memory_space<vmem_shared>>
      %dma_wait3A_68 = arith.constant 0 : i32
      %dma_wait3A_69 = tpu.memref_slice %arg10[%add3A_10, %dma_wait3A_68] : memref<10240x64xf32, #tpu.memory_space<vmem_shared>> -> memref<128x64xf32, #tpu.memory_space<vmem_shared>>
      %dma_wait3A_70 = arith.constant 0 : i32
      %dma_wait3A_71 = arith.constant 0 : i32
      %dma_wait3A_72 = tpu.memref_slice %arg8[%dma_wait3A_70, %dma_wait3A_71] : memref<256x64xf32, #tpu.memory_space<vmem>> -> memref<128x64xf32, #tpu.memory_space<vmem>>
      tpu.wait_dma2 semaphore(%run_scoped3A : memref<!tpu.dma_semaphore, #tpu.memory_space<semaphore_mem>>) src(%dma_wait3A_72 : memref<128x64xf32, #tpu.memory_space<vmem>>) dst(%dma_wait3A_69 : memref<128x64xf32, #tpu.memory_space<vmem_shared>>)
      tpu.yield
    }) : () -> ()
    %add3A_11 = arith.constant 384 : i32
    %add3A_12 = arith.addi %mul3A_5, %add3A_11 : i32
    "tpu.region"() ({
      %run_scoped3A = tpu.sem_alloc : memref<!tpu.dma_semaphore, #tpu.memory_space<semaphore_mem>>
      %dma_start3A = arith.constant 0 : i32
      %dma_start3A_55 = arith.constant 0 : i32
      %dma_start3A_56 = tpu.memref_slice %arg8[%dma_start3A, %dma_start3A_55] : memref<256x64xf32, #tpu.memory_space<vmem>> -> memref<128x64xf32, #tpu.memory_space<vmem>>
      %dma_start3A_57 = arith.constant 0 : i32
      %dma_start3A_58 = tpu.memref_slice %arg10[%add3A_12, %dma_start3A_57] : memref<10240x64xf32, #tpu.memory_space<vmem_shared>> -> memref<128x64xf32, #tpu.memory_space<vmem_shared>>
      %dma_start3A_59 = arith.constant 0 : i32
      %dma_start3A_60 = tpu.memref_slice %arg10[%add3A_12, %dma_start3A_59] : memref<10240x64xf32, #tpu.memory_space<vmem_shared>> -> memref<128x64xf32, #tpu.memory_space<vmem_shared>>
      %dma_start3A_61 = arith.constant 0 : i32
      %dma_start3A_62 = arith.constant 0 : i32
      %dma_start3A_63 = tpu.memref_slice %arg8[%dma_start3A_61, %dma_start3A_62] : memref<256x64xf32, #tpu.memory_space<vmem>> -> memref<128x64xf32, #tpu.memory_space<vmem>>
      tpu.enqueue_dma source(%dma_start3A_63 : memref<128x64xf32, #tpu.memory_space<vmem>>) target(%dma_start3A_60 : memref<128x64xf32, #tpu.memory_space<vmem_shared>>) target_semaphore(%run_scoped3A : memref<!tpu.dma_semaphore, #tpu.memory_space<semaphore_mem>>)
      %dma_wait3A = arith.constant 0 : i32
      %dma_wait3A_64 = arith.constant 0 : i32
      %dma_wait3A_65 = tpu.memref_slice %arg8[%dma_wait3A, %dma_wait3A_64] : memref<256x64xf32, #tpu.memory_space<vmem>> -> memref<128x64xf32, #tpu.memory_space<vmem>>
      %dma_wait3A_66 = arith.constant 0 : i32
      %dma_wait3A_67 = tpu.memref_slice %arg10[%add3A_12, %dma_wait3A_66] : memref<10240x64xf32, #tpu.memory_space<vmem_shared>> -> memref<128x64xf32, #tpu.memory_space<vmem_shared>>
      %dma_wait3A_68 = arith.constant 0 : i32
      %dma_wait3A_69 = tpu.memref_slice %arg10[%add3A_12, %dma_wait3A_68] : memref<10240x64xf32, #tpu.memory_space<vmem_shared>> -> memref<128x64xf32, #tpu.memory_space<vmem_shared>>
      %dma_wait3A_70 = arith.constant 0 : i32
      %dma_wait3A_71 = arith.constant 0 : i32
      %dma_wait3A_72 = tpu.memref_slice %arg8[%dma_wait3A_70, %dma_wait3A_71] : memref<256x64xf32, #tpu.memory_space<vmem>> -> memref<128x64xf32, #tpu.memory_space<vmem>>
      tpu.wait_dma2 semaphore(%run_scoped3A : memref<!tpu.dma_semaphore, #tpu.memory_space<semaphore_mem>>) src(%dma_wait3A_72 : memref<128x64xf32, #tpu.memory_space<vmem>>) dst(%dma_wait3A_69 : memref<128x64xf32, #tpu.memory_space<vmem_shared>>)
      tpu.yield
    }) : () -> ()
    %add3A_13 = arith.constant 512 : i32
    %add3A_14 = arith.addi %mul3A_5, %add3A_13 : i32
    "tpu.region"() ({
      %run_scoped3A = tpu.sem_alloc : memref<!tpu.dma_semaphore, #tpu.memory_space<semaphore_mem>>
      %dma_start3A = arith.constant 0 : i32
      %dma_start3A_55 = arith.constant 0 : i32
      %dma_start3A_56 = tpu.memref_slice %arg8[%dma_start3A, %dma_start3A_55] : memref<256x64xf32, #tpu.memory_space<vmem>> -> memref<128x64xf32, #tpu.memory_space<vmem>>
      %dma_start3A_57 = arith.constant 0 : i32
      %dma_start3A_58 = tpu.memref_slice %arg10[%add3A_14, %dma_start3A_57] : memref<10240x64xf32, #tpu.memory_space<vmem_shared>> -> memref<128x64xf32, #tpu.memory_space<vmem_shared>>
      %dma_start3A_59 = arith.constant 0 : i32
      %dma_start3A_60 = tpu.memref_slice %arg10[%add3A_14, %dma_start3A_59] : memref<10240x64xf32, #tpu.memory_space<vmem_shared>> -> memref<128x64xf32, #tpu.memory_space<vmem_shared>>
      %dma_start3A_61 = arith.constant 0 : i32
      %dma_start3A_62 = arith.constant 0 : i32
      %dma_start3A_63 = tpu.memref_slice %arg8[%dma_start3A_61, %dma_start3A_62] : memref<256x64xf32, #tpu.memory_space<vmem>> -> memref<128x64xf32, #tpu.memory_space<vmem>>
      tpu.enqueue_dma source(%dma_start3A_63 : memref<128x64xf32, #tpu.memory_space<vmem>>) target(%dma_start3A_60 : memref<128x64xf32, #tpu.memory_space<vmem_shared>>) target_semaphore(%run_scoped3A : memref<!tpu.dma_semaphore, #tpu.memory_space<semaphore_mem>>)
      %dma_wait3A = arith.constant 0 : i32
      %dma_wait3A_64 = arith.constant 0 : i32
      %dma_wait3A_65 = tpu.memref_slice %arg8[%dma_wait3A, %dma_wait3A_64] : memref<256x64xf32, #tpu.memory_space<vmem>> -> memref<128x64xf32, #tpu.memory_space<vmem>>
      %dma_wait3A_66 = arith.constant 0 : i32
      %dma_wait3A_67 = tpu.memref_slice %arg10[%add3A_14, %dma_wait3A_66] : memref<10240x64xf32, #tpu.memory_space<vmem_shared>> -> memref<128x64xf32, #tpu.memory_space<vmem_shared>>
      %dma_wait3A_68 = arith.constant 0 : i32
      %dma_wait3A_69 = tpu.memref_slice %arg10[%add3A_14, %dma_wait3A_68] : memref<10240x64xf32, #tpu.memory_space<vmem_shared>> -> memref<128x64xf32, #tpu.memory_space<vmem_shared>>
      %dma_wait3A_70 = arith.constant 0 : i32
      %dma_wait3A_71 = arith.constant 0 : i32
      %dma_wait3A_72 = tpu.memref_slice %arg8[%dma_wait3A_70, %dma_wait3A_71] : memref<256x64xf32, #tpu.memory_space<vmem>> -> memref<128x64xf32, #tpu.memory_space<vmem>>
      tpu.wait_dma2 semaphore(%run_scoped3A : memref<!tpu.dma_semaphore, #tpu.memory_space<semaphore_mem>>) src(%dma_wait3A_72 : memref<128x64xf32, #tpu.memory_space<vmem>>) dst(%dma_wait3A_69 : memref<128x64xf32, #tpu.memory_space<vmem_shared>>)
      tpu.yield
    }) : () -> ()
    %barrier3A = arith.constant 0 : index
    tpu.barrier barrier_id(%barrier3A)
    "tpu.region"() ({
      %run_scoped3A = tpu.sem_alloc : memref<!tpu.dma_semaphore, #tpu.memory_space<semaphore_mem>>
      %dma_start3A = arith.constant 0 : i32
      %dma_start3A_55 = arith.constant 0 : i32
      %dma_start3A_56 = tpu.memref_slice %arg3[%arg1, %dma_start3A, %dma_start3A_55] : memref<16x80x256xi32, #tpu.memory_space<hbm>> -> memref<1x80x256xi32, #tpu.memory_space<hbm>>
      %dma_start3A_57 = tpu.memref_squeeze %dma_start3A_56 : memref<1x80x256xi32, #tpu.memory_space<hbm>> -> memref<80x256xi32, #tpu.memory_space<hbm>>
      %dma_start3A_58 = arith.constant 0 : i32
      %dma_start3A_59 = arith.constant 0 : i32
      %dma_start3A_60 = tpu.memref_slice %arg3[%arg1, %dma_start3A_58, %dma_start3A_59] : memref<16x80x256xi32, #tpu.memory_space<hbm>> -> memref<1x80x256xi32, #tpu.memory_space<hbm>>
      %dma_start3A_61 = tpu.memref_squeeze %dma_start3A_60 : memref<1x80x256xi32, #tpu.memory_space<hbm>> -> memref<80x256xi32, #tpu.memory_space<hbm>>
      tpu.enqueue_dma source(%dma_start3A_61 : memref<80x256xi32, #tpu.memory_space<hbm>>) target(%arg6 : memref<80x256xi32, #tpu.memory_space<vmem>>) target_semaphore(%run_scoped3A : memref<!tpu.dma_semaphore, #tpu.memory_space<semaphore_mem>>)
      %dma_wait3A = arith.constant 0 : i32
      %dma_wait3A_62 = arith.constant 0 : i32
      %dma_wait3A_63 = tpu.memref_slice %arg3[%arg1, %dma_wait3A, %dma_wait3A_62] : memref<16x80x256xi32, #tpu.memory_space<hbm>> -> memref<1x80x256xi32, #tpu.memory_space<hbm>>
      %dma_wait3A_64 = tpu.memref_squeeze %dma_wait3A_63 : memref<1x80x256xi32, #tpu.memory_space<hbm>> -> memref<80x256xi32, #tpu.memory_space<hbm>>
      %dma_wait3A_65 = arith.constant 0 : i32
      %dma_wait3A_66 = arith.constant 0 : i32
      %dma_wait3A_67 = tpu.memref_slice %arg3[%arg1, %dma_wait3A_65, %dma_wait3A_66] : memref<16x80x256xi32, #tpu.memory_space<hbm>> -> memref<1x80x256xi32, #tpu.memory_space<hbm>>
      %dma_wait3A_68 = tpu.memref_squeeze %dma_wait3A_67 : memref<1x80x256xi32, #tpu.memory_space<hbm>> -> memref<80x256xi32, #tpu.memory_space<hbm>>
      tpu.wait_dma2 semaphore(%run_scoped3A : memref<!tpu.dma_semaphore, #tpu.memory_space<semaphore_mem>>) src(%dma_wait3A_68 : memref<80x256xi32, #tpu.memory_space<hbm>>) dst(%arg6 : memref<80x256xi32, #tpu.memory_space<vmem>>)
      tpu.yield
    }) : () -> ()
    "tpu.region"() ({
      %run_scoped3A = tpu.sem_alloc : memref<!tpu.dma_semaphore, #tpu.memory_space<semaphore_mem>>
      %dma_start3A = arith.constant 0 : i32
      %dma_start3A_55 = arith.constant 0 : i32
      %dma_start3A_56 = tpu.memref_slice %arg4[%arg1, %dma_start3A, %dma_start3A_55] : memref<16x80x256xi32, #tpu.memory_space<hbm>> -> memref<1x80x256xi32, #tpu.memory_space<hbm>>
      %dma_start3A_57 = tpu.memref_squeeze %dma_start3A_56 : memref<1x80x256xi32, #tpu.memory_space<hbm>> -> memref<80x256xi32, #tpu.memory_space<hbm>>
      %dma_start3A_58 = arith.constant 0 : i32
      %dma_start3A_59 = arith.constant 0 : i32
      %dma_start3A_60 = tpu.memref_slice %arg4[%arg1, %dma_start3A_58, %dma_start3A_59] : memref<16x80x256xi32, #tpu.memory_space<hbm>> -> memref<1x80x256xi32, #tpu.memory_space<hbm>>
      %dma_start3A_61 = tpu.memref_squeeze %dma_start3A_60 : memref<1x80x256xi32, #tpu.memory_space<hbm>> -> memref<80x256xi32, #tpu.memory_space<hbm>>
      tpu.enqueue_dma source(%dma_start3A_61 : memref<80x256xi32, #tpu.memory_space<hbm>>) target(%arg7 : memref<80x256xi32, #tpu.memory_space<vmem>>) target_semaphore(%run_scoped3A : memref<!tpu.dma_semaphore, #tpu.memory_space<semaphore_mem>>)
      %dma_wait3A = arith.constant 0 : i32
      %dma_wait3A_62 = arith.constant 0 : i32
      %dma_wait3A_63 = tpu.memref_slice %arg4[%arg1, %dma_wait3A, %dma_wait3A_62] : memref<16x80x256xi32, #tpu.memory_space<hbm>> -> memref<1x80x256xi32, #tpu.memory_space<hbm>>
      %dma_wait3A_64 = tpu.memref_squeeze %dma_wait3A_63 : memref<1x80x256xi32, #tpu.memory_space<hbm>> -> memref<80x256xi32, #tpu.memory_space<hbm>>
      %dma_wait3A_65 = arith.constant 0 : i32
      %dma_wait3A_66 = arith.constant 0 : i32
      %dma_wait3A_67 = tpu.memref_slice %arg4[%arg1, %dma_wait3A_65, %dma_wait3A_66] : memref<16x80x256xi32, #tpu.memory_space<hbm>> -> memref<1x80x256xi32, #tpu.memory_space<hbm>>
      %dma_wait3A_68 = tpu.memref_squeeze %dma_wait3A_67 : memref<1x80x256xi32, #tpu.memory_space<hbm>> -> memref<80x256xi32, #tpu.memory_space<hbm>>
      tpu.wait_dma2 semaphore(%run_scoped3A : memref<!tpu.dma_semaphore, #tpu.memory_space<semaphore_mem>>) src(%dma_wait3A_68 : memref<80x256xi32, #tpu.memory_space<hbm>>) dst(%arg7 : memref<80x256xi32, #tpu.memory_space<vmem>>)
      tpu.yield
    }) : () -> ()
    %mul3A_15 = arith.constant 10000 : i32
    %mul3A_16 = arith.muli %arg0, %mul3A_15 : i32
    %scan3A_17 = arith.constant 0 : i32
    %scan3A_18 = arith.constant 0 : i32
    %scan3A_19 = arith.constant 1280 : i32
    %scan3A_20 = arith.addi %scan3A_18, %scan3A_19 : i32
    %scan3A_21 = arith.constant 1 : i32
    scf.for %scan3A_55 = %scan3A_18 to %scan3A_20 step %scan3A_21  : i32 {
      %jit3A = arith.constant 16 : i32
      %div3A = arith.divsi %scan3A_55, %jit3A : i32
      %sign3A = arith.constant 0 : i32
      %sign3A_56 = arith.cmpi sgt, %scan3A_55, %sign3A : i32
      %sign3A_57 = arith.extui %sign3A_56 : i1 to i32
      %sign3A_58 = arith.constant 0 : i32
      %sign3A_59 = arith.cmpi slt, %scan3A_55, %sign3A_58 : i32
      %sign3A_60 = arith.extui %sign3A_59 : i1 to i32
      %sign3A_61 = arith.subi %sign3A_57, %sign3A_60 : i32
      %sign3A_62 = arith.constant 0 : i32
      %sign3A_63 = arith.cmpi sgt, %jit3A, %sign3A_62 : i32
      %sign3A_64 = arith.extui %sign3A_63 : i1 to i32
      %sign3A_65 = arith.constant 0 : i32
      %sign3A_66 = arith.cmpi slt, %jit3A, %sign3A_65 : i32
      %sign3A_67 = arith.extui %sign3A_66 : i1 to i32
      %sign3A_68 = arith.subi %sign3A_64, %sign3A_67 : i32
      %ne3A = arith.cmpi ne, %sign3A_61, %sign3A_68 : i32
      %rem3A = arith.remsi %scan3A_55, %jit3A : i32
      %ne3A_69 = arith.constant 0 : i32
      %ne3A_70 = arith.cmpi ne, %rem3A, %ne3A_69 : i32
      %and3A = arith.andi %ne3A, %ne3A_70 : i1
      %sub3A = arith.constant 1 : i32
      %sub3A_71 = arith.subi %div3A, %sub3A : i32
      %select_n3A = arith.select %and3A, %sub3A_71, %div3A : i32
      %jit3A_72 = arith.constant 16 : i32
      %eq3A = arith.constant 0 : i32
      %eq3A_73 = arith.cmpi eq, %jit3A_72, %eq3A : i32
      %jit3A_74 = arith.constant 1 : i32
      %select_n3A_75 = arith.select %eq3A_73, %jit3A_74, %jit3A_72 : i32
      %rem3A_76 = arith.remsi %scan3A_55, %select_n3A_75 : i32
      %ne3A_77 = arith.constant 0 : i32
      %ne3A_78 = arith.cmpi ne, %rem3A_76, %ne3A_77 : i32
      %lt3A = arith.constant 0 : i32
      %lt3A_79 = arith.cmpi slt, %rem3A_76, %lt3A : i32
      %lt3A_80 = arith.constant 0 : i32
      %lt3A_81 = arith.cmpi slt, %select_n3A_75, %lt3A_80 : i32
      %ne3A_82 = arith.xori %lt3A_79, %lt3A_81 : i1
      %and3A_83 = arith.andi %ne3A_82, %ne3A_78 : i1
      %add3A_84 = arith.addi %rem3A_76, %select_n3A_75 : i32
      %select_n3A_85 = arith.select %and3A_83, %add3A_84, %rem3A_76 : i32
      %mul3A_86 = arith.constant 16 : i32
      %mul3A_87 = arith.muli %select_n3A_85, %mul3A_86 : i32
      %get3A = arith.index_cast %select_n3A : i32 to index
      %get3A_88 = arith.index_cast %mul3A_87 : i32 to index
      %get3A_89 = tpu.vector_load %arg6[%get3A, %get3A_88] {strides = array<i32>} : memref<80x256xi32, #tpu.memory_space<vmem>>, vector<1x16xi32>,
      %get3A_90 = vector.shape_cast %get3A_89 : vector<1x16xi32> to vector<16xi32>
      %add3A_91 = vector.broadcast %mul3A_16 : i32 to vector<16xi32>
      %add3A_92 = arith.addi %get3A_90, %add3A_91 : vector<16xi32>
      %mul3A_93 = arith.constant 16 : i32
      %mul3A_94 = arith.muli %select_n3A_85, %mul3A_93 : i32
      %swap3A = arith.index_cast %select_n3A : i32 to index
      %swap3A_95 = arith.index_cast %mul3A_94 : i32 to index
      %swap3A_96 = tpu.vector_load %arg6[%swap3A, %swap3A_95] {strides = array<i32>} : memref<80x256xi32, #tpu.memory_space<vmem>>, vector<1x16xi32>,
      %swap3A_97 = vector.shape_cast %swap3A_96 : vector<1x16xi32> to vector<16xi32>
      %swap3A_98 = vector.shape_cast %add3A_92 : vector<16xi32> to vector<1x16xi32>
      tpu.vector_store %arg6[%swap3A, %swap3A_95], %swap3A_98 {strides = array<i32>} : memref<80x256xi32, #tpu.memory_space<vmem>>, vector<1x16xi32>,
    }
    %scan3A_22 = arith.constant 1280 : i32
    %scan3A_23 = arith.constant 0 : i32
    %scan3A_24 = arith.constant 0 : i32
    %scan3A_25 = arith.constant 40 : i32
    %scan3A_26 = arith.addi %scan3A_24, %scan3A_25 : i32
    %scan3A_27 = arith.constant 1 : i32
    scf.for %scan3A_55 = %scan3A_24 to %scan3A_26 step %scan3A_27  : i32 {
      %mul3A_56 = arith.constant 2 : i32
      %mul3A_57 = arith.muli %mul3A_56, %scan3A_55 : i32
      %dma_start3A = arith.constant 0 : i32
      %dma_start3A_58 = tpu.memref_slice %arg6[%mul3A_57, %dma_start3A] : memref<80x256xi32, #tpu.memory_space<vmem>> -> memref<1x256xi32, #tpu.memory_space<vmem>>
      %dma_start3A_59 = tpu.memref_squeeze %dma_start3A_58 : memref<1x256xi32, #tpu.memory_space<vmem>> -> memref<256xi32, #tpu.memory_space<vmem>>
      %dma_start3A_60 = arith.constant 0 : i32
      %dma_start3A_61 = arith.constant 0 : i32
      %dma_start3A_62 = tpu.memref_slice %arg2[%dma_start3A_60, %dma_start3A_61] : memref<20000x64xf32, #tpu.memory_space<hbm>> -> memref<20000x64xf32, #tpu.memory_space<hbm>>
      tpu.enqueue_indirect_dma source(%dma_start3A_62 : memref<20000x64xf32, #tpu.memory_space<hbm>>) target(%arg8 : memref<256x64xf32, #tpu.memory_space<vmem>>) offsets(%dma_start3A_59 : memref<256xi32, #tpu.memory_space<vmem>>) semaphore(%arg11 : memref<!tpu.dma_semaphore, #tpu.memory_space<semaphore_mem>>)
      %mul3A_63 = arith.constant 2 : i32
      %mul3A_64 = arith.muli %mul3A_63, %scan3A_55 : i32
      %add3A_65 = arith.constant 1 : i32
      %add3A_66 = arith.addi %mul3A_64, %add3A_65 : i32
      %dma_start3A_67 = arith.constant 0 : i32
      %dma_start3A_68 = tpu.memref_slice %arg6[%add3A_66, %dma_start3A_67] : memref<80x256xi32, #tpu.memory_space<vmem>> -> memref<1x256xi32, #tpu.memory_space<vmem>>
      %dma_start3A_69 = tpu.memref_squeeze %dma_start3A_68 : memref<1x256xi32, #tpu.memory_space<vmem>> -> memref<256xi32, #tpu.memory_space<vmem>>
      %dma_start3A_70 = arith.constant 0 : i32
      %dma_start3A_71 = arith.constant 0 : i32
      %dma_start3A_72 = tpu.memref_slice %arg2[%dma_start3A_70, %dma_start3A_71] : memref<20000x64xf32, #tpu.memory_space<hbm>> -> memref<20000x64xf32, #tpu.memory_space<hbm>>
      tpu.enqueue_indirect_dma source(%dma_start3A_72 : memref<20000x64xf32, #tpu.memory_space<hbm>>) target(%arg9 : memref<256x64xf32, #tpu.memory_space<vmem>>) offsets(%dma_start3A_69 : memref<256xi32, #tpu.memory_space<vmem>>) semaphore(%arg12 : memref<!tpu.dma_semaphore, #tpu.memory_space<semaphore_mem>>)
      %dma_wait3A = arith.constant 0 : i32
      %dma_wait3A_73 = tpu.memref_slice %arg6[%mul3A_57, %dma_wait3A] : memref<80x256xi32, #tpu.memory_space<vmem>> -> memref<1x256xi32, #tpu.memory_space<vmem>>
      %dma_wait3A_74 = tpu.memref_squeeze %dma_wait3A_73 : memref<1x256xi32, #tpu.memory_space<vmem>> -> memref<256xi32, #tpu.memory_space<vmem>>
      %dma_wait3A_75 = arith.constant 0 : i32
      %dma_wait3A_76 = arith.constant 0 : i32
      %dma_wait3A_77 = tpu.memref_slice %arg2[%dma_wait3A_75, %dma_wait3A_76] : memref<20000x64xf32, #tpu.memory_space<hbm>> -> memref<20000x64xf32, #tpu.memory_space<hbm>>
      tpu.wait_indirect_dma semaphore(%arg11 : memref<!tpu.dma_semaphore, #tpu.memory_space<semaphore_mem>>) src(%dma_wait3A_77 : memref<20000x64xf32, #tpu.memory_space<hbm>>) dst(%arg8 : memref<256x64xf32, #tpu.memory_space<vmem>>)
      %mul3A_78 = arith.constant 2 : i32
      %mul3A_79 = arith.muli %mul3A_78, %scan3A_55 : i32
      %dma_start3A_80 = arith.constant 0 : i32
      %dma_start3A_81 = tpu.memref_slice %arg7[%mul3A_79, %dma_start3A_80] : memref<80x256xi32, #tpu.memory_space<vmem>> -> memref<1x256xi32, #tpu.memory_space<vmem>>
      %dma_start3A_82 = tpu.memref_squeeze %dma_start3A_81 : memref<1x256xi32, #tpu.memory_space<vmem>> -> memref<256xi32, #tpu.memory_space<vmem>>
      %dma_start3A_83 = arith.constant 0 : i32
      %dma_start3A_84 = arith.constant 0 : i32
      %dma_start3A_85 = tpu.memref_slice %arg10[%dma_start3A_83, %dma_start3A_84] : memref<10240x64xf32, #tpu.memory_space<vmem_shared>> -> memref<10240x64xf32, #tpu.memory_space<vmem_shared>>
      tpu.enqueue_indirect_dma source(%arg8 : memref<256x64xf32, #tpu.memory_space<vmem>>) target(%dma_start3A_85 : memref<10240x64xf32, #tpu.memory_space<vmem_shared>>) offsets(%dma_start3A_82 : memref<256xi32, #tpu.memory_space<vmem>>) semaphore(%arg13 : memref<!tpu.dma_semaphore, #tpu.memory_space<semaphore_mem>>) {add = true}
      %dma_wait3A_86 = arith.constant 0 : i32
      %dma_wait3A_87 = tpu.memref_slice %arg6[%add3A_66, %dma_wait3A_86] : memref<80x256xi32, #tpu.memory_space<vmem>> -> memref<1x256xi32, #tpu.memory_space<vmem>>
      %dma_wait3A_88 = tpu.memref_squeeze %dma_wait3A_87 : memref<1x256xi32, #tpu.memory_space<vmem>> -> memref<256xi32, #tpu.memory_space<vmem>>
      %dma_wait3A_89 = arith.constant 0 : i32
      %dma_wait3A_90 = arith.constant 0 : i32
      %dma_wait3A_91 = tpu.memref_slice %arg2[%dma_wait3A_89, %dma_wait3A_90] : memref<20000x64xf32, #tpu.memory_space<hbm>> -> memref<20000x64xf32, #tpu.memory_space<hbm>>
      tpu.wait_indirect_dma semaphore(%arg12 : memref<!tpu.dma_semaphore, #tpu.memory_space<semaphore_mem>>) src(%dma_wait3A_91 : memref<20000x64xf32, #tpu.memory_space<hbm>>) dst(%arg9 : memref<256x64xf32, #tpu.memory_space<vmem>>)
      %mul3A_92 = arith.constant 2 : i32
      %mul3A_93 = arith.muli %mul3A_92, %scan3A_55 : i32
      %add3A_94 = arith.constant 1 : i32
      %add3A_95 = arith.addi %mul3A_93, %add3A_94 : i32
      %dma_start3A_96 = arith.constant 0 : i32
      %dma_start3A_97 = tpu.memref_slice %arg7[%add3A_95, %dma_start3A_96] : memref<80x256xi32, #tpu.memory_space<vmem>> -> memref<1x256xi32, #tpu.memory_space<vmem>>
      %dma_start3A_98 = tpu.memref_squeeze %dma_start3A_97 : memref<1x256xi32, #tpu.memory_space<vmem>> -> memref<256xi32, #tpu.memory_space<vmem>>
      %dma_start3A_99 = arith.constant 0 : i32
      %dma_start3A_100 = arith.constant 0 : i32
      %dma_start3A_101 = tpu.memref_slice %arg10[%dma_start3A_99, %dma_start3A_100] : memref<10240x64xf32, #tpu.memory_space<vmem_shared>> -> memref<10240x64xf32, #tpu.memory_space<vmem_shared>>
      tpu.enqueue_indirect_dma source(%arg9 : memref<256x64xf32, #tpu.memory_space<vmem>>) target(%dma_start3A_101 : memref<10240x64xf32, #tpu.memory_space<vmem_shared>>) offsets(%dma_start3A_98 : memref<256xi32, #tpu.memory_space<vmem>>) semaphore(%arg14 : memref<!tpu.dma_semaphore, #tpu.memory_space<semaphore_mem>>) {add = true}
      %dma_wait3A_102 = arith.constant 0 : i32
      %dma_wait3A_103 = tpu.memref_slice %arg7[%mul3A_79, %dma_wait3A_102] : memref<80x256xi32, #tpu.memory_space<vmem>> -> memref<1x256xi32, #tpu.memory_space<vmem>>
      %dma_wait3A_104 = tpu.memref_squeeze %dma_wait3A_103 : memref<1x256xi32, #tpu.memory_space<vmem>> -> memref<256xi32, #tpu.memory_space<vmem>>
      %dma_wait3A_105 = arith.constant 0 : i32
      %dma_wait3A_106 = arith.constant 0 : i32
      %dma_wait3A_107 = tpu.memref_slice %arg10[%dma_wait3A_105, %dma_wait3A_106] : memref<10240x64xf32, #tpu.memory_space<vmem_shared>> -> memref<10240x64xf32, #tpu.memory_space<vmem_shared>>
      tpu.wait_indirect_dma semaphore(%arg13 : memref<!tpu.dma_semaphore, #tpu.memory_space<semaphore_mem>>) src(%arg8 : memref<256x64xf32, #tpu.memory_space<vmem>>) dst(%dma_wait3A_107 : memref<10240x64xf32, #tpu.memory_space<vmem_shared>>)
      %dma_wait3A_108 = arith.constant 0 : i32
      %dma_wait3A_109 = tpu.memref_slice %arg7[%add3A_95, %dma_wait3A_108] : memref<80x256xi32, #tpu.memory_space<vmem>> -> memref<1x256xi32, #tpu.memory_space<vmem>>
      %dma_wait3A_110 = tpu.memref_squeeze %dma_wait3A_109 : memref<1x256xi32, #tpu.memory_space<vmem>> -> memref<256xi32, #tpu.memory_space<vmem>>
      %dma_wait3A_111 = arith.constant 0 : i32
      %dma_wait3A_112 = arith.constant 0 : i32
      %dma_wait3A_113 = tpu.memref_slice %arg10[%dma_wait3A_111, %dma_wait3A_112] : memref<10240x64xf32, #tpu.memory_space<vmem_shared>> -> memref<10240x64xf32, #tpu.memory_space<vmem_shared>>
      tpu.wait_indirect_dma semaphore(%arg14 : memref<!tpu.dma_semaphore, #tpu.memory_space<semaphore_mem>>) src(%arg9 : memref<256x64xf32, #tpu.memory_space<vmem>>) dst(%dma_wait3A_113 : memref<10240x64xf32, #tpu.memory_space<vmem_shared>>)
    }
    %scan3A_28 = arith.constant 40 : i32
    %barrier3A_29 = arith.constant 0 : index
    tpu.barrier barrier_id(%barrier3A_29)
    %mul3A_30 = arith.constant 10240 : i32
    %mul3A_31 = arith.muli %arg0, %mul3A_30 : i32
    %mul3A_32 = arith.constant 640 : i32
    %mul3A_33 = arith.muli %arg1, %mul3A_32 : i32
    %add3A_34 = arith.addi %mul3A_31, %mul3A_33 : i32
    %add3A_35 = arith.constant 0 : i32
    %add3A_36 = arith.addi %mul3A_5, %add3A_35 : i32
    %add3A_37 = arith.constant 0 : i32
    %add3A_38 = arith.addi %add3A_34, %add3A_37 : i32
    "tpu.region"() ({
      %run_scoped3A = tpu.sem_alloc : memref<!tpu.dma_semaphore, #tpu.memory_space<semaphore_mem>>
      %dma_start3A = arith.constant 0 : i32
      %dma_start3A_55 = tpu.memref_slice %arg5[%add3A_38, %dma_start3A] : memref<20480x64xf32, #tpu.memory_space<hbm>> -> memref<128x64xf32, #tpu.memory_space<hbm>>
      %dma_start3A_56 = arith.constant 0 : i32
      %dma_start3A_57 = tpu.memref_slice %arg10[%add3A_36, %dma_start3A_56] : memref<10240x64xf32, #tpu.memory_space<vmem_shared>> -> memref<128x64xf32, #tpu.memory_space<vmem_shared>>
      tpu.enqueue_dma source(%dma_start3A_57 : memref<128x64xf32, #tpu.memory_space<vmem_shared>>) target(%dma_start3A_55 : memref<128x64xf32, #tpu.memory_space<hbm>>) target_semaphore(%run_scoped3A : memref<!tpu.dma_semaphore, #tpu.memory_space<semaphore_mem>>)
      %dma_wait3A = arith.constant 0 : i32
      %dma_wait3A_58 = tpu.memref_slice %arg5[%add3A_38, %dma_wait3A] : memref<20480x64xf32, #tpu.memory_space<hbm>> -> memref<128x64xf32, #tpu.memory_space<hbm>>
      %dma_wait3A_59 = arith.constant 0 : i32
      %dma_wait3A_60 = tpu.memref_slice %arg10[%add3A_36, %dma_wait3A_59] : memref<10240x64xf32, #tpu.memory_space<vmem_shared>> -> memref<128x64xf32, #tpu.memory_space<vmem_shared>>
      tpu.wait_dma2 semaphore(%run_scoped3A : memref<!tpu.dma_semaphore, #tpu.memory_space<semaphore_mem>>) src(%dma_wait3A_60 : memref<128x64xf32, #tpu.memory_space<vmem_shared>>) dst(%dma_wait3A_58 : memref<128x64xf32, #tpu.memory_space<hbm>>)
      tpu.yield
    }) : () -> ()
    %add3A_39 = arith.constant 128 : i32
    %add3A_40 = arith.addi %mul3A_5, %add3A_39 : i32
    %add3A_41 = arith.constant 128 : i32
    %add3A_42 = arith.addi %add3A_34, %add3A_41 : i32
    "tpu.region"() ({
      %run_scoped3A = tpu.sem_alloc : memref<!tpu.dma_semaphore, #tpu.memory_space<semaphore_mem>>
      %dma_start3A = arith.constant 0 : i32
      %dma_start3A_55 = tpu.memref_slice %arg5[%add3A_42, %dma_start3A] : memref<20480x64xf32, #tpu.memory_space<hbm>> -> memref<128x64xf32, #tpu.memory_space<hbm>>
      %dma_start3A_56 = arith.constant 0 : i32
      %dma_start3A_57 = tpu.memref_slice %arg10[%add3A_40, %dma_start3A_56] : memref<10240x64xf32, #tpu.memory_space<vmem_shared>> -> memref<128x64xf32, #tpu.memory_space<vmem_shared>>
      tpu.enqueue_dma source(%dma_start3A_57 : memref<128x64xf32, #tpu.memory_space<vmem_shared>>) target(%dma_start3A_55 : memref<128x64xf32, #tpu.memory_space<hbm>>) target_semaphore(%run_scoped3A : memref<!tpu.dma_semaphore, #tpu.memory_space<semaphore_mem>>)
      %dma_wait3A = arith.constant 0 : i32
      %dma_wait3A_58 = tpu.memref_slice %arg5[%add3A_42, %dma_wait3A] : memref<20480x64xf32, #tpu.memory_space<hbm>> -> memref<128x64xf32, #tpu.memory_space<hbm>>
      %dma_wait3A_59 = arith.constant 0 : i32
      %dma_wait3A_60 = tpu.memref_slice %arg10[%add3A_40, %dma_wait3A_59] : memref<10240x64xf32, #tpu.memory_space<vmem_shared>> -> memref<128x64xf32, #tpu.memory_space<vmem_shared>>
      tpu.wait_dma2 semaphore(%run_scoped3A : memref<!tpu.dma_semaphore, #tpu.memory_space<semaphore_mem>>) src(%dma_wait3A_60 : memref<128x64xf32, #tpu.memory_space<vmem_shared>>) dst(%dma_wait3A_58 : memref<128x64xf32, #tpu.memory_space<hbm>>)
      tpu.yield
    }) : () -> ()
    %add3A_43 = arith.constant 256 : i32
    %add3A_44 = arith.addi %mul3A_5, %add3A_43 : i32
    %add3A_45 = arith.constant 256 : i32
    %add3A_46 = arith.addi %add3A_34, %add3A_45 : i32
    "tpu.region"() ({
      %run_scoped3A = tpu.sem_alloc : memref<!tpu.dma_semaphore, #tpu.memory_space<semaphore_mem>>
      %dma_start3A = arith.constant 0 : i32
      %dma_start3A_55 = tpu.memref_slice %arg5[%add3A_46, %dma_start3A] : memref<20480x64xf32, #tpu.memory_space<hbm>> -> memref<128x64xf32, #tpu.memory_space<hbm>>
      %dma_start3A_56 = arith.constant 0 : i32
      %dma_start3A_57 = tpu.memref_slice %arg10[%add3A_44, %dma_start3A_56] : memref<10240x64xf32, #tpu.memory_space<vmem_shared>> -> memref<128x64xf32, #tpu.memory_space<vmem_shared>>
      tpu.enqueue_dma source(%dma_start3A_57 : memref<128x64xf32, #tpu.memory_space<vmem_shared>>) target(%dma_start3A_55 : memref<128x64xf32, #tpu.memory_space<hbm>>) target_semaphore(%run_scoped3A : memref<!tpu.dma_semaphore, #tpu.memory_space<semaphore_mem>>)
      %dma_wait3A = arith.constant 0 : i32
      %dma_wait3A_58 = tpu.memref_slice %arg5[%add3A_46, %dma_wait3A] : memref<20480x64xf32, #tpu.memory_space<hbm>> -> memref<128x64xf32, #tpu.memory_space<hbm>>
      %dma_wait3A_59 = arith.constant 0 : i32
      %dma_wait3A_60 = tpu.memref_slice %arg10[%add3A_44, %dma_wait3A_59] : memref<10240x64xf32, #tpu.memory_space<vmem_shared>> -> memref<128x64xf32, #tpu.memory_space<vmem_shared>>
      tpu.wait_dma2 semaphore(%run_scoped3A : memref<!tpu.dma_semaphore, #tpu.memory_space<semaphore_mem>>) src(%dma_wait3A_60 : memref<128x64xf32, #tpu.memory_space<vmem_shared>>) dst(%dma_wait3A_58 : memref<128x64xf32, #tpu.memory_space<hbm>>)
      tpu.yield
    }) : () -> ()
    %add3A_47 = arith.constant 384 : i32
    %add3A_48 = arith.addi %mul3A_5, %add3A_47 : i32
    %add3A_49 = arith.constant 384 : i32
    %add3A_50 = arith.addi %add3A_34, %add3A_49 : i32
    "tpu.region"() ({
      %run_scoped3A = tpu.sem_alloc : memref<!tpu.dma_semaphore, #tpu.memory_space<semaphore_mem>>
      %dma_start3A = arith.constant 0 : i32
      %dma_start3A_55 = tpu.memref_slice %arg5[%add3A_50, %dma_start3A] : memref<20480x64xf32, #tpu.memory_space<hbm>> -> memref<128x64xf32, #tpu.memory_space<hbm>>
      %dma_start3A_56 = arith.constant 0 : i32
      %dma_start3A_57 = tpu.memref_slice %arg10[%add3A_48, %dma_start3A_56] : memref<10240x64xf32, #tpu.memory_space<vmem_shared>> -> memref<128x64xf32, #tpu.memory_space<vmem_shared>>
      tpu.enqueue_dma source(%dma_start3A_57 : memref<128x64xf32, #tpu.memory_space<vmem_shared>>) target(%dma_start3A_55 : memref<128x64xf32, #tpu.memory_space<hbm>>) target_semaphore(%run_scoped3A : memref<!tpu.dma_semaphore, #tpu.memory_space<semaphore_mem>>)
      %dma_wait3A = arith.constant 0 : i32
      %dma_wait3A_58 = tpu.memref_slice %arg5[%add3A_50, %dma_wait3A] : memref<20480x64xf32, #tpu.memory_space<hbm>> -> memref<128x64xf32, #tpu.memory_space<hbm>>
      %dma_wait3A_59 = arith.constant 0 : i32
      %dma_wait3A_60 = tpu.memref_slice %arg10[%add3A_48, %dma_wait3A_59] : memref<10240x64xf32, #tpu.memory_space<vmem_shared>> -> memref<128x64xf32, #tpu.memory_space<vmem_shared>>
      tpu.wait_dma2 semaphore(%run_scoped3A : memref<!tpu.dma_semaphore, #tpu.memory_space<semaphore_mem>>) src(%dma_wait3A_60 : memref<128x64xf32, #tpu.memory_space<vmem_shared>>) dst(%dma_wait3A_58 : memref<128x64xf32, #tpu.memory_space<hbm>>)
      tpu.yield
    }) : () -> ()
    %add3A_51 = arith.constant 512 : i32
    %add3A_52 = arith.addi %mul3A_5, %add3A_51 : i32
    %add3A_53 = arith.constant 512 : i32
    %add3A_54 = arith.addi %add3A_34, %add3A_53 : i32
    "tpu.region"() ({
      %run_scoped3A = tpu.sem_alloc : memref<!tpu.dma_semaphore, #tpu.memory_space<semaphore_mem>>
      %dma_start3A = arith.constant 0 : i32
      %dma_start3A_55 = tpu.memref_slice %arg5[%add3A_54, %dma_start3A] : memref<20480x64xf32, #tpu.memory_space<hbm>> -> memref<128x64xf32, #tpu.memory_space<hbm>>
      %dma_start3A_56 = arith.constant 0 : i32
      %dma_start3A_57 = tpu.memref_slice %arg10[%add3A_52, %dma_start3A_56] : memref<10240x64xf32, #tpu.memory_space<vmem_shared>> -> memref<128x64xf32, #tpu.memory_space<vmem_shared>>
      tpu.enqueue_dma source(%dma_start3A_57 : memref<128x64xf32, #tpu.memory_space<vmem_shared>>) target(%dma_start3A_55 : memref<128x64xf32, #tpu.memory_space<hbm>>) target_semaphore(%run_scoped3A : memref<!tpu.dma_semaphore, #tpu.memory_space<semaphore_mem>>)
      %dma_wait3A = arith.constant 0 : i32
      %dma_wait3A_58 = tpu.memref_slice %arg5[%add3A_54, %dma_wait3A] : memref<20480x64xf32, #tpu.memory_space<hbm>> -> memref<128x64xf32, #tpu.memory_space<hbm>>
      %dma_wait3A_59 = arith.constant 0 : i32
      %dma_wait3A_60 = tpu.memref_slice %arg10[%add3A_52, %dma_wait3A_59] : memref<10240x64xf32, #tpu.memory_space<vmem_shared>> -> memref<128x64xf32, #tpu.memory_space<vmem_shared>>
      tpu.wait_dma2 semaphore(%run_scoped3A : memref<!tpu.dma_semaphore, #tpu.memory_space<semaphore_mem>>) src(%dma_wait3A_60 : memref<128x64xf32, #tpu.memory_space<vmem_shared>>) dst(%dma_wait3A_58 : memref<128x64xf32, #tpu.memory_space<hbm>>)
      tpu.yield
    }) : () -> ()
    return
  }
}

module attributes {stable_mosaic.version = 14 : i64} {
  func.func @_tc0_body(%arg0: memref<10000x128xf32, #tpu.memory_space<vmem>>, %arg1: memref<128x128xf32, #tpu.memory_space<vmem>>, %arg2: memref<10000x128xf32, #tpu.memory_space<vmem>>) attributes {dimension_semantics = [], scalar_prefetch = 0 : i64, scratch_operands = 0 : i64, tpu.core_type = #tpu.core_type<tc>} {
    %get3A = arith.constant 0 : index
    %get3A_0 = arith.constant 0 : index
    %get3A_1 = vector.load %arg0[%get3A, %get3A_0] : memref<10000x128xf32, #tpu.memory_space<vmem>>, vector<10000x128xf32>
    %get3A_2 = arith.constant 0 : index
    %get3A_3 = arith.constant 0 : index
    %get3A_4 = vector.load %arg1[%get3A_2, %get3A_3] : memref<128x128xf32, #tpu.memory_space<vmem>>, vector<128x128xf32>
    %dot_general3A = arith.constant dense<0.000000e+00> : vector<10000x128xf32>
    %dot_general3A_5 = tpu.matmul %get3A_1, %get3A_4, %dot_general3A {dimension_numbers = #tpu.dot_dimension_numbers<[1], [0], [0], [1], [0, 0, 1, 1], [], []>, transpose_lhs_hint = false} : vector<10000x128xf32>, vector<128x128xf32>, vector<10000x128xf32> -> vector<10000x128xf32>
    %swap3A = arith.constant 0 : index
    %swap3A_6 = arith.constant 0 : index
    %swap3A_7 = vector.load %arg2[%swap3A, %swap3A_6] : memref<10000x128xf32, #tpu.memory_space<vmem>>, vector<10000x128xf32>
    tpu.vector_store %arg2[%swap3A, %swap3A_6], %dot_general3A_5 {strides = array<i32>} : memref<10000x128xf32, #tpu.memory_space<vmem>>, vector<10000x128xf32>,
    return
  }
}

module attributes {stable_mosaic.version = 14 : i64} {
  func.func @_tc1_body(%arg0: memref<10000x1xf32, #tpu.memory_space<vmem>>, %arg1: memref<10000x128xf32, #tpu.memory_space<vmem>>, %arg2: memref<10000x1xf32, #tpu.memory_space<vmem>>, %arg3: memref<20000x64xf32, #tpu.memory_space<vmem>>) attributes {dimension_semantics = [], scalar_prefetch = 0 : i64, scratch_operands = 0 : i64, tpu.core_type = #tpu.core_type<tc>} {
    %get3A = arith.constant 0 : index
    %get3A_0 = arith.constant 0 : index
    %get3A_1 = vector.load %arg0[%get3A, %get3A_0] : memref<10000x1xf32, #tpu.memory_space<vmem>>, vector<10000x1xf32>
    %add3A = arith.constant 1.000000e+00 : f32
    %add3A_2 = vector.broadcast %add3A : f32 to vector<10000x1xf32>
    %add3A_3 = arith.addf %get3A_1, %add3A_2 : vector<10000x1xf32>
    %rsqrt3A = math.rsqrt %add3A_3 : vector<10000x1xf32>
    %swap3A = arith.constant 0 : index
    %swap3A_4 = arith.constant 0 : index
    %swap3A_5 = vector.load %arg2[%swap3A, %swap3A_4] : memref<10000x1xf32, #tpu.memory_space<vmem>>, vector<10000x1xf32>
    tpu.vector_store %arg2[%swap3A, %swap3A_4], %rsqrt3A {strides = array<i32>} : memref<10000x1xf32, #tpu.memory_space<vmem>>, vector<10000x1xf32>,
    %get3A_6 = arith.constant 0 : index
    %get3A_7 = arith.constant 0 : index
    %get3A_8 = vector.load %arg1[%get3A_6, %get3A_7] : memref<10000x128xf32, #tpu.memory_space<vmem>>, vector<10000x128xf32>
    %mul3A = vector.broadcast %rsqrt3A : vector<10000x1xf32> to vector<10000x128xf32>
    %mul3A_9 = arith.mulf %get3A_8, %mul3A : vector<10000x128xf32>
    %slice3A = vector.extract_strided_slice %mul3A_9 {offsets = [0, 0], sizes = [10000, 64], strides = [1, 1]} : vector<10000x128xf32> to vector<10000x64xf32>
    %swap3A_10 = arith.constant 0 : index
    %swap3A_11 = arith.constant 0 : index
    %swap3A_12 = vector.load %arg3[%swap3A_10, %swap3A_11] : memref<20000x64xf32, #tpu.memory_space<vmem>>, vector<10000x64xf32>
    tpu.vector_store %arg3[%swap3A_10, %swap3A_11], %slice3A {strides = array<i32>} : memref<20000x64xf32, #tpu.memory_space<vmem>>, vector<10000x64xf32>,
    %slice3A_13 = vector.extract_strided_slice %mul3A_9 {offsets = [0, 64], sizes = [10000, 64], strides = [1, 1]} : vector<10000x128xf32> to vector<10000x64xf32>
    %swap3A_14 = arith.constant 10000 : index
    %swap3A_15 = arith.constant 0 : index
    %swap3A_16 = vector.load %arg3[%swap3A_14, %swap3A_15] : memref<20000x64xf32, #tpu.memory_space<vmem>>, vector<10000x64xf32>
    tpu.vector_store %arg3[%swap3A_14, %swap3A_15], %slice3A_13 {strides = array<i32>} : memref<20000x64xf32, #tpu.memory_space<vmem>>, vector<10000x64xf32>,
    return
  }
}

module attributes {stable_mosaic.version = 14 : i64} {
  func.func @_tc3_body(%arg0: memref<20480x64xf32, #tpu.memory_space<vmem>>, %arg1: memref<20000x64xf32, #tpu.memory_space<vmem>>, %arg2: memref<10000x1xf32, #tpu.memory_space<vmem>>, %arg3: memref<128xf32, #tpu.memory_space<vmem>>, %arg4: memref<128x128xf32, #tpu.memory_space<vmem>>, %arg5: memref<20000x64xf32, #tpu.memory_space<vmem>>) attributes {dimension_semantics = [], scalar_prefetch = 0 : i64, scratch_operands = 0 : i64, tpu.core_type = #tpu.core_type<tc>} {
    %get3A = arith.constant 0 : index
    %get3A_0 = arith.constant 0 : index
    %get3A_1 = vector.load %arg2[%get3A, %get3A_0] : memref<10000x1xf32, #tpu.memory_space<vmem>>, vector<10000x1xf32>
    %get3A_2 = arith.constant 0 : index
    %get3A_3 = arith.constant 0 : index
    %get3A_4 = vector.load %arg0[%get3A_2, %get3A_3] : memref<20480x64xf32, #tpu.memory_space<vmem>>, vector<10000x64xf32>
    %get3A_5 = arith.constant 10240 : index
    %get3A_6 = arith.constant 0 : index
    %get3A_7 = vector.load %arg0[%get3A_5, %get3A_6] : memref<20480x64xf32, #tpu.memory_space<vmem>>, vector<10000x64xf32>
    %concatenate3A = tpu.concatenate %get3A_4, %get3A_7 in 1 : vector<10000x64xf32>, vector<10000x64xf32> -> vector<10000x128xf32>
    %get3A_8 = arith.constant 0 : index
    %get3A_9 = arith.constant 0 : index
    %get3A_10 = vector.load %arg1[%get3A_8, %get3A_9] : memref<20000x64xf32, #tpu.memory_space<vmem>>, vector<10000x64xf32>
    %get3A_11 = arith.constant 10000 : index
    %get3A_12 = arith.constant 0 : index
    %get3A_13 = vector.load %arg1[%get3A_11, %get3A_12] : memref<20000x64xf32, #tpu.memory_space<vmem>>, vector<10000x64xf32>
    %concatenate3A_14 = tpu.concatenate %get3A_10, %get3A_13 in 1 : vector<10000x64xf32>, vector<10000x64xf32> -> vector<10000x128xf32>
    %add3A = arith.addf %concatenate3A, %concatenate3A_14 : vector<10000x128xf32>
    %mul3A = vector.broadcast %get3A_1 : vector<10000x1xf32> to vector<10000x128xf32>
    %mul3A_15 = arith.mulf %add3A, %mul3A : vector<10000x128xf32>
    %get3A_16 = arith.constant 0 : index
    %get3A_17 = vector.load %arg3[%get3A_16] : memref<128xf32, #tpu.memory_space<vmem>>, vector<128xf32>
    %broadcast_in_dim3A = vector.shape_cast %get3A_17 : vector<128xf32> to vector<1x128xf32>
    %add3A_18 = vector.broadcast %broadcast_in_dim3A : vector<1x128xf32> to vector<10000x128xf32>
    %add3A_19 = arith.addf %mul3A_15, %add3A_18 : vector<10000x128xf32>
    %max3A = arith.constant 0.000000e+00 : f32
    %max3A_20 = vector.broadcast %max3A : f32 to vector<10000x128xf32>
    %max3A_21 = arith.maximumf %add3A_19, %max3A_20 : vector<10000x128xf32>
    %get3A_22 = arith.constant 0 : index
    %get3A_23 = arith.constant 0 : index
    %get3A_24 = vector.load %arg4[%get3A_22, %get3A_23] : memref<128x128xf32, #tpu.memory_space<vmem>>, vector<128x128xf32>
    %dot_general3A = arith.constant dense<0.000000e+00> : vector<10000x128xf32>
    %dot_general3A_25 = tpu.matmul %max3A_21, %get3A_24, %dot_general3A {dimension_numbers = #tpu.dot_dimension_numbers<[1], [0], [0], [1], [0, 0, 1, 1], [], []>, transpose_lhs_hint = false} : vector<10000x128xf32>, vector<128x128xf32>, vector<10000x128xf32> -> vector<10000x128xf32>
    %mul3A_26 = vector.broadcast %get3A_1 : vector<10000x1xf32> to vector<10000x128xf32>
    %mul3A_27 = arith.mulf %dot_general3A_25, %mul3A_26 : vector<10000x128xf32>
    %slice3A = vector.extract_strided_slice %mul3A_27 {offsets = [0, 0], sizes = [10000, 64], strides = [1, 1]} : vector<10000x128xf32> to vector<10000x64xf32>
    %swap3A = arith.constant 0 : index
    %swap3A_28 = arith.constant 0 : index
    %swap3A_29 = vector.load %arg5[%swap3A, %swap3A_28] : memref<20000x64xf32, #tpu.memory_space<vmem>>, vector<10000x64xf32>
    tpu.vector_store %arg5[%swap3A, %swap3A_28], %slice3A {strides = array<i32>} : memref<20000x64xf32, #tpu.memory_space<vmem>>, vector<10000x64xf32>,
    %slice3A_30 = vector.extract_strided_slice %mul3A_27 {offsets = [0, 64], sizes = [10000, 64], strides = [1, 1]} : vector<10000x128xf32> to vector<10000x64xf32>
    %swap3A_31 = arith.constant 10000 : index
    %swap3A_32 = arith.constant 0 : index
    %swap3A_33 = vector.load %arg5[%swap3A_31, %swap3A_32] : memref<20000x64xf32, #tpu.memory_space<vmem>>, vector<10000x64xf32>
    tpu.vector_store %arg5[%swap3A_31, %swap3A_32], %slice3A_30 {strides = array<i32>} : memref<20000x64xf32, #tpu.memory_space<vmem>>, vector<10000x64xf32>,
    return
  }
}

module attributes {stable_mosaic.version = 14 : i64} {
  func.func @_tc5_body(%arg0: memref<20480x64xf32, #tpu.memory_space<vmem>>, %arg1: memref<20000x64xf32, #tpu.memory_space<vmem>>, %arg2: memref<10000x1xf32, #tpu.memory_space<vmem>>, %arg3: memref<128xf32, #tpu.memory_space<vmem>>, %arg4: memref<20000x64xf32, #tpu.memory_space<vmem>>) attributes {dimension_semantics = [], scalar_prefetch = 0 : i64, scratch_operands = 0 : i64, tpu.core_type = #tpu.core_type<tc>} {
    %get3A = arith.constant 0 : index
    %get3A_0 = arith.constant 0 : index
    %get3A_1 = vector.load %arg2[%get3A, %get3A_0] : memref<10000x1xf32, #tpu.memory_space<vmem>>, vector<10000x1xf32>
    %get3A_2 = arith.constant 0 : index
    %get3A_3 = arith.constant 0 : index
    %get3A_4 = vector.load %arg0[%get3A_2, %get3A_3] : memref<20480x64xf32, #tpu.memory_space<vmem>>, vector<10000x64xf32>
    %get3A_5 = arith.constant 10240 : index
    %get3A_6 = arith.constant 0 : index
    %get3A_7 = vector.load %arg0[%get3A_5, %get3A_6] : memref<20480x64xf32, #tpu.memory_space<vmem>>, vector<10000x64xf32>
    %concatenate3A = tpu.concatenate %get3A_4, %get3A_7 in 1 : vector<10000x64xf32>, vector<10000x64xf32> -> vector<10000x128xf32>
    %get3A_8 = arith.constant 0 : index
    %get3A_9 = arith.constant 0 : index
    %get3A_10 = vector.load %arg1[%get3A_8, %get3A_9] : memref<20000x64xf32, #tpu.memory_space<vmem>>, vector<10000x64xf32>
    %get3A_11 = arith.constant 10000 : index
    %get3A_12 = arith.constant 0 : index
    %get3A_13 = vector.load %arg1[%get3A_11, %get3A_12] : memref<20000x64xf32, #tpu.memory_space<vmem>>, vector<10000x64xf32>
    %concatenate3A_14 = tpu.concatenate %get3A_10, %get3A_13 in 1 : vector<10000x64xf32>, vector<10000x64xf32> -> vector<10000x128xf32>
    %add3A = arith.addf %concatenate3A, %concatenate3A_14 : vector<10000x128xf32>
    %mul3A = vector.broadcast %get3A_1 : vector<10000x1xf32> to vector<10000x128xf32>
    %mul3A_15 = arith.mulf %add3A, %mul3A : vector<10000x128xf32>
    %get3A_16 = arith.constant 0 : index
    %get3A_17 = vector.load %arg3[%get3A_16] : memref<128xf32, #tpu.memory_space<vmem>>, vector<128xf32>
    %broadcast_in_dim3A = vector.shape_cast %get3A_17 : vector<128xf32> to vector<1x128xf32>
    %add3A_18 = vector.broadcast %broadcast_in_dim3A : vector<1x128xf32> to vector<10000x128xf32>
    %add3A_19 = arith.addf %mul3A_15, %add3A_18 : vector<10000x128xf32>
    %max3A = arith.constant 0.000000e+00 : f32
    %max3A_20 = vector.broadcast %max3A : f32 to vector<10000x128xf32>
    %max3A_21 = arith.maximumf %add3A_19, %max3A_20 : vector<10000x128xf32>
    %slice3A = vector.extract_strided_slice %max3A_21 {offsets = [0, 0], sizes = [10000, 64], strides = [1, 1]} : vector<10000x128xf32> to vector<10000x64xf32>
    %swap3A = arith.constant 0 : index
    %swap3A_22 = arith.constant 0 : index
    %swap3A_23 = vector.load %arg4[%swap3A, %swap3A_22] : memref<20000x64xf32, #tpu.memory_space<vmem>>, vector<10000x64xf32>
    tpu.vector_store %arg4[%swap3A, %swap3A_22], %slice3A {strides = array<i32>} : memref<20000x64xf32, #tpu.memory_space<vmem>>, vector<10000x64xf32>,
    %slice3A_24 = vector.extract_strided_slice %max3A_21 {offsets = [0, 64], sizes = [10000, 64], strides = [1, 1]} : vector<10000x128xf32> to vector<10000x64xf32>
    %swap3A_25 = arith.constant 10000 : index
    %swap3A_26 = arith.constant 0 : index
    %swap3A_27 = vector.load %arg4[%swap3A_25, %swap3A_26] : memref<20000x64xf32, #tpu.memory_space<vmem>>, vector<10000x64xf32>
    tpu.vector_store %arg4[%swap3A_25, %swap3A_26], %slice3A_24 {strides = array<i32>} : memref<20000x64xf32, #tpu.memory_space<vmem>>, vector<10000x64xf32>,
    return
  }
}

module attributes {stable_mosaic.version = 14 : i64} {
  func.func @_tc6_body(%arg0: memref<20000x64xf32, #tpu.memory_space<vmem>>, %arg1: memref<128x128xf32, #tpu.memory_space<vmem>>, %arg2: memref<128xf32, #tpu.memory_space<vmem>>, %arg3: memref<10000x128xf32, #tpu.memory_space<vmem>>) attributes {dimension_semantics = [], scalar_prefetch = 0 : i64, scratch_operands = 0 : i64, tpu.core_type = #tpu.core_type<tc>} {
    %get3A = arith.constant 0 : index
    %get3A_0 = arith.constant 0 : index
    %get3A_1 = vector.load %arg0[%get3A, %get3A_0] : memref<20000x64xf32, #tpu.memory_space<vmem>>, vector<10000x64xf32>
    %get3A_2 = arith.constant 10000 : index
    %get3A_3 = arith.constant 0 : index
    %get3A_4 = vector.load %arg0[%get3A_2, %get3A_3] : memref<20000x64xf32, #tpu.memory_space<vmem>>, vector<10000x64xf32>
    %concatenate3A = tpu.concatenate %get3A_1, %get3A_4 in 1 : vector<10000x64xf32>, vector<10000x64xf32> -> vector<10000x128xf32>
    %get3A_5 = arith.constant 0 : index
    %get3A_6 = arith.constant 0 : index
    %get3A_7 = vector.load %arg1[%get3A_5, %get3A_6] : memref<128x128xf32, #tpu.memory_space<vmem>>, vector<128x128xf32>
    %dot_general3A = arith.constant dense<0.000000e+00> : vector<10000x128xf32>
    %dot_general3A_8 = tpu.matmul %concatenate3A, %get3A_7, %dot_general3A {dimension_numbers = #tpu.dot_dimension_numbers<[1], [0], [0], [1], [0, 0, 1, 1], [], []>, transpose_lhs_hint = false} : vector<10000x128xf32>, vector<128x128xf32>, vector<10000x128xf32> -> vector<10000x128xf32>
    %get3A_9 = arith.constant 0 : index
    %get3A_10 = vector.load %arg2[%get3A_9] : memref<128xf32, #tpu.memory_space<vmem>>, vector<128xf32>
    %broadcast_in_dim3A = vector.shape_cast %get3A_10 : vector<128xf32> to vector<1x128xf32>
    %add3A = vector.broadcast %broadcast_in_dim3A : vector<1x128xf32> to vector<10000x128xf32>
    %add3A_11 = arith.addf %dot_general3A_8, %add3A : vector<10000x128xf32>
    %swap3A = arith.constant 0 : index
    %swap3A_12 = arith.constant 0 : index
    %swap3A_13 = vector.load %arg3[%swap3A, %swap3A_12] : memref<10000x128xf32, #tpu.memory_space<vmem>>, vector<10000x128xf32>
    tpu.vector_store %arg3[%swap3A, %swap3A_12], %add3A_11 {strides = array<i32>} : memref<10000x128xf32, #tpu.memory_space<vmem>>, vector<10000x128xf32>,
    return
  }
}

module attributes {stable_mosaic.version = 14 : i64} {
  func.func @_tc7_body(%arg0: memref<20480x64xf32, #tpu.memory_space<vmem>>, %arg1: memref<10000x1xf32, #tpu.memory_space<vmem>>, %arg2: memref<10000x128xf32, #tpu.memory_space<vmem>>, %arg3: memref<128x128xf32, #tpu.memory_space<vmem>>, %arg4: memref<10000x128xf32, #tpu.memory_space<vmem>>) attributes {dimension_semantics = [], scalar_prefetch = 0 : i64, scratch_operands = 0 : i64, tpu.core_type = #tpu.core_type<tc>} {
    %get3A = arith.constant 0 : index
    %get3A_0 = arith.constant 0 : index
    %get3A_1 = vector.load %arg1[%get3A, %get3A_0] : memref<10000x1xf32, #tpu.memory_space<vmem>>, vector<10000x1xf32>
    %max3A = arith.constant 1.000000e+00 : f32
    %max3A_2 = vector.broadcast %max3A : f32 to vector<10000x1xf32>
    %max3A_3 = arith.maximumf %get3A_1, %max3A_2 : vector<10000x1xf32>
    %get3A_4 = arith.constant 0 : index
    %get3A_5 = arith.constant 0 : index
    %get3A_6 = vector.load %arg0[%get3A_4, %get3A_5] : memref<20480x64xf32, #tpu.memory_space<vmem>>, vector<10000x64xf32>
    %get3A_7 = arith.constant 10240 : index
    %get3A_8 = arith.constant 0 : index
    %get3A_9 = vector.load %arg0[%get3A_7, %get3A_8] : memref<20480x64xf32, #tpu.memory_space<vmem>>, vector<10000x64xf32>
    %concatenate3A = tpu.concatenate %get3A_6, %get3A_9 in 1 : vector<10000x64xf32>, vector<10000x64xf32> -> vector<10000x128xf32>
    %div3A = vector.broadcast %max3A_3 : vector<10000x1xf32> to vector<10000x128xf32>
    %div3A_10 = arith.divf %concatenate3A, %div3A : vector<10000x128xf32>
    %get3A_11 = arith.constant 0 : index
    %get3A_12 = arith.constant 0 : index
    %get3A_13 = vector.load %arg3[%get3A_11, %get3A_12] : memref<128x128xf32, #tpu.memory_space<vmem>>, vector<128x128xf32>
    %dot_general3A = arith.constant dense<0.000000e+00> : vector<10000x128xf32>
    %dot_general3A_14 = tpu.matmul %div3A_10, %get3A_13, %dot_general3A {dimension_numbers = #tpu.dot_dimension_numbers<[1], [0], [0], [1], [0, 0, 1, 1], [], []>, transpose_lhs_hint = false} : vector<10000x128xf32>, vector<128x128xf32>, vector<10000x128xf32> -> vector<10000x128xf32>
    %get3A_15 = arith.constant 0 : index
    %get3A_16 = arith.constant 0 : index
    %get3A_17 = vector.load %arg2[%get3A_15, %get3A_16] : memref<10000x128xf32, #tpu.memory_space<vmem>>, vector<10000x128xf32>
    %add3A = arith.addf %dot_general3A_14, %get3A_17 : vector<10000x128xf32>
    %swap3A = arith.constant 0 : index
    %swap3A_18 = arith.constant 0 : index
    %swap3A_19 = vector.load %arg4[%swap3A, %swap3A_18] : memref<10000x128xf32, #tpu.memory_space<vmem>>, vector<10000x128xf32>
    tpu.vector_store %arg4[%swap3A, %swap3A_18], %add3A {strides = array<i32>} : memref<10000x128xf32, #tpu.memory_space<vmem>>, vector<10000x128xf32>,
    return
  }
}

</mosaic_0001>

<sc_bundles>
// kernel: kernel.12.cloned.1.call-start
scs
__scs_entry_jumppad:
0x0: {  	(pc) =	sbr.rel $0x88, $3  }
0x1: {  	(tag) =	ssettag $0x0;
	lr =	simm.s32 $0x1  }
0x2: {  	[smem:$0x3F98] =	sst lr;
	_ =	strace $0xD0000000  }
0x3: {  	_ = 	snop  }
0x4: {  	_ = 	snop  }
0x5: {  	_ = 	snop  }
0x6: {  	_ = 	snop  }
0x7: {  	_ = 	snop  }
__scs_overlays_trampoline_lowered:
0x8: {  	[smem:$0x3FA7] =	sst s0  }
0x9: {  	[smem:$0x3FA8] =	sst s1  }
0xa: {  	[smem:$0x3FA9] =	sst s2  }
0xb: {  	[smem:$0x3FAA] =	sst s3  }
0xc: {  	[smem:$0x3FAB] =	sst s4  }
0xd: {  	[smem:$0x3FAC] =	sst s5  }
0xe: {  	[smem:$0x3FAD] =	sst s6  }
0xf: {  	[smem:$0x3FAE] =	sst s7  }
0x10: {  	[smem:$0x3FAF] =	sst s8  }
0x11: {  	[smem:$0x3FB0] =	sst s9;
	s0 =	simm.s32 @!p0 $0x0  }
0x12: {  	s1 =	sld [smem:$0x3F96];
	s0 =	simm.s32 @p0 $0x1  }
0x13: {  	[smem:$0x3FB1] =	sst s0;
	s0 =	simm.s32 @!p1 $0x0  }
0x14: {  	s2 =	sld [smem:$0x3F95];
	s0 =	simm.s32 @p1 $0x1  }
0x15: {  	[smem:$0x3FB2] =	sst s0;
	s0 =	simm.s32 @!p2 $0x0  }
0x16: {  	s3 =	sld [smem:$0x3FDB];
	s0 =	simm.s32 @p2 $0x1  }
0x17: {  	s4 =	simm.s32 $0x1BF5;
	[smem:$0x3FB4] =	sst s0  }
0x18: {  	s0 =	sld [smem:$0x3F97];
	_ =	swait.ge [sflag:s4], $0x0  }
0x19: {  	s7 =	sld [smem:$0x3F98]  }
0x1a: {  	s8 =	sadd.s32 $0xFFFFE003, lr  }
0x1b: {  	s9 =	sadd.s32 $0xFFFFFEF7, lr;
	s5 =	simm.s32 $0xFFFFFFFF;
	p2 =	slt.u32 s8, $0xFFFFF086  }
0x1c: {  	p1 =	slt.u32 s9, $0xF7A;
	s5 =	simm.s32 @!p2 $0x0  }
0x1d: {  	s5 =	simm.s32 @p1 $0x1;
	p0 =	seq.s32 s7, s2  }
0x1e: {  	s7 =	smul.u32 @!p0 $0xF7A, s2;
	p2 =	seq.s32 @!p0 s5, $0x0  }
0x1f: {  	s9 =	smul.u32 $0xF7A, s1;
	s8 =	simm.s32 @!p0 $0x1BF5;
	p2 =	por !p2, p0  }
0x20: {  	[sflag:s8] =	ssyncset.s32 @!p0 $0xFFFFF086;
	s6 =	sadd.s32 @!p0 s3, s7;
	s7 =	simm.s32 @!p0 $0x108  }
0x21: {  	s3 =	sadd.s32 s3, s9;
	s6 =	sadd.s32 @!p0 $0x88, s6;
	s7 =	simm.s32 @p2 $0x1082  }
0x22: {  	[simem:s7], [sflag:s8] =	dma.local @!p0 [hbm:s6], $0xF7A  }
0x23: {  	s9 =	sor.u32 $0xD0000000, s2;
	s6 =	simm.s32 $0x108;
	_ =	swait.ge @!p0 [sflag:s8], $0x0  }
0x24: {  	s3 =	sadd.s32 $0x88, s3;
	s6 =	simm.s32 @!p1 $0x1082;
	[sflag:s4] =	ssyncset.s32 $0xFFFFF086  }
0x25: {  	[simem:s6], [sflag:s4] =	dma.local [hbm:s3], $0xF7A  }
0x26: {  	[smem:$0x3F98] =	sst s1;
	(tag) =	ssettag s2;
	_ =	strace s9  }
0x27: {  	s1 =	sld [smem:$0x3FA8]  }
0x28: {  	s2 =	sld [smem:$0x3FA9]  }
0x29: {  	s4 =	sld [smem:$0x3FAB]  }
0x2a: {  	p0 =	seq.s32 s5, $0x0;
	s5 =	sld [smem:$0x3FAC]  }
0x2b: {  	s6 =	sld [smem:$0x3FAD]  }
0x2c: {  	s7 =	sld [smem:$0x3FAE]  }
0x2d: {  	s3 =	simm.s32 $0x108;
	s8 =	sld [smem:$0x3FAF]  }
0x2e: {  	s3 =	simm.s32 @!p0 $0x1082;
	s9 =	sld [smem:$0x3FB0]  }
0x2f: {  	lr =	sadd.s32 s0, s3;
	s0 =	sld [smem:$0x3FA7]  }
0x30: {  	s3 =	sld [smem:$0x3FAA]  }
0x31: {  	[smem:$0x3FB3] =	sst s10  }
0x32: {  	s10 =	sld [smem:$0x3FB1];
	_ =	sdelay $0x3  }
0x33: {  	p0 =	seq.s32 s10, $0x1;
	s10 =	sld [smem:$0x3FB3];
	_ =	sdelay $0x3  }
0x34: {  	[smem:$0x3FB3] =	sst s10  }
0x35: {  	s10 =	sld [smem:$0x3FB2];
	_ =	sdelay $0x3  }
0x36: {  	p1 =	seq.s32 s10, $0x1;
	s10 =	sld [smem:$0x3FB3];
	_ =	sdelay $0x3  }
0x37: {  	[smem:$0x3FB3] =	sst s10  }
0x38: {  	s10 =	sld [smem:$0x3FB4]  }
0x39: {  	_ = 	snop;
	(pc) =	sbr.ind lr, $3  }
0x3a: {  	_ = 	snop  }
0x3b: {  	_ = 	snop  }
0x3c: {  	p2 =	seq.s32 s10, $0x1;
	s10 =	sld [smem:$0x3FB3]  }
0x3d: {  	_ =	shalt  }
0x3e: {  	_ =	shalt  }
0x3f: {  	_ =	shalt  }
0x40: {  	_ =	shalt  }
0x41: {  	_ =	shalt  }
0x42: {  	_ =	shalt  }
0x43: {  	_ =	shalt  }
0x44: {  	_ =	shalt  }
0x45: {  	_ =	shalt  }
0x46: {  	_ =	shalt  }
0x47: {  	_ =	shalt  }
0x48: {  	_ =	shalt  }
0x49: {  	_ =	shalt  }
0x4a: {  	_ =	shalt  }
0x4b: {  	_ =	shalt  }
0x4c: {  	_ =	shalt  }
0x4d: {  	_ =	shalt  }
0x4e: {  	_ =	shalt  }
0x4f: {  	_ =	shalt  }
0x50: {  	_ =	shalt  }
0x51: {  	_ =	shalt  }
0x52: {  	_ =	shalt  }
0x53: {  	_ =	shalt  }
0x54: {  	_ =	shalt  }
0x55: {  	_ =	shalt  }
0x56: {  	_ =	shalt  }
0x57: {  	_ =	shalt  }
0x58: {  	_ =	shalt  }
0x59: {  	_ =	shalt  }
0x5a: {  	_ =	shalt  }
0x5b: {  	_ =	shalt  }
0x5c: {  	_ =	shalt  }
0x5d: {  	_ =	shalt  }
0x5e: {  	_ =	shalt  }
0x5f: {  	_ =	shalt  }
0x60: {  	_ =	shalt  }
0x61: {  	_ =	shalt  }
0x62: {  	_ =	shalt  }
0x63: {  	_ =	shalt  }
0x64: {  	_ =	shalt  }
0x65: {  	_ =	shalt  }
0x66: {  	_ =	shalt  }
0x67: {  	_ =	shalt  }
0x68: {  	_ =	shalt  }
0x69: {  	_ =	shalt  }
0x6a: {  	_ =	shalt  }
0x6b: {  	_ =	shalt  }
0x6c: {  	_ =	shalt  }
0x6d: {  	_ =	shalt  }
0x6e: {  	_ =	shalt  }
0x6f: {  	_ =	shalt  }
0x70: {  	_ =	shalt  }
0x71: {  	_ =	shalt  }
0x72: {  	_ =	shalt  }
0x73: {  	_ =	shalt  }
0x74: {  	_ =	shalt  }
0x75: {  	_ =	shalt  }
0x76: {  	_ =	shalt  }
0x77: {  	_ =	shalt  }
0x78: {  	_ =	shalt  }
0x79: {  	_ =	shalt  }
0x7a: {  	_ =	shalt  }
0x7b: {  	_ =	shalt  }
0x7c: {  	_ =	shalt  }
0x7d: {  	_ =	shalt  }
0x7e: {  	_ =	shalt  }
0x7f: {  	_ =	shalt  }
0x80: {  	_ =	shalt  }
0x81: {  	_ =	shalt  }
0x82: {  	_ =	shalt  }
0x83: {  	_ =	shalt  }
0x84: {  	_ =	shalt  }
0x85: {  	_ =	shalt  }
0x86: {  	_ =	shalt  }
0x87: {  	_ =	shalt  }
.Lfunc_end0:
.L_simem_size_0:
called_computation_lowered:
.L_overlay_start_0:
0x88: {  	s2 =	sld [smem:$0x3FD9]  }
0x89: {  	s3 =	sld [smem:$0x3FFE];
	_ =	sdelay $0x1  }
0x8a: {  	s1 =	srdreg.scid  }
0x8b: {  	s0 =	sand.u32 $0x1, s1  }
0x8c: {  	s17 =	sshll.u32 s0, $0xA;
	s2 =	sadd.s32 s3, s2  }
0x8d: {  	s2 =	sadd.s32 s2, s17  }
0x8e: {  	[smem:$0x3FBF] =	sst s2  }
0x8f: {  	_ = 	snop  }
0x90: {  	s2 =	sld [smem:$0x3FD0];
	(tm) =	ssettm $0x1  }
0x91: {  	s18 =	sld [smem:$0x3FFB];
	_ =	sdelay $0x3  }
0x92: {  	_ =	strace s18  }
0x93: {  	s3 =	sld [smem:$0x3FFC];
	_ =	sdelay $0x3  }
0x94: {  	_ =	strace s3  }
0x95: {  	s3 =	sld [smem:$0x3FFD];
	_ =	sdelay $0x3  }
0x96: {  	_ =	strace s3  }
0x97: {  	_ =	strace $0x8FFFFFFF  }
0x98: {  	s19 =	sld [smem:$0x3FDB];
	_ =	sdelay $0x1  }
0x99: {  	s4 =	simm.s32 $_scs_section_size  }
0x9a: {  	s5 =	simm.s32 $_size__tile_overlayer_lowered;
	s6 =	simm.s32 $_tile_overlayer_lowered  }
0x9b: {  	s22 =	simm.s32 $0x1BFF;
	s21 =	sshll.u32 s6, $0x1;
	s3 =	sadd.s32 s4, s19  }
0x9c: {  	s7 =	simm.s32 $0x0;
	s20 =	sshll.u32 s5, $0x1;
	s5 =	sadd.s32 s21, s3  }
0x9d: {  	[timem:s7], [sflag:s22] =	dma.local [hbm:s5], s20  }
0x9e: {  	_ =	swait.ge [sflag:s22], s20  }
0x9f: {  	s4 =	ssub.s32 $0x0, s20;
	[sflag:s22] =	ssyncset.done $0x0  }
0xa0: {  	[sflag:s22] =	ssyncadd.s32 s4;
	_ =	sdelay $0x1  }
0xa1: {  	s23 =	simm.s32 $0x1B8B  }
0xa2: {  	_ =	swait.ge [sflag:s23], $0x1  }
0xa3: {  	[sflag:s23] =	ssyncset.done $0x0  }
0xa4: {  	s25 =	simm.s32 $0x1B8E;
	s24 =	sld [smem:$0x3FFE];
	[sflag:s23] =	ssyncadd.s32 $0xFFFFFFFF  }
0xa5: {  	s26 =	simm.s32 $execute0_lowered;
	[smem:$0x3FD2] =	sst s25  }
0xa6: {  	s5 =	sshll.u32 s26, $0x1;
	_ =	strace $0x80000046;
	[dreg:$0x1] =	wrdreg $0xFFFFFFFF  }
0xa7: {  	s28 =	simm.s32 $_size_execute0_lowered;
	s3 =	sadd.s32 s3, s5;
	[dreg:$0x0] =	wrdreg $0x0  }
0xa8: {  	s5 =	sshll.u32 s28, $0x1;
	[dreg:$0x2] =	wrdreg s3  }
0xa9: {  	[dreg:$0x3] =	wrdreg s5  }
0xaa: {  	[dreg:$0x4] =	wrdreg $0xC0  }
0xab: {  	_ =	task [dreg:s7], $0x5FFFF  }
0xac: {  	[dreg:$0x1] =	wrdreg $0xFFFFFFFF  }
0xad: {  	[dreg:$0x0] =	wrdreg $0x60  }
0xae: {  	[dreg:$0x2] =	wrdreg s24  }
0xaf: {  	[dreg:$0x3] =	wrdreg s2  }
0xb0: {  	[dreg:$0x4] =	wrdreg $0x53800  }
0xb1: {  	[dreg:$0x5] =	wrdreg $0x9  }
0xb2: {  	_ =	task.clear_ibuf [dreg:s7], $0x6FFFF;
	_ =	strace $0x90000046  }
0xb3: {  	s29 =	simm.s32 $0x9;
	_ =	strace $0x80000048  }
0xb4: {  	_ =	swait.ge [sflag:s29], $0x1  }
0xb5: {  	[sflag:s29] =	ssyncadd.s32 $0xFFFFFFFF  }
0xb6: {  	_ =	strace $0x90000048  }
0xb7: {  	_ =	sfence  }
0xb8: {  	s30 =	sld [smem:$0x0];
	_ =	sdelay $0x2  }
0xb9: {  	s31 =	sshll.u32 s1, $0xD;
	s1 =	sshrl.u32 s1, $0x2  }
0xba: {  	s3 =	sand.u32 $0x4000, s31;
	s1 =	sadd.s32 s1, s30  }
0xbb: {  	s0 =	sor.u32 s3, s0;
	s1 =	sshll.u32 s1, $0x11  }
0xbc: {  	s0 =	sor.u32 s1, s0  }
0xbd: {  	s0 =	sadd.s32 $0x8F2B, s0  }
0xbe: {  	[sflag:s0] =	ssyncadd.remote.s32 $0x1  }
0xbf: {  	_ =	sfence.sel $0xFFFF  }
0xc0: {  	[dreg:$0x0] =	wrdreg $0xFFFFFFFF;
	(pc) =	sbr.abs _section_cstart, $3  }
0xc1: {  	[dreg:$0x1] =	wrdreg $0xFFFFFFFF  }
0xc2: {  	_ =	task.clear_ibuf [dreg:s7], $0x2FFFF;
	_ =	strace $0x9FFFFFFF  }
0xc3: {  	(tm) =	ssettm $0x7FFFFFFF  }
tec
execute0_lowered:
.L_overlay_start_1:
0x0: {  	(tag) =	ssettag $0x1  }
0x1: {  	s4 =	rddreg [dreg:$0x0]  }
0x2: {  	s6 =	rddreg [dreg:$0x1]  }
0x3: {  	s2 =	rddreg [dreg:$0x2]  }
0x4: {  	s0 =	rddreg [dreg:$0x3]  }
0x5: {  	s1 =	stileid.u32;
	s5 =	srdreg.scid  }
0x6: {  	s3 =	simm.s32 $0x0;
	s11 =	simm.s32 $0x5000;
	s14 =	simm.s32 $0x0  }
0x7: {  	s7 =	smul.u32 $0xA00, s1;
	s10 =	sand.u32 $0x1, s5;
	[smem:$0x7FF] =	sst s3  }
0x8: {  	s8 =	smul.u32 $0x280, s1;
	s5 =	ssub.s32 $0x2, s10;
	_ =	strace $0x80000047  }
0x9: {  	p0 =	sne.s32 s10, $0x0;
	s10 =	simm.s32 $0x100;
	s7 =	sadd.s32 s7, s4  }
0xa: {  	s31 =	sshrl.u32 s5, $0x1;
	s4 =	sadd.s32 s8, s2;
	s8 =	sshrl.u32 s8, $0x3  }
0xb: {  	s12 =	sshll.u32 @!p0 s1, $0x6;
	s9 =	ssub.s32 s5, s31;
	s5 =	sadd.s32 $0x2200, s7  }
0xc: {  	s6 =	sadd.s32 s6, s8;
	s8 =	simm.s32 $0x5100;
	s12 =	sor.u32 @!p0 $0x1C01, s12  }
0xd: {  	v0 =	vimm.f32 $0.0e+00;
	v1 =	vimm.f32 $1.000000000e+00;
	s13 =	sshrl.u32 @!p0 s4, $0x3;
	s7 =	smax.u32 s9, $0x1;
	s9 =	simm.s32 $0x1  }
.LBB2_1:
0xe: {  	[tilespmem:$0x5100] =	vst v0  }
0xf: {  	[tilespmem:$0x5110] =	vst v0  }
0x10: {  	[tilespmem:$0x5120] =	vst v0  }
0x11: {  	[tilespmem:$0x5130] =	vst v0  }
0x12: {  	[tilespmem:$0x5140] =	vst v0  }
0x13: {  	[tilespmem:$0x5150] =	vst v0  }
0x14: {  	[tilespmem:$0x5160] =	vst v0  }
0x15: {  	[tilespmem:$0x5170] =	vst v0  }
0x16: {  	[tilespmem:$0x5180] =	vst v0  }
0x17: {  	[tilespmem:$0x5190] =	vst v0  }
0x18: {  	[tilespmem:$0x51A0] =	vst v0  }
0x19: {  	[tilespmem:$0x51B0] =	vst v0  }
0x1a: {  	[tilespmem:$0x51C0] =	vst v0  }
0x1b: {  	[tilespmem:$0x51D0] =	vst v0  }
0x1c: {  	[tilespmem:$0x51E0] =	vst v0  }
0x1d: {  	[tilespmem:$0x51F0] =	vst v0  }
0x1e: {  	[tilespmem:$0x5200] =	vst v0  }
0x1f: {  	[tilespmem:$0x5210] =	vst v0  }
0x20: {  	[tilespmem:$0x5220] =	vst v0  }
0x21: {  	[tilespmem:$0x5230] =	vst v0  }
0x22: {  	[tilespmem:$0x5240] =	vst v0  }
0x23: {  	[tilespmem:$0x5250] =	vst v0  }
0x24: {  	[tilespmem:$0x5260] =	vst v0  }
0x25: {  	[tilespmem:$0x5270] =	vst v0  }
0x26: {  	[tilespmem:$0x5280] =	vst v0  }
0x27: {  	[tilespmem:$0x5290] =	vst v0  }
0x28: {  	[tilespmem:$0x52A0] =	vst v0  }
0x29: {  	[tilespmem:$0x52B0] =	vst v0  }
0x2a: {  	[tilespmem:$0x52C0] =	vst v0  }
0x2b: {  	[tilespmem:$0x52D0] =	vst v0  }
0x2c: {  	[tilespmem:$0x52E0] =	vst v0  }
0x2d: {  	[tilespmem:$0x52F0] =	vst v0  }
0x2e: {  	[tilespmem:$0x5300] =	vst v0  }
0x2f: {  	[tilespmem:$0x5310] =	vst v0  }
0x30: {  	[tilespmem:$0x5320] =	vst v0  }
0x31: {  	[tilespmem:$0x5330] =	vst v0  }
0x32: {  	[tilespmem:$0x5340] =	vst v0  }
0x33: {  	[tilespmem:$0x5350] =	vst v0  }
0x34: {  	[tilespmem:$0x5360] =	vst v0  }
0x35: {  	[tilespmem:$0x5370] =	vst v0  }
0x36: {  	[tilespmem:$0x5000] =	vst v1  }
0x37: {  	[tilespmem:$0x5010] =	vst v1  }
0x38: {  	[tilespmem:$0x5020] =	vst v1  }
0x39: {  	[tilespmem:$0x5030] =	vst v1  }
0x3a: {  	[tilespmem:$0x5040] =	vst v1  }
0x3b: {  	[tilespmem:$0x5050] =	vst v1  }
0x3c: {  	[tilespmem:$0x5060] =	vst v1  }
0x3d: {  	[tilespmem:$0x5070] =	vst v1  }
0x3e: {  	[tilespmem:$0x5080] =	vst v1  }
0x3f: {  	[tilespmem:$0x5090] =	vst v1  }
0x40: {  	[tilespmem:$0x50A0] =	vst v1  }
0x41: {  	[tilespmem:$0x50B0] =	vst v1  }
0x42: {  	[tilespmem:$0x50C0] =	vst v1  }
0x43: {  	[tilespmem:$0x50D0] =	vst v1  }
0x44: {  	[tilespmem:$0x50E0] =	vst v1  }
0x45: {  	[tilespmem:$0x50F0] =	vst v1  }
0x46: {  	[spmem:s4] =	stream.linear.scatter [tilespmem:s8], [sflag:$0x1], $0x280, $0x38;
	[tilespmem:$0x5600] =	vst v63  }
0x47: {  	_ =	swait.ge [sflag:s9], $0x280  }
0x48: {  	[sflag:s9] =	ssyncset.done $0x0  }
0x49: {  	[sflag:s9] =	ssyncadd.s32 $0xFFFFFD80  }
0x4a: {  	[bflag:$0x0] =	sbarrier.arrive $0xFFFF  }
0x4b: {  	[tilespmem:s3], [sflag:$0x1] =	stream.linear.gather [hbm4b:s5+s3], $0x5000, $0x38;
	[tilespmem:$0x5600] =	vst v63  }
0x4c: {  	_ =	swait.ge [sflag:s9], $0x5000  }
0x4d: {  	[sflag:s9] =	ssyncset.done $0x0  }
0x4e: {  	s15 =	simm.s32 $0x0;
	[sflag:s9] =	ssyncadd.s32 $0xFFFFB000  }
0x4f: {  	[spmem:s2] =	stream.indirect.scatter.add.f32 [tilespmem:s11], [sflag:$0x1], $0x1, s15, s10, $0xb8;
	[tilespmem:$0x5600] =	vst v63  }
0x50: {  	_ =	swait.ge [sflag:s9], $0x100  }
0x51: {  	s15 =	simm.s32 $0x400;
	[sflag:s9] =	ssyncset.done $0x0  }
.LBB2_2:
0x52: {  	s16 =	sshra.s32 s15, $0x2;
	[sflag:s9] =	ssyncadd.s32 $0xFFFFFF00;
	p1 =	sne.s32 s15, $0x13C00  }
0x53: {  	[spmem:s2] =	stream.indirect.scatter.add.f32 [tilespmem:s11], [sflag:$0x1], $0x1, s16, s10, $0xb8;
	[tilespmem:$0x5600] =	vst v63  }
.Ltmp0:
0x54: {  	_ = 	snop;
	(pc) =	sbr.rel @p1 .LBB2_2-.Ltmp0, $4  }
0x55: {  	_ = 	snop  }
0x56: {  	s15 =	sadd.s32 $0x400, s15  }
0x57: {  	_ =	swait.ge [sflag:s9], $0x100  }
0x58: {  	[sflag:s9] =	ssyncset.done $0x0  }
0x59: {  	s14 =	sadd.s32 $0x1, s14  }
0x5a: {  	[sflag:s9] =	ssyncadd.s32 $0xFFFFFF00;
	p1 =	sne.s32 s14, s7  }
.Ltmp1:
0x5b: {  	s15 =	simm.s32 @!p0 $0x1;
	[bflag:$0x0] =	sbarrier.arrive $0xFFFF;
	(pc) =	sbr.rel @p1 .LBB2_1-.Ltmp1, $4  }
0x5c: {  	[hbm:s6], [sflag:s12] =	dma.local @!p0 [spmem:s13], $0x50  }
0x5d: {  	_ =	swait.ge @!p0 [sflag:s15], $0x50  }
0x5e: {  	[sflag:s15] =	ssyncset.done @!p0 $0x0  }
0x5f: {  	[sflag:s15] =	ssyncadd.s32 @!p0 $0xFFFFFFB0  }
0x60: {  	_ =	sfence.sel $0x180000  }
0x61: {  	[bflag:$0x0] =	sbarrier.arrive $0xFFFF  }
0x62: {  	p0 =	sne.s32 s1, $0x0;
	_ =	strace $0x90000047  }
0x63: {  	s0 =	sadd.s32 @!p0 $0x100000, s0;
	[bflag:$0x2] =	sbarrier.arrive $0xFFFF  }
0x64: {  	[sflag:s0] =	ssyncadd.tile.s32 @!p0 $0x1;
	_ =	shalt  }
.Lfunc_end2:
_tile_overlayer_lowered:
.L_overlay_start_2:
0x65: {  	(tag) =	ssettag $0x2  }
0x66: {  	s0 =	rddreg [dreg:$0x0];
	s2 =	stileid.u32  }
0x67: {  	s1 =	rddreg [dreg:$0x1];
	p0 =	sne.s32 s2, $0x0  }
0x68: {  	s3 =	rddreg [dreg:$0x2];
	[bflag:$0x3] =	sbarrier.arrive $0xFFFF;
	s2 =	simm.s32 @!p0 $0x1C01  }
0x69: {  	[timem:s3], [sflag:s2] =	dma.local @!p0 [hbm:s0], s1  }
0x6a: {  	s0 =	simm.s32 @!p0 $0x1  }
0x6b: {  	_ =	swait.ge @!p0 [sflag:s0], s1  }
0x6c: {  	s1 =	ssub.s32 @!p0 $0x0, s1;
	[sflag:s0] =	ssyncset.done @!p0 $0x0  }
0x6d: {  	[sflag:s0] =	ssyncadd.s32 @!p0 s1  }
0x6e: {  	[bflag:$0x3] =	sbarrier.arrive $0xFFFF  }
0x6f: {  	_ =	shalt  }

// kernel: kernel.15.cloned.1.call-start
scs
__scs_entry_jumppad:
0x0: {  	(pc) =	sbr.rel $0x88, $3  }
0x1: {  	(tag) =	ssettag $0x0;
	lr =	simm.s32 $0x1  }
0x2: {  	[smem:$0x3F98] =	sst lr;
	_ =	strace $0xD0000000  }
0x3: {  	_ = 	snop  }
0x4: {  	_ = 	snop  }
0x5: {  	_ = 	snop  }
0x6: {  	_ = 	snop  }
0x7: {  	_ = 	snop  }
__scs_overlays_trampoline_lowered:
0x8: {  	[smem:$0x3FA7] =	sst s0  }
0x9: {  	[smem:$0x3FA8] =	sst s1  }
0xa: {  	[smem:$0x3FA9] =	sst s2  }
0xb: {  	[smem:$0x3FAA] =	sst s3  }
0xc: {  	[smem:$0x3FAB] =	sst s4  }
0xd: {  	[smem:$0x3FAC] =	sst s5  }
0xe: {  	[smem:$0x3FAD] =	sst s6  }
0xf: {  	[smem:$0x3FAE] =	sst s7  }
0x10: {  	[smem:$0x3FAF] =	sst s8  }
0x11: {  	[smem:$0x3FB0] =	sst s9;
	s0 =	simm.s32 @!p0 $0x0  }
0x12: {  	s1 =	sld [smem:$0x3F96];
	s0 =	simm.s32 @p0 $0x1  }
0x13: {  	[smem:$0x3FB1] =	sst s0;
	s0 =	simm.s32 @!p1 $0x0  }
0x14: {  	s2 =	sld [smem:$0x3F95];
	s0 =	simm.s32 @p1 $0x1  }
0x15: {  	[smem:$0x3FB2] =	sst s0;
	s0 =	simm.s32 @!p2 $0x0  }
0x16: {  	s3 =	sld [smem:$0x3FDB];
	s0 =	simm.s32 @p2 $0x1  }
0x17: {  	s4 =	simm.s32 $0x1BF5;
	[smem:$0x3FB4] =	sst s0  }
0x18: {  	s0 =	sld [smem:$0x3F97];
	_ =	swait.ge [sflag:s4], $0x0  }
0x19: {  	s7 =	sld [smem:$0x3F98]  }
0x1a: {  	s8 =	sadd.s32 $0xFFFFE003, lr  }
0x1b: {  	s9 =	sadd.s32 $0xFFFFFEF7, lr;
	s5 =	simm.s32 $0xFFFFFFFF;
	p2 =	slt.u32 s8, $0xFFFFF086  }
0x1c: {  	p1 =	slt.u32 s9, $0xF7A;
	s5 =	simm.s32 @!p2 $0x0  }
0x1d: {  	s5 =	simm.s32 @p1 $0x1;
	p0 =	seq.s32 s7, s2  }
0x1e: {  	s7 =	smul.u32 @!p0 $0xF7A, s2;
	p2 =	seq.s32 @!p0 s5, $0x0  }
0x1f: {  	s9 =	smul.u32 $0xF7A, s1;
	s8 =	simm.s32 @!p0 $0x1BF5;
	p2 =	por !p2, p0  }
0x20: {  	[sflag:s8] =	ssyncset.s32 @!p0 $0xFFFFF086;
	s6 =	sadd.s32 @!p0 s3, s7;
	s7 =	simm.s32 @!p0 $0x108  }
0x21: {  	s3 =	sadd.s32 s3, s9;
	s6 =	sadd.s32 @!p0 $0x88, s6;
	s7 =	simm.s32 @p2 $0x1082  }
0x22: {  	[simem:s7], [sflag:s8] =	dma.local @!p0 [hbm:s6], $0xF7A  }
0x23: {  	s9 =	sor.u32 $0xD0000000, s2;
	s6 =	simm.s32 $0x108;
	_ =	swait.ge @!p0 [sflag:s8], $0x0  }
0x24: {  	s3 =	sadd.s32 $0x88, s3;
	s6 =	simm.s32 @!p1 $0x1082;
	[sflag:s4] =	ssyncset.s32 $0xFFFFF086  }
0x25: {  	[simem:s6], [sflag:s4] =	dma.local [hbm:s3], $0xF7A  }
0x26: {  	[smem:$0x3F98] =	sst s1;
	(tag) =	ssettag s2;
	_ =	strace s9  }
0x27: {  	s1 =	sld [smem:$0x3FA8]  }
0x28: {  	s2 =	sld [smem:$0x3FA9]  }
0x29: {  	s4 =	sld [smem:$0x3FAB]  }
0x2a: {  	p0 =	seq.s32 s5, $0x0;
	s5 =	sld [smem:$0x3FAC]  }
0x2b: {  	s6 =	sld [smem:$0x3FAD]  }
0x2c: {  	s7 =	sld [smem:$0x3FAE]  }
0x2d: {  	s3 =	simm.s32 $0x108;
	s8 =	sld [smem:$0x3FAF]  }
0x2e: {  	s3 =	simm.s32 @!p0 $0x1082;
	s9 =	sld [smem:$0x3FB0]  }
0x2f: {  	lr =	sadd.s32 s0, s3;
	s0 =	sld [smem:$0x3FA7]  }
0x30: {  	s3 =	sld [smem:$0x3FAA]  }
0x31: {  	[smem:$0x3FB3] =	sst s10  }
0x32: {  	s10 =	sld [smem:$0x3FB1];
	_ =	sdelay $0x3  }
0x33: {  	p0 =	seq.s32 s10, $0x1;
	s10 =	sld [smem:$0x3FB3];
	_ =	sdelay $0x3  }
0x34: {  	[smem:$0x3FB3] =	sst s10  }
0x35: {  	s10 =	sld [smem:$0x3FB2];
	_ =	sdelay $0x3  }
0x36: {  	p1 =	seq.s32 s10, $0x1;
	s10 =	sld [smem:$0x3FB3];
	_ =	sdelay $0x3  }
0x37: {  	[smem:$0x3FB3] =	sst s10  }
0x38: {  	s10 =	sld [smem:$0x3FB4]  }
0x39: {  	_ = 	snop;
	(pc) =	sbr.ind lr, $3  }
0x3a: {  	_ = 	snop  }
0x3b: {  	_ = 	snop  }
0x3c: {  	p2 =	seq.s32 s10, $0x1;
	s10 =	sld [smem:$0x3FB3]  }
0x3d: {  	_ =	shalt  }
0x3e: {  	_ =	shalt  }
0x3f: {  	_ =	shalt  }
0x40: {  	_ =	shalt  }
0x41: {  	_ =	shalt  }
0x42: {  	_ =	shalt  }
0x43: {  	_ =	shalt  }
0x44: {  	_ =	shalt  }
0x45: {  	_ =	shalt  }
0x46: {  	_ =	shalt  }
0x47: {  	_ =	shalt  }
0x48: {  	_ =	shalt  }
0x49: {  	_ =	shalt  }
0x4a: {  	_ =	shalt  }
0x4b: {  	_ =	shalt  }
0x4c: {  	_ =	shalt  }
0x4d: {  	_ =	shalt  }
0x4e: {  	_ =	shalt  }
0x4f: {  	_ =	shalt  }
0x50: {  	_ =	shalt  }
0x51: {  	_ =	shalt  }
0x52: {  	_ =	shalt  }
0x53: {  	_ =	shalt  }
0x54: {  	_ =	shalt  }
0x55: {  	_ =	shalt  }
0x56: {  	_ =	shalt  }
0x57: {  	_ =	shalt  }
0x58: {  	_ =	shalt  }
0x59: {  	_ =	shalt  }
0x5a: {  	_ =	shalt  }
0x5b: {  	_ =	shalt  }
0x5c: {  	_ =	shalt  }
0x5d: {  	_ =	shalt  }
0x5e: {  	_ =	shalt  }
0x5f: {  	_ =	shalt  }
0x60: {  	_ =	shalt  }
0x61: {  	_ =	shalt  }
0x62: {  	_ =	shalt  }
0x63: {  	_ =	shalt  }
0x64: {  	_ =	shalt  }
0x65: {  	_ =	shalt  }
0x66: {  	_ =	shalt  }
0x67: {  	_ =	shalt  }
0x68: {  	_ =	shalt  }
0x69: {  	_ =	shalt  }
0x6a: {  	_ =	shalt  }
0x6b: {  	_ =	shalt  }
0x6c: {  	_ =	shalt  }
0x6d: {  	_ =	shalt  }
0x6e: {  	_ =	shalt  }
0x6f: {  	_ =	shalt  }
0x70: {  	_ =	shalt  }
0x71: {  	_ =	shalt  }
0x72: {  	_ =	shalt  }
0x73: {  	_ =	shalt  }
0x74: {  	_ =	shalt  }
0x75: {  	_ =	shalt  }
0x76: {  	_ =	shalt  }
0x77: {  	_ =	shalt  }
0x78: {  	_ =	shalt  }
0x79: {  	_ =	shalt  }
0x7a: {  	_ =	shalt  }
0x7b: {  	_ =	shalt  }
0x7c: {  	_ =	shalt  }
0x7d: {  	_ =	shalt  }
0x7e: {  	_ =	shalt  }
0x7f: {  	_ =	shalt  }
0x80: {  	_ =	shalt  }
0x81: {  	_ =	shalt  }
0x82: {  	_ =	shalt  }
0x83: {  	_ =	shalt  }
0x84: {  	_ =	shalt  }
0x85: {  	_ =	shalt  }
0x86: {  	_ =	shalt  }
0x87: {  	_ =	shalt  }
.Lfunc_end0:
.L_simem_size_0:
called_computation.1_lowered:
.L_overlay_start_0:
0x88: {  	s2 =	sld [smem:$0x3FD9]  }
0x89: {  	s3 =	sld [smem:$0x3FFE];
	_ =	sdelay $0x1  }
0x8a: {  	s1 =	srdreg.scid  }
0x8b: {  	s0 =	sand.u32 $0x1, s1  }
0x8c: {  	s17 =	sshll.u32 s0, $0xA;
	s2 =	sadd.s32 s3, s2  }
0x8d: {  	s2 =	sadd.s32 s2, s17  }
0x8e: {  	[smem:$0x3FBF] =	sst s2  }
0x8f: {  	_ = 	snop  }
0x90: {  	s2 =	sld [smem:$0x3FD0];
	(tm) =	ssettm $0x1  }
0x91: {  	s18 =	sld [smem:$0x3FFB];
	_ =	sdelay $0x3  }
0x92: {  	_ =	strace s18  }
0x93: {  	s3 =	sld [smem:$0x3FFC];
	_ =	sdelay $0x3  }
0x94: {  	_ =	strace s3  }
0x95: {  	s3 =	sld [smem:$0x3FFD];
	_ =	sdelay $0x3  }
0x96: {  	_ =	strace s3  }
0x97: {  	_ =	strace $0x8FFFFFFF  }
0x98: {  	s19 =	sld [smem:$0x3FDB];
	_ =	sdelay $0x1  }
0x99: {  	s4 =	simm.s32 $_scs_section_size  }
0x9a: {  	s5 =	simm.s32 $_size__tile_overlayer_lowered;
	s6 =	simm.s32 $_tile_overlayer_lowered  }
0x9b: {  	s22 =	simm.s32 $0x1BFF;
	s21 =	sshll.u32 s6, $0x1;
	s3 =	sadd.s32 s4, s19  }
0x9c: {  	s7 =	simm.s32 $0x0;
	s20 =	sshll.u32 s5, $0x1;
	s5 =	sadd.s32 s21, s3  }
0x9d: {  	[timem:s7], [sflag:s22] =	dma.local [hbm:s5], s20  }
0x9e: {  	_ =	swait.ge [sflag:s22], s20  }
0x9f: {  	s4 =	ssub.s32 $0x0, s20;
	[sflag:s22] =	ssyncset.done $0x0  }
0xa0: {  	[sflag:s22] =	ssyncadd.s32 s4;
	_ =	sdelay $0x1  }
0xa1: {  	s23 =	simm.s32 $0x1B8B  }
0xa2: {  	_ =	swait.ge [sflag:s23], $0x1  }
0xa3: {  	[sflag:s23] =	ssyncset.done $0x0  }
0xa4: {  	s25 =	simm.s32 $0x1B8E;
	s24 =	sld [smem:$0x3FFE];
	[sflag:s23] =	ssyncadd.s32 $0xFFFFFFFF  }
0xa5: {  	s26 =	simm.s32 $execute0_lowered;
	[smem:$0x3FD2] =	sst s25  }
0xa6: {  	s5 =	sshll.u32 s26, $0x1;
	_ =	strace $0x80000049;
	[dreg:$0x1] =	wrdreg $0xFFFFFFFF  }
0xa7: {  	s28 =	simm.s32 $_size_execute0_lowered;
	s3 =	sadd.s32 s3, s5;
	[dreg:$0x0] =	wrdreg $0x0  }
0xa8: {  	s5 =	sshll.u32 s28, $0x1;
	[dreg:$0x2] =	wrdreg s3  }
0xa9: {  	[dreg:$0x3] =	wrdreg s5  }
0xaa: {  	[dreg:$0x4] =	wrdreg $0xC0  }
0xab: {  	_ =	task [dreg:s7], $0x5FFFF  }
0xac: {  	[dreg:$0x1] =	wrdreg $0xFFFFFFFF  }
0xad: {  	[dreg:$0x0] =	wrdreg $0x60  }
0xae: {  	[dreg:$0x2] =	wrdreg s2  }
0xaf: {  	[dreg:$0x3] =	wrdreg s24  }
0xb0: {  	[dreg:$0x4] =	wrdreg $0x120000  }
0xb1: {  	[dreg:$0x5] =	wrdreg $0x9  }
0xb2: {  	_ =	task.clear_ibuf [dreg:s7], $0x6FFFF;
	_ =	strace $0x90000049  }
0xb3: {  	s29 =	simm.s32 $0x9;
	_ =	strace $0x8000004B  }
0xb4: {  	_ =	swait.ge [sflag:s29], $0x1  }
0xb5: {  	[sflag:s29] =	ssyncadd.s32 $0xFFFFFFFF  }
0xb6: {  	_ =	strace $0x9000004B  }
0xb7: {  	_ =	sfence  }
0xb8: {  	s30 =	sld [smem:$0x0];
	_ =	sdelay $0x2  }
0xb9: {  	s31 =	sshll.u32 s1, $0xD;
	s1 =	sshrl.u32 s1, $0x2  }
0xba: {  	s3 =	sand.u32 $0x4000, s31;
	s1 =	sadd.s32 s1, s30  }
0xbb: {  	s0 =	sor.u32 s3, s0;
	s1 =	sshll.u32 s1, $0x11  }
0xbc: {  	s0 =	sor.u32 s1, s0  }
0xbd: {  	s0 =	sadd.s32 $0x8F2B, s0  }
0xbe: {  	[sflag:s0] =	ssyncadd.remote.s32 $0x1  }
0xbf: {  	_ =	sfence.sel $0xFFFF  }
0xc0: {  	[dreg:$0x0] =	wrdreg $0xFFFFFFFF;
	(pc) =	sbr.abs _section_cstart, $3  }
0xc1: {  	[dreg:$0x1] =	wrdreg $0xFFFFFFFF  }
0xc2: {  	_ =	task.clear_ibuf [dreg:s7], $0x2FFFF;
	_ =	strace $0x9FFFFFFF  }
0xc3: {  	(tm) =	ssettm $0x7FFFFFFF  }
tec
execute0_lowered:
.L_overlay_start_1:
0x0: {  	(tag) =	ssettag $0x1  }
0x1: {  	s1 =	rddreg [dreg:$0x0]  }
0x2: {  	s2 =	rddreg [dreg:$0x1];
	s0 =	stileid.u32  }
0x3: {  	s4 =	srdreg.scid;
	s3 =	rddreg [dreg:$0x2];
	s18 =	simm.s32 $0xA000  }
0x4: {  	s19 =	simm.s32 $0x5;
	s20 =	simm.s32 $0x5000;
	s21 =	simm.s32 $0x100  }
0x5: {  	s22 =	simm.s32 $0xE000;
	s23 =	simm.s32 $0x1;
	s5 =	smul.u32 $0xA00, s0  }
0x6: {  	s24 =	simm.s32 $0x2;
	s28 =	simm.s32 $0x0;
	s6 =	smul.u32 $0x280, s0  }
0x7: {  	s12 =	sand.u32 $0x1, s4;
	s4 =	simm.s32 $0x0;
	s8 =	smul.u32 $0x28000, s0  }
0x8: {  	s7 =	smul.u32 $0x2800, s12;
	[smem:$0x7FF] =	sst s4;
	s29 =	ssub.s32 $0x2, s12  }
0x9: {  	s25 =	smul.u32 $0x2710, s12;
	_ =	strace $0x8000004A;
	s11 =	sadd.s32 s5, s2  }
0xa: {  	s30 =	sshrl.u32 s8, $0x2;
	s31 =	sshrl.u32 s29, $0x1;
	s26 =	sadd.s32 s6, s7  }
0xb: {  	s17 =	ssub.s32 s29, s31;
	s10 =	sadd.s32 $0xC200, s11;
	s11 =	sadd.s32 $0x2200, s11  }
0xc: {  	v0 =	vmov s25;
	s25 =	simm.s32 $0x3;
	s5 =	sshll.u32 s26, $0x3;
	s17 =	smax.u32 s17, $0x1  }
0xd: {  	s26 =	simm.s32 $0x4;
	s2 =	sadd.s32 s5, s2;
	s5 =	sadd.s32 s30, s3  }
0xe: {  	s6 =	sadd.s32 $0x2000, s5;
	s7 =	sadd.s32 $0x4000, s5;
	s8 =	sadd.s32 $0x6000, s5  }
0xf: {  	s9 =	sadd.s32 $0x8000, s5;
	s12 =	sadd.s32 $0x64400, s2;
	s13 =	sadd.s32 $0x64800, s2  }
0x10: {  	v1 =	vimm.f32 $0.0e+00;
	s14 =	sadd.s32 $0x64C00, s2;
	s15 =	sadd.s32 $0x65000, s2;
	s16 =	sadd.s32 $0x65400, s2  }
.LBB2_1:
0x11: {  	s2 =	sand.u32 $0xFF00, s4  }
0x12: {  	s30 =	sand.u32 $0x30, s4;
	s2 =	sshrl.u32 s2, $0x2  }
0x13: {  	s29 =	simm.s32 $0x40;
	s2 =	sor.u32 s30, s2;
	s30 =	simm.s32 $0x0  }
.LBB2_2:
0x14: {  	p0 =	sne.s32 s29, $0xFFC0  }
0x15: {  	[tilespmem:s2+$0xA000] =	vst v1;
	s30 =	sadd.s32 $0x10, s30;
	s2 =	smov.u32 s29;
	s29 =	sadd.s32 $0x40, s29  }
.Ltmp0:
0x16: {  	(pc) =	sbr.rel @p0 .LBB2_2-.Ltmp0, $4  }
0x17: {  	_ = 	snop  }
0x18: {  	s2 =	sand.u32 $0xFF00, s2  }
0x19: {  	s31 =	sand.u32 $0x30, s30;
	s2 =	sshrl.u32 s2, $0x2  }
0x1a: {  	s2 =	sor.u32 s31, s2  }
0x1b: {  	[tilespmem:s2+$0xA000] =	vst v1  }
0x1c: {  	[spmem:s5] =	stream.linear.scatter [tilespmem:s18], [sflag:$0x5], $0x2000, $0x38;
	[tilespmem:$0x1C000] =	vst v63  }
0x1d: {  	_ =	swait.ge [sflag:s19], $0x2000  }
0x1e: {  	[sflag:s19] =	ssyncset.done $0x0  }
0x1f: {  	[sflag:s19] =	ssyncadd.s32 $0xFFFFE000  }
0x20: {  	[spmem:s6] =	stream.linear.scatter [tilespmem:s18], [sflag:$0x5], $0x2000, $0x38;
	[tilespmem:$0x1C000] =	vst v63  }
0x21: {  	_ =	swait.ge [sflag:s19], $0x2000  }
0x22: {  	[sflag:s19] =	ssyncset.done $0x0  }
0x23: {  	[sflag:s19] =	ssyncadd.s32 $0xFFFFE000  }
0x24: {  	[spmem:s7] =	stream.linear.scatter [tilespmem:s18], [sflag:$0x5], $0x2000, $0x38;
	[tilespmem:$0x1C000] =	vst v63  }
0x25: {  	_ =	swait.ge [sflag:s19], $0x2000  }
0x26: {  	[sflag:s19] =	ssyncset.done $0x0  }
0x27: {  	[sflag:s19] =	ssyncadd.s32 $0xFFFFE000  }
0x28: {  	[spmem:s8] =	stream.linear.scatter [tilespmem:s18], [sflag:$0x5], $0x2000, $0x38;
	[tilespmem:$0x1C000] =	vst v63  }
0x29: {  	_ =	swait.ge [sflag:s19], $0x2000  }
0x2a: {  	[sflag:s19] =	ssyncset.done $0x0  }
0x2b: {  	[sflag:s19] =	ssyncadd.s32 $0xFFFFE000  }
0x2c: {  	[spmem:s9] =	stream.linear.scatter [tilespmem:s18], [sflag:$0x5], $0x2000, $0x38;
	[tilespmem:$0x1C000] =	vst v63  }
0x2d: {  	_ =	swait.ge [sflag:s19], $0x2000  }
0x2e: {  	[sflag:s19] =	ssyncset.done $0x0  }
0x2f: {  	[sflag:s19] =	ssyncadd.s32 $0xFFFFE000  }
0x30: {  	s0 =	simm.s32 $0x0;
	[bflag:$0x0] =	sbarrier.arrive $0xFFFF  }
0x31: {  	[tilespmem:s0], [sflag:$0x5] =	stream.linear.gather [hbm4b:s10+s0], $0x5000, $0x38;
	[tilespmem:$0x1C000] =	vst v63  }
0x32: {  	_ =	swait.ge [sflag:s19], $0x5000  }
0x33: {  	[sflag:s19] =	ssyncset.done $0x0  }
0x34: {  	[sflag:s19] =	ssyncadd.s32 $0xFFFFB000  }
0x35: {  	[tilespmem:s20], [sflag:$0x5] =	stream.linear.gather [hbm4b:s11+s0], $0x5000, $0x38;
	[tilespmem:$0x1C000] =	vst v63  }
0x36: {  	s29 =	sand.u32 $0x1FC00, s0;
	_ =	swait.ge [sflag:s19], $0x5000  }
0x37: {  	s2 =	sand.u32 $0xF0, s0;
	s29 =	sshrl.u32 s29, $0x2;
	[sflag:s19] =	ssyncset.done $0x0  }
0x38: {  	s29 =	sor.u32 s2, s29;
	[sflag:s19] =	ssyncadd.s32 $0xFFFFB000  }
0x39: {  	v2 =	vld [tilespmem:s29+$0x0];
	_ =	sdelay $0x2  }
0x3a: {  	s30 =	simm.s32 $0x40  }
0x3b: {  	s31 =	simm.s32 $0x80;
	s2 =	sand.u32 $0x1FC00, s30;
	s30 =	simm.s32 $0x10  }
.LBB2_4:
0x3c: {  	p0 =	sne.s32 s31, $0x13FC0;
	s0 =	sand.u32 $0xF0, s30;
	s2 =	sshrl.u32 s2, $0x2;
	v2 =	vadd.s32 v0, v2  }
0x3d: {  	[tilespmem:s29+$0x0] =	vst v2;
	s29 =	sor.u32 s0, s2  }
.Ltmp1:
0x3e: {  	v2 =	vld [tilespmem:s29+$0x0];
	(pc) =	sbr.rel @p0 .LBB2_4-.Ltmp1, $2  }
0x3f: {  	_ =	sdelay $0x2  }
0x40: {  	s30 =	sadd.s32 $0x10, s30;
	s2 =	sand.u32 $0x1FC00, s31;
	s31 =	sadd.s32 $0x40, s31  }
0x41: {  	s0 =	sand.u32 $0xF0, s30;
	s2 =	sshrl.u32 s2, $0x2;
	v2 =	vadd.s32 v0, v2  }
0x42: {  	s0 =	sor.u32 s0, s2;
	[tilespmem:s29+$0x0] =	vst v2  }
0x43: {  	v2 =	vld [tilespmem:s0+$0x0];
	_ =	sdelay $0x4  }
0x44: {  	v2 =	vadd.s32 v0, v2  }
0x45: {  	s31 =	simm.s32 $0x0;
	[tilespmem:s0+$0x0] =	vst v2  }
0x46: {  	[tilespmem:s18], [sflag:$0x1] =	stream.indirect.gather [hbm4b:s1+s21], $0x40, s31, s21, $0xb8;
	[tilespmem:$0x1C000] =	vst v63  }
0x47: {  	s2 =	simm.s32 $0x100  }
0x48: {  	[tilespmem:s22], [sflag:$0x2] =	stream.indirect.gather [hbm4b:s1+s21], $0x40, s2, s21, $0xb8;
	[tilespmem:$0x1C000] =	vst v63  }
0x49: {  	_ =	swait.ge [sflag:s23], $0x4000  }
0x4a: {  	[sflag:s23] =	ssyncset.done $0x0  }
0x4b: {  	s30 =	simm.s32 $0x5000;
	[sflag:s23] =	ssyncadd.s32 $0xFFFFC000  }
0x4c: {  	[spmem:s3] =	stream.indirect.scatter.add.f32 [tilespmem:s18], [sflag:$0x3], $0x40, s30, s21, $0xb8;
	[tilespmem:$0x1C000] =	vst v63  }
0x4d: {  	_ =	swait.ge [sflag:s24], $0x4000  }
0x4e: {  	[sflag:s24] =	ssyncset.done $0x0  }
0x4f: {  	s31 =	simm.s32 $0x5100;
	[sflag:s24] =	ssyncadd.s32 $0xFFFFC000  }
0x50: {  	[spmem:s3] =	stream.indirect.scatter.add.f32 [tilespmem:s22], [sflag:$0x4], $0x40, s31, s21, $0xb8;
	[tilespmem:$0x1C000] =	vst v63  }
0x51: {  	_ =	swait.ge [sflag:s25], $0x4000  }
0x52: {  	[sflag:s25] =	ssyncset.done $0x0  }
0x53: {  	[sflag:s25] =	ssyncadd.s32 $0xFFFFC000  }
0x54: {  	_ =	swait.ge [sflag:s26], $0x4000  }
0x55: {  	s29 =	simm.s32 $0x800;
	s2 =	simm.s32 $0x1000;
	[sflag:s26] =	ssyncset.done $0x0  }
.LBB2_6:
0x56: {  	s0 =	sshra.s32 s29, $0x2  }
0x57: {  	[sflag:s26] =	ssyncadd.s32 $0xFFFFC000;
	s29 =	smov.u32 s2;
	s30 =	sadd.s32 $0x800, s2  }
0x58: {  	[tilespmem:s18], [sflag:$0x1] =	stream.indirect.gather [hbm4b:s1+s21], $0x40, s0, s21, $0xb8;
	[tilespmem:$0x1C000] =	vst v63  }
0x59: {  	p0 =	sne.s32 s2, $0x13800;
	s2 =	sadd.s32 $0x100, s0  }
0x5a: {  	[tilespmem:s22], [sflag:$0x2] =	stream.indirect.gather [hbm4b:s1+s21], $0x40, s2, s21, $0xb8;
	[tilespmem:$0x1C000] =	vst v63  }
0x5b: {  	_ =	swait.ge [sflag:s23], $0x4000  }
0x5c: {  	[sflag:s23] =	ssyncset.done $0x0  }
0x5d: {  	s2 =	sadd.s32 $0x5000, s0;
	[sflag:s23] =	ssyncadd.s32 $0xFFFFC000  }
0x5e: {  	[spmem:s3] =	stream.indirect.scatter.add.f32 [tilespmem:s18], [sflag:$0x3], $0x40, s2, s21, $0xb8;
	[tilespmem:$0x1C000] =	vst v63  }
0x5f: {  	_ =	swait.ge [sflag:s24], $0x4000  }
0x60: {  	[sflag:s24] =	ssyncset.done $0x0  }
0x61: {  	s0 =	sadd.s32 $0x5100, s0;
	[sflag:s24] =	ssyncadd.s32 $0xFFFFC000  }
0x62: {  	[spmem:s3] =	stream.indirect.scatter.add.f32 [tilespmem:s22], [sflag:$0x4], $0x40, s0, s21, $0xb8;
	[tilespmem:$0x1C000] =	vst v63  }
.Ltmp2:
0x63: {  	_ =	swait.ge [sflag:s25], $0x4000;
	(pc) =	sbr.rel @p0 .LBB2_6-.Ltmp2, $4  }
0x64: {  	[sflag:s25] =	ssyncset.done $0x0  }
0x65: {  	[sflag:s25] =	ssyncadd.s32 $0xFFFFC000  }
0x66: {  	_ =	swait.ge [sflag:s26], $0x4000  }
0x67: {  	s2 =	smov.u32 s30;
	[sflag:s26] =	ssyncset.done $0x0  }
0x68: {  	s0 =	sshra.s32 s29, $0x2;
	[sflag:s26] =	ssyncadd.s32 $0xFFFFC000  }
0x69: {  	[tilespmem:s18], [sflag:$0x1] =	stream.indirect.gather [hbm4b:s1+s21], $0x40, s0, s21, $0xb8;
	[tilespmem:$0x1C000] =	vst v63  }
0x6a: {  	s2 =	sadd.s32 $0x100, s0  }
0x6b: {  	[tilespmem:s22], [sflag:$0x2] =	stream.indirect.gather [hbm4b:s1+s21], $0x40, s2, s21, $0xb8;
	[tilespmem:$0x1C000] =	vst v63  }
0x6c: {  	_ =	swait.ge [sflag:s23], $0x4000  }
0x6d: {  	[sflag:s23] =	ssyncset.done $0x0  }
0x6e: {  	s31 =	sadd.s32 $0x5000, s0;
	[sflag:s23] =	ssyncadd.s32 $0xFFFFC000  }
0x6f: {  	[spmem:s3] =	stream.indirect.scatter.add.f32 [tilespmem:s18], [sflag:$0x3], $0x40, s31, s21, $0xb8;
	[tilespmem:$0x1C000] =	vst v63  }
0x70: {  	_ =	swait.ge [sflag:s24], $0x4000  }
0x71: {  	[sflag:s24] =	ssyncset.done $0x0  }
0x72: {  	s0 =	sadd.s32 $0x5100, s0;
	[sflag:s24] =	ssyncadd.s32 $0xFFFFC000  }
0x73: {  	[spmem:s3] =	stream.indirect.scatter.add.f32 [tilespmem:s22], [sflag:$0x4], $0x40, s0, s21, $0xb8;
	[tilespmem:$0x1C000] =	vst v63  }
0x74: {  	_ =	swait.ge [sflag:s25], $0x4000  }
0x75: {  	[sflag:s25] =	ssyncset.done $0x0  }
0x76: {  	[sflag:s25] =	ssyncadd.s32 $0xFFFFC000  }
0x77: {  	_ =	swait.ge [sflag:s26], $0x4000  }
0x78: {  	s29 =	stileid.u32;
	[sflag:s26] =	ssyncset.done $0x0  }
0x79: {  	s0 =	sshll.u32 s29, $0x6;
	[sflag:s26] =	ssyncadd.s32 $0xFFFFC000  }
0x7a: {  	s30 =	sshrl.u32 s5, $0x3;
	s0 =	sor.u32 $0x1C05, s0;
	[bflag:$0x0] =	sbarrier.arrive $0xFFFF  }
0x7b: {  	[hbm:s12], [sflag:s0] =	dma.local [spmem:s30], $0x400  }
0x7c: {  	_ =	swait.ge [sflag:s19], $0x400  }
0x7d: {  	[sflag:s19] =	ssyncset.done $0x0  }
0x7e: {  	s31 =	sshrl.u32 s6, $0x3;
	[sflag:s19] =	ssyncadd.s32 $0xFFFFFC00  }
0x7f: {  	[hbm:s13], [sflag:s0] =	dma.local [spmem:s31], $0x400  }
0x80: {  	_ =	swait.ge [sflag:s19], $0x400  }
0x81: {  	[sflag:s19] =	ssyncset.done $0x0  }
0x82: {  	s29 =	sshrl.u32 s7, $0x3;
	[sflag:s19] =	ssyncadd.s32 $0xFFFFFC00  }
0x83: {  	[hbm:s14], [sflag:s0] =	dma.local [spmem:s29], $0x400  }
0x84: {  	_ =	swait.ge [sflag:s19], $0x400  }
0x85: {  	[sflag:s19] =	ssyncset.done $0x0  }
0x86: {  	s30 =	sshrl.u32 s8, $0x3;
	[sflag:s19] =	ssyncadd.s32 $0xFFFFFC00  }
0x87: {  	[hbm:s15], [sflag:s0] =	dma.local [spmem:s30], $0x400  }
0x88: {  	s28 =	sadd.s32 $0x1, s28;
	_ =	swait.ge [sflag:s19], $0x400  }
0x89: {  	p0 =	sne.s32 s28, s17;
	[sflag:s19] =	ssyncset.done $0x0  }
.Ltmp3:
0x8a: {  	s31 =	sshrl.u32 s9, $0x3;
	[sflag:s19] =	ssyncadd.s32 $0xFFFFFC00;
	(pc) =	sbr.rel @p0 .LBB2_1-.Ltmp3, $4  }
0x8b: {  	[hbm:s16], [sflag:s0] =	dma.local [spmem:s31], $0x400  }
0x8c: {  	_ =	swait.ge [sflag:s19], $0x400  }
0x8d: {  	[sflag:s19] =	ssyncset.done $0x0  }
0x8e: {  	[sflag:s19] =	ssyncadd.s32 $0xFFFFFC00  }
0x8f: {  	_ =	sfence.sel $0x180000  }
0x90: {  	[bflag:$0x0] =	sbarrier.arrive $0xFFFF  }
0x91: {  	_ =	strace $0x9000004A  }
0x92: {  	s0 =	stileid.u32;
	[bflag:$0x2] =	sbarrier.arrive $0xFFFF  }
0x93: {  	p0 =	sne.s32 s0, $0x0;
	s0 =	rddreg [dreg:$0x3]  }
0x94: {  	s0 =	sadd.s32 @!p0 $0x100000, s0  }
0x95: {  	[sflag:s0] =	ssyncadd.tile.s32 @!p0 $0x1;
	_ =	shalt  }
.Lfunc_end2:
_tile_overlayer_lowered:
.L_overlay_start_2:
0x96: {  	(tag) =	ssettag $0x2  }
0x97: {  	s0 =	rddreg [dreg:$0x0];
	s2 =	stileid.u32  }
0x98: {  	s1 =	rddreg [dreg:$0x1];
	p0 =	sne.s32 s2, $0x0  }
0x99: {  	s3 =	rddreg [dreg:$0x2];
	[bflag:$0x3] =	sbarrier.arrive $0xFFFF;
	s2 =	simm.s32 @!p0 $0x1C05  }
0x9a: {  	[timem:s3], [sflag:s2] =	dma.local @!p0 [hbm:s0], s1  }
0x9b: {  	s0 =	simm.s32 @!p0 $0x5  }
0x9c: {  	_ =	swait.ge @!p0 [sflag:s0], s1  }
0x9d: {  	s1 =	ssub.s32 @!p0 $0x0, s1;
	[sflag:s0] =	ssyncset.done @!p0 $0x0  }
0x9e: {  	[sflag:s0] =	ssyncadd.s32 @!p0 s1  }
0x9f: {  	[bflag:$0x3] =	sbarrier.arrive $0xFFFF  }
0xa0: {  	_ =	shalt  }

// kernel: kernel.18.cloned.1.call-start
scs
__scs_entry_jumppad:
0x0: {  	(pc) =	sbr.rel $0x88, $3  }
0x1: {  	(tag) =	ssettag $0x0;
	lr =	simm.s32 $0x1  }
0x2: {  	[smem:$0x3F98] =	sst lr;
	_ =	strace $0xD0000000  }
0x3: {  	_ = 	snop  }
0x4: {  	_ = 	snop  }
0x5: {  	_ = 	snop  }
0x6: {  	_ = 	snop  }
0x7: {  	_ = 	snop  }
__scs_overlays_trampoline_lowered:
0x8: {  	[smem:$0x3FA7] =	sst s0  }
0x9: {  	[smem:$0x3FA8] =	sst s1  }
0xa: {  	[smem:$0x3FA9] =	sst s2  }
0xb: {  	[smem:$0x3FAA] =	sst s3  }
0xc: {  	[smem:$0x3FAB] =	sst s4  }
0xd: {  	[smem:$0x3FAC] =	sst s5  }
0xe: {  	[smem:$0x3FAD] =	sst s6  }
0xf: {  	[smem:$0x3FAE] =	sst s7  }
0x10: {  	[smem:$0x3FAF] =	sst s8  }
0x11: {  	[smem:$0x3FB0] =	sst s9;
	s0 =	simm.s32 @!p0 $0x0  }
0x12: {  	s1 =	sld [smem:$0x3F96];
	s0 =	simm.s32 @p0 $0x1  }
0x13: {  	[smem:$0x3FB1] =	sst s0;
	s0 =	simm.s32 @!p1 $0x0  }
0x14: {  	s2 =	sld [smem:$0x3F95];
	s0 =	simm.s32 @p1 $0x1  }
0x15: {  	[smem:$0x3FB2] =	sst s0;
	s0 =	simm.s32 @!p2 $0x0  }
0x16: {  	s3 =	sld [smem:$0x3FDB];
	s0 =	simm.s32 @p2 $0x1  }
0x17: {  	s4 =	simm.s32 $0x1BF5;
	[smem:$0x3FB4] =	sst s0  }
0x18: {  	s0 =	sld [smem:$0x3F97];
	_ =	swait.ge [sflag:s4], $0x0  }
0x19: {  	s7 =	sld [smem:$0x3F98]  }
0x1a: {  	s8 =	sadd.s32 $0xFFFFE003, lr  }
0x1b: {  	s9 =	sadd.s32 $0xFFFFFEF7, lr;
	s5 =	simm.s32 $0xFFFFFFFF;
	p2 =	slt.u32 s8, $0xFFFFF086  }
0x1c: {  	p1 =	slt.u32 s9, $0xF7A;
	s5 =	simm.s32 @!p2 $0x0  }
0x1d: {  	s5 =	simm.s32 @p1 $0x1;
	p0 =	seq.s32 s7, s2  }
0x1e: {  	s7 =	smul.u32 @!p0 $0xF7A, s2;
	p2 =	seq.s32 @!p0 s5, $0x0  }
0x1f: {  	s9 =	smul.u32 $0xF7A, s1;
	s8 =	simm.s32 @!p0 $0x1BF5;
	p2 =	por !p2, p0  }
0x20: {  	[sflag:s8] =	ssyncset.s32 @!p0 $0xFFFFF086;
	s6 =	sadd.s32 @!p0 s3, s7;
	s7 =	simm.s32 @!p0 $0x108  }
0x21: {  	s3 =	sadd.s32 s3, s9;
	s6 =	sadd.s32 @!p0 $0x88, s6;
	s7 =	simm.s32 @p2 $0x1082  }
0x22: {  	[simem:s7], [sflag:s8] =	dma.local @!p0 [hbm:s6], $0xF7A  }
0x23: {  	s9 =	sor.u32 $0xD0000000, s2;
	s6 =	simm.s32 $0x108;
	_ =	swait.ge @!p0 [sflag:s8], $0x0  }
0x24: {  	s3 =	sadd.s32 $0x88, s3;
	s6 =	simm.s32 @!p1 $0x1082;
	[sflag:s4] =	ssyncset.s32 $0xFFFFF086  }
0x25: {  	[simem:s6], [sflag:s4] =	dma.local [hbm:s3], $0xF7A  }
0x26: {  	[smem:$0x3F98] =	sst s1;
	(tag) =	ssettag s2;
	_ =	strace s9  }
0x27: {  	s1 =	sld [smem:$0x3FA8]  }
0x28: {  	s2 =	sld [smem:$0x3FA9]  }
0x29: {  	s4 =	sld [smem:$0x3FAB]  }
0x2a: {  	p0 =	seq.s32 s5, $0x0;
	s5 =	sld [smem:$0x3FAC]  }
0x2b: {  	s6 =	sld [smem:$0x3FAD]  }
0x2c: {  	s7 =	sld [smem:$0x3FAE]  }
0x2d: {  	s3 =	simm.s32 $0x108;
	s8 =	sld [smem:$0x3FAF]  }
0x2e: {  	s3 =	simm.s32 @!p0 $0x1082;
	s9 =	sld [smem:$0x3FB0]  }
0x2f: {  	lr =	sadd.s32 s0, s3;
	s0 =	sld [smem:$0x3FA7]  }
0x30: {  	s3 =	sld [smem:$0x3FAA]  }
0x31: {  	[smem:$0x3FB3] =	sst s10  }
0x32: {  	s10 =	sld [smem:$0x3FB1];
	_ =	sdelay $0x3  }
0x33: {  	p0 =	seq.s32 s10, $0x1;
	s10 =	sld [smem:$0x3FB3];
	_ =	sdelay $0x3  }
0x34: {  	[smem:$0x3FB3] =	sst s10  }
0x35: {  	s10 =	sld [smem:$0x3FB2];
	_ =	sdelay $0x3  }
0x36: {  	p1 =	seq.s32 s10, $0x1;
	s10 =	sld [smem:$0x3FB3];
	_ =	sdelay $0x3  }
0x37: {  	[smem:$0x3FB3] =	sst s10  }
0x38: {  	s10 =	sld [smem:$0x3FB4]  }
0x39: {  	_ = 	snop;
	(pc) =	sbr.ind lr, $3  }
0x3a: {  	_ = 	snop  }
0x3b: {  	_ = 	snop  }
0x3c: {  	p2 =	seq.s32 s10, $0x1;
	s10 =	sld [smem:$0x3FB3]  }
0x3d: {  	_ =	shalt  }
0x3e: {  	_ =	shalt  }
0x3f: {  	_ =	shalt  }
0x40: {  	_ =	shalt  }
0x41: {  	_ =	shalt  }
0x42: {  	_ =	shalt  }
0x43: {  	_ =	shalt  }
0x44: {  	_ =	shalt  }
0x45: {  	_ =	shalt  }
0x46: {  	_ =	shalt  }
0x47: {  	_ =	shalt  }
0x48: {  	_ =	shalt  }
0x49: {  	_ =	shalt  }
0x4a: {  	_ =	shalt  }
0x4b: {  	_ =	shalt  }
0x4c: {  	_ =	shalt  }
0x4d: {  	_ =	shalt  }
0x4e: {  	_ =	shalt  }
0x4f: {  	_ =	shalt  }
0x50: {  	_ =	shalt  }
0x51: {  	_ =	shalt  }
0x52: {  	_ =	shalt  }
0x53: {  	_ =	shalt  }
0x54: {  	_ =	shalt  }
0x55: {  	_ =	shalt  }
0x56: {  	_ =	shalt  }
0x57: {  	_ =	shalt  }
0x58: {  	_ =	shalt  }
0x59: {  	_ =	shalt  }
0x5a: {  	_ =	shalt  }
0x5b: {  	_ =	shalt  }
0x5c: {  	_ =	shalt  }
0x5d: {  	_ =	shalt  }
0x5e: {  	_ =	shalt  }
0x5f: {  	_ =	shalt  }
0x60: {  	_ =	shalt  }
0x61: {  	_ =	shalt  }
0x62: {  	_ =	shalt  }
0x63: {  	_ =	shalt  }
0x64: {  	_ =	shalt  }
0x65: {  	_ =	shalt  }
0x66: {  	_ =	shalt  }
0x67: {  	_ =	shalt  }
0x68: {  	_ =	shalt  }
0x69: {  	_ =	shalt  }
0x6a: {  	_ =	shalt  }
0x6b: {  	_ =	shalt  }
0x6c: {  	_ =	shalt  }
0x6d: {  	_ =	shalt  }
0x6e: {  	_ =	shalt  }
0x6f: {  	_ =	shalt  }
0x70: {  	_ =	shalt  }
0x71: {  	_ =	shalt  }
0x72: {  	_ =	shalt  }
0x73: {  	_ =	shalt  }
0x74: {  	_ =	shalt  }
0x75: {  	_ =	shalt  }
0x76: {  	_ =	shalt  }
0x77: {  	_ =	shalt  }
0x78: {  	_ =	shalt  }
0x79: {  	_ =	shalt  }
0x7a: {  	_ =	shalt  }
0x7b: {  	_ =	shalt  }
0x7c: {  	_ =	shalt  }
0x7d: {  	_ =	shalt  }
0x7e: {  	_ =	shalt  }
0x7f: {  	_ =	shalt  }
0x80: {  	_ =	shalt  }
0x81: {  	_ =	shalt  }
0x82: {  	_ =	shalt  }
0x83: {  	_ =	shalt  }
0x84: {  	_ =	shalt  }
0x85: {  	_ =	shalt  }
0x86: {  	_ =	shalt  }
0x87: {  	_ =	shalt  }
.Lfunc_end0:
.L_simem_size_0:
called_computation.2_lowered:
.L_overlay_start_0:
0x88: {  	s2 =	sld [smem:$0x3FD9]  }
0x89: {  	s3 =	sld [smem:$0x3FFE];
	_ =	sdelay $0x1  }
0x8a: {  	s1 =	srdreg.scid  }
0x8b: {  	s0 =	sand.u32 $0x1, s1  }
0x8c: {  	s17 =	sshll.u32 s0, $0xA;
	s2 =	sadd.s32 s3, s2  }
0x8d: {  	s2 =	sadd.s32 s2, s17  }
0x8e: {  	[smem:$0x3FBF] =	sst s2  }
0x8f: {  	_ = 	snop  }
0x90: {  	s2 =	sld [smem:$0x3FD0];
	(tm) =	ssettm $0x1  }
0x91: {  	s18 =	sld [smem:$0x3FFB];
	_ =	sdelay $0x3  }
0x92: {  	_ =	strace s18  }
0x93: {  	s3 =	sld [smem:$0x3FFC];
	_ =	sdelay $0x3  }
0x94: {  	_ =	strace s3  }
0x95: {  	s3 =	sld [smem:$0x3FFD];
	_ =	sdelay $0x3  }
0x96: {  	_ =	strace s3  }
0x97: {  	_ =	strace $0x8FFFFFFF  }
0x98: {  	s19 =	sld [smem:$0x3FDB];
	_ =	sdelay $0x1  }
0x99: {  	s4 =	simm.s32 $_scs_section_size  }
0x9a: {  	s5 =	simm.s32 $_size__tile_overlayer_lowered;
	s6 =	simm.s32 $_tile_overlayer_lowered  }
0x9b: {  	s22 =	simm.s32 $0x1BFF;
	s21 =	sshll.u32 s6, $0x1;
	s3 =	sadd.s32 s4, s19  }
0x9c: {  	s7 =	simm.s32 $0x0;
	s20 =	sshll.u32 s5, $0x1;
	s5 =	sadd.s32 s21, s3  }
0x9d: {  	[timem:s7], [sflag:s22] =	dma.local [hbm:s5], s20  }
0x9e: {  	_ =	swait.ge [sflag:s22], s20  }
0x9f: {  	s4 =	ssub.s32 $0x0, s20;
	[sflag:s22] =	ssyncset.done $0x0  }
0xa0: {  	[sflag:s22] =	ssyncadd.s32 s4;
	_ =	sdelay $0x1  }
0xa1: {  	s23 =	simm.s32 $0x1B8B  }
0xa2: {  	_ =	swait.ge [sflag:s23], $0x1  }
0xa3: {  	[sflag:s23] =	ssyncset.done $0x0  }
0xa4: {  	s25 =	simm.s32 $0x1B8E;
	s24 =	sld [smem:$0x3FFE];
	[sflag:s23] =	ssyncadd.s32 $0xFFFFFFFF  }
0xa5: {  	s26 =	simm.s32 $execute0_lowered;
	[smem:$0x3FD2] =	sst s25  }
0xa6: {  	s5 =	sshll.u32 s26, $0x1;
	_ =	strace $0x8000004C;
	[dreg:$0x1] =	wrdreg $0xFFFFFFFF  }
0xa7: {  	s28 =	simm.s32 $_size_execute0_lowered;
	s3 =	sadd.s32 s3, s5;
	[dreg:$0x0] =	wrdreg $0x0  }
0xa8: {  	s5 =	sshll.u32 s28, $0x1;
	[dreg:$0x2] =	wrdreg s3  }
0xa9: {  	[dreg:$0x3] =	wrdreg s5  }
0xaa: {  	[dreg:$0x4] =	wrdreg $0xC0  }
0xab: {  	_ =	task [dreg:s7], $0x5FFFF  }
0xac: {  	[dreg:$0x1] =	wrdreg $0xFFFFFFFF  }
0xad: {  	[dreg:$0x0] =	wrdreg $0x60  }
0xae: {  	[dreg:$0x2] =	wrdreg s2  }
0xaf: {  	[dreg:$0x3] =	wrdreg s24  }
0xb0: {  	[dreg:$0x4] =	wrdreg $0x120000  }
0xb1: {  	[dreg:$0x5] =	wrdreg $0x9  }
0xb2: {  	_ =	task.clear_ibuf [dreg:s7], $0x6FFFF;
	_ =	strace $0x9000004C  }
0xb3: {  	s29 =	simm.s32 $0x9;
	_ =	strace $0x8000004E  }
0xb4: {  	_ =	swait.ge [sflag:s29], $0x1  }
0xb5: {  	[sflag:s29] =	ssyncadd.s32 $0xFFFFFFFF  }
0xb6: {  	_ =	strace $0x9000004E  }
0xb7: {  	_ =	sfence  }
0xb8: {  	s30 =	sld [smem:$0x0];
	_ =	sdelay $0x2  }
0xb9: {  	s31 =	sshll.u32 s1, $0xD;
	s1 =	sshrl.u32 s1, $0x2  }
0xba: {  	s3 =	sand.u32 $0x4000, s31;
	s1 =	sadd.s32 s1, s30  }
0xbb: {  	s0 =	sor.u32 s3, s0;
	s1 =	sshll.u32 s1, $0x11  }
0xbc: {  	s0 =	sor.u32 s1, s0  }
0xbd: {  	s0 =	sadd.s32 $0x8F2B, s0  }
0xbe: {  	[sflag:s0] =	ssyncadd.remote.s32 $0x1  }
0xbf: {  	_ =	sfence.sel $0xFFFF  }
0xc0: {  	[dreg:$0x0] =	wrdreg $0xFFFFFFFF;
	(pc) =	sbr.abs _section_cstart, $3  }
0xc1: {  	[dreg:$0x1] =	wrdreg $0xFFFFFFFF  }
0xc2: {  	_ =	task.clear_ibuf [dreg:s7], $0x2FFFF;
	_ =	strace $0x9FFFFFFF  }
0xc3: {  	(tm) =	ssettm $0x7FFFFFFF  }
tec
execute0_lowered:
.L_overlay_start_1:
0x0: {  	(tag) =	ssettag $0x1  }
0x1: {  	s1 =	rddreg [dreg:$0x0]  }
0x2: {  	s2 =	rddreg [dreg:$0x1];
	s0 =	stileid.u32  }
0x3: {  	s4 =	srdreg.scid;
	s3 =	rddreg [dreg:$0x2];
	s18 =	simm.s32 $0xA000  }
0x4: {  	s19 =	simm.s32 $0x5;
	s20 =	simm.s32 $0x5000;
	s21 =	simm.s32 $0x100  }
0x5: {  	s22 =	simm.s32 $0xE000;
	s23 =	simm.s32 $0x1;
	s5 =	smul.u32 $0xA00, s0  }
0x6: {  	s24 =	simm.s32 $0x2;
	s28 =	simm.s32 $0x0;
	s6 =	smul.u32 $0x280, s0  }
0x7: {  	s12 =	sand.u32 $0x1, s4;
	s4 =	simm.s32 $0x0;
	s8 =	smul.u32 $0x28000, s0  }
0x8: {  	s7 =	smul.u32 $0x2800, s12;
	[smem:$0x7FF] =	sst s4;
	s29 =	ssub.s32 $0x2, s12  }
0x9: {  	s25 =	smul.u32 $0x2710, s12;
	_ =	strace $0x8000004D;
	s11 =	sadd.s32 s5, s2  }
0xa: {  	s30 =	sshrl.u32 s8, $0x2;
	s31 =	sshrl.u32 s29, $0x1;
	s26 =	sadd.s32 s6, s7  }
0xb: {  	s17 =	ssub.s32 s29, s31;
	s10 =	sadd.s32 $0xC200, s11;
	s11 =	sadd.s32 $0x2200, s11  }
0xc: {  	v0 =	vmov s25;
	s25 =	simm.s32 $0x3;
	s5 =	sshll.u32 s26, $0x3;
	s17 =	smax.u32 s17, $0x1  }
0xd: {  	s26 =	simm.s32 $0x4;
	s2 =	sadd.s32 s5, s2;
	s5 =	sadd.s32 s30, s3  }
0xe: {  	s6 =	sadd.s32 $0x2000, s5;
	s7 =	sadd.s32 $0x4000, s5;
	s8 =	sadd.s32 $0x6000, s5  }
0xf: {  	s9 =	sadd.s32 $0x8000, s5;
	s12 =	sadd.s32 $0x64400, s2;
	s13 =	sadd.s32 $0x64800, s2  }
0x10: {  	v1 =	vimm.f32 $0.0e+00;
	s14 =	sadd.s32 $0x64C00, s2;
	s15 =	sadd.s32 $0x65000, s2;
	s16 =	sadd.s32 $0x65400, s2  }
.LBB2_1:
0x11: {  	s2 =	sand.u32 $0xFF00, s4  }
0x12: {  	s30 =	sand.u32 $0x30, s4;
	s2 =	sshrl.u32 s2, $0x2  }
0x13: {  	s29 =	simm.s32 $0x40;
	s2 =	sor.u32 s30, s2;
	s30 =	simm.s32 $0x0  }
.LBB2_2:
0x14: {  	p0 =	sne.s32 s29, $0xFFC0  }
0x15: {  	[tilespmem:s2+$0xA000] =	vst v1;
	s30 =	sadd.s32 $0x10, s30;
	s2 =	smov.u32 s29;
	s29 =	sadd.s32 $0x40, s29  }
.Ltmp0:
0x16: {  	(pc) =	sbr.rel @p0 .LBB2_2-.Ltmp0, $4  }
0x17: {  	_ = 	snop  }
0x18: {  	s2 =	sand.u32 $0xFF00, s2  }
0x19: {  	s31 =	sand.u32 $0x30, s30;
	s2 =	sshrl.u32 s2, $0x2  }
0x1a: {  	s2 =	sor.u32 s31, s2  }
0x1b: {  	[tilespmem:s2+$0xA000] =	vst v1  }
0x1c: {  	[spmem:s5] =	stream.linear.scatter [tilespmem:s18], [sflag:$0x5], $0x2000, $0x38;
	[tilespmem:$0x1C000] =	vst v63  }
0x1d: {  	_ =	swait.ge [sflag:s19], $0x2000  }
0x1e: {  	[sflag:s19] =	ssyncset.done $0x0  }
0x1f: {  	[sflag:s19] =	ssyncadd.s32 $0xFFFFE000  }
0x20: {  	[spmem:s6] =	stream.linear.scatter [tilespmem:s18], [sflag:$0x5], $0x2000, $0x38;
	[tilespmem:$0x1C000] =	vst v63  }
0x21: {  	_ =	swait.ge [sflag:s19], $0x2000  }
0x22: {  	[sflag:s19] =	ssyncset.done $0x0  }
0x23: {  	[sflag:s19] =	ssyncadd.s32 $0xFFFFE000  }
0x24: {  	[spmem:s7] =	stream.linear.scatter [tilespmem:s18], [sflag:$0x5], $0x2000, $0x38;
	[tilespmem:$0x1C000] =	vst v63  }
0x25: {  	_ =	swait.ge [sflag:s19], $0x2000  }
0x26: {  	[sflag:s19] =	ssyncset.done $0x0  }
0x27: {  	[sflag:s19] =	ssyncadd.s32 $0xFFFFE000  }
0x28: {  	[spmem:s8] =	stream.linear.scatter [tilespmem:s18], [sflag:$0x5], $0x2000, $0x38;
	[tilespmem:$0x1C000] =	vst v63  }
0x29: {  	_ =	swait.ge [sflag:s19], $0x2000  }
0x2a: {  	[sflag:s19] =	ssyncset.done $0x0  }
0x2b: {  	[sflag:s19] =	ssyncadd.s32 $0xFFFFE000  }
0x2c: {  	[spmem:s9] =	stream.linear.scatter [tilespmem:s18], [sflag:$0x5], $0x2000, $0x38;
	[tilespmem:$0x1C000] =	vst v63  }
0x2d: {  	_ =	swait.ge [sflag:s19], $0x2000  }
0x2e: {  	[sflag:s19] =	ssyncset.done $0x0  }
0x2f: {  	[sflag:s19] =	ssyncadd.s32 $0xFFFFE000  }
0x30: {  	s0 =	simm.s32 $0x0;
	[bflag:$0x0] =	sbarrier.arrive $0xFFFF  }
0x31: {  	[tilespmem:s0], [sflag:$0x5] =	stream.linear.gather [hbm4b:s10+s0], $0x5000, $0x38;
	[tilespmem:$0x1C000] =	vst v63  }
0x32: {  	_ =	swait.ge [sflag:s19], $0x5000  }
0x33: {  	[sflag:s19] =	ssyncset.done $0x0  }
0x34: {  	[sflag:s19] =	ssyncadd.s32 $0xFFFFB000  }
0x35: {  	[tilespmem:s20], [sflag:$0x5] =	stream.linear.gather [hbm4b:s11+s0], $0x5000, $0x38;
	[tilespmem:$0x1C000] =	vst v63  }
0x36: {  	s29 =	sand.u32 $0x1FC00, s0;
	_ =	swait.ge [sflag:s19], $0x5000  }
0x37: {  	s2 =	sand.u32 $0xF0, s0;
	s29 =	sshrl.u32 s29, $0x2;
	[sflag:s19] =	ssyncset.done $0x0  }
0x38: {  	s29 =	sor.u32 s2, s29;
	[sflag:s19] =	ssyncadd.s32 $0xFFFFB000  }
0x39: {  	v2 =	vld [tilespmem:s29+$0x0];
	_ =	sdelay $0x2  }
0x3a: {  	s30 =	simm.s32 $0x40  }
0x3b: {  	s31 =	simm.s32 $0x80;
	s2 =	sand.u32 $0x1FC00, s30;
	s30 =	simm.s32 $0x10  }
.LBB2_4:
0x3c: {  	p0 =	sne.s32 s31, $0x13FC0;
	s0 =	sand.u32 $0xF0, s30;
	s2 =	sshrl.u32 s2, $0x2;
	v2 =	vadd.s32 v0, v2  }
0x3d: {  	[tilespmem:s29+$0x0] =	vst v2;
	s29 =	sor.u32 s0, s2  }
.Ltmp1:
0x3e: {  	v2 =	vld [tilespmem:s29+$0x0];
	(pc) =	sbr.rel @p0 .LBB2_4-.Ltmp1, $2  }
0x3f: {  	_ =	sdelay $0x2  }
0x40: {  	s30 =	sadd.s32 $0x10, s30;
	s2 =	sand.u32 $0x1FC00, s31;
	s31 =	sadd.s32 $0x40, s31  }
0x41: {  	s0 =	sand.u32 $0xF0, s30;
	s2 =	sshrl.u32 s2, $0x2;
	v2 =	vadd.s32 v0, v2  }
0x42: {  	s0 =	sor.u32 s0, s2;
	[tilespmem:s29+$0x0] =	vst v2  }
0x43: {  	v2 =	vld [tilespmem:s0+$0x0];
	_ =	sdelay $0x4  }
0x44: {  	v2 =	vadd.s32 v0, v2  }
0x45: {  	s31 =	simm.s32 $0x0;
	[tilespmem:s0+$0x0] =	vst v2  }
0x46: {  	[tilespmem:s18], [sflag:$0x1] =	stream.indirect.gather [hbm4b:s1+s21], $0x40, s31, s21, $0xb8;
	[tilespmem:$0x1C000] =	vst v63  }
0x47: {  	s2 =	simm.s32 $0x100  }
0x48: {  	[tilespmem:s22], [sflag:$0x2] =	stream.indirect.gather [hbm4b:s1+s21], $0x40, s2, s21, $0xb8;
	[tilespmem:$0x1C000] =	vst v63  }
0x49: {  	_ =	swait.ge [sflag:s23], $0x4000  }
0x4a: {  	[sflag:s23] =	ssyncset.done $0x0  }
0x4b: {  	s30 =	simm.s32 $0x5000;
	[sflag:s23] =	ssyncadd.s32 $0xFFFFC000  }
0x4c: {  	[spmem:s3] =	stream.indirect.scatter.add.f32 [tilespmem:s18], [sflag:$0x3], $0x40, s30, s21, $0xb8;
	[tilespmem:$0x1C000] =	vst v63  }
0x4d: {  	_ =	swait.ge [sflag:s24], $0x4000  }
0x4e: {  	[sflag:s24] =	ssyncset.done $0x0  }
0x4f: {  	s31 =	simm.s32 $0x5100;
	[sflag:s24] =	ssyncadd.s32 $0xFFFFC000  }
0x50: {  	[spmem:s3] =	stream.indirect.scatter.add.f32 [tilespmem:s22], [sflag:$0x4], $0x40, s31, s21, $0xb8;
	[tilespmem:$0x1C000] =	vst v63  }
0x51: {  	_ =	swait.ge [sflag:s25], $0x4000  }
0x52: {  	[sflag:s25] =	ssyncset.done $0x0  }
0x53: {  	[sflag:s25] =	ssyncadd.s32 $0xFFFFC000  }
0x54: {  	_ =	swait.ge [sflag:s26], $0x4000  }
0x55: {  	s29 =	simm.s32 $0x800;
	s2 =	simm.s32 $0x1000;
	[sflag:s26] =	ssyncset.done $0x0  }
.LBB2_6:
0x56: {  	s0 =	sshra.s32 s29, $0x2  }
0x57: {  	[sflag:s26] =	ssyncadd.s32 $0xFFFFC000;
	s29 =	smov.u32 s2;
	s30 =	sadd.s32 $0x800, s2  }
0x58: {  	[tilespmem:s18], [sflag:$0x1] =	stream.indirect.gather [hbm4b:s1+s21], $0x40, s0, s21, $0xb8;
	[tilespmem:$0x1C000] =	vst v63  }
0x59: {  	p0 =	sne.s32 s2, $0x13800;
	s2 =	sadd.s32 $0x100, s0  }
0x5a: {  	[tilespmem:s22], [sflag:$0x2] =	stream.indirect.gather [hbm4b:s1+s21], $0x40, s2, s21, $0xb8;
	[tilespmem:$0x1C000] =	vst v63  }
0x5b: {  	_ =	swait.ge [sflag:s23], $0x4000  }
0x5c: {  	[sflag:s23] =	ssyncset.done $0x0  }
0x5d: {  	s2 =	sadd.s32 $0x5000, s0;
	[sflag:s23] =	ssyncadd.s32 $0xFFFFC000  }
0x5e: {  	[spmem:s3] =	stream.indirect.scatter.add.f32 [tilespmem:s18], [sflag:$0x3], $0x40, s2, s21, $0xb8;
	[tilespmem:$0x1C000] =	vst v63  }
0x5f: {  	_ =	swait.ge [sflag:s24], $0x4000  }
0x60: {  	[sflag:s24] =	ssyncset.done $0x0  }
0x61: {  	s0 =	sadd.s32 $0x5100, s0;
	[sflag:s24] =	ssyncadd.s32 $0xFFFFC000  }
0x62: {  	[spmem:s3] =	stream.indirect.scatter.add.f32 [tilespmem:s22], [sflag:$0x4], $0x40, s0, s21, $0xb8;
	[tilespmem:$0x1C000] =	vst v63  }
.Ltmp2:
0x63: {  	_ =	swait.ge [sflag:s25], $0x4000;
	(pc) =	sbr.rel @p0 .LBB2_6-.Ltmp2, $4  }
0x64: {  	[sflag:s25] =	ssyncset.done $0x0  }
0x65: {  	[sflag:s25] =	ssyncadd.s32 $0xFFFFC000  }
0x66: {  	_ =	swait.ge [sflag:s26], $0x4000  }
0x67: {  	s2 =	smov.u32 s30;
	[sflag:s26] =	ssyncset.done $0x0  }
0x68: {  	s0 =	sshra.s32 s29, $0x2;
	[sflag:s26] =	ssyncadd.s32 $0xFFFFC000  }
0x69: {  	[tilespmem:s18], [sflag:$0x1] =	stream.indirect.gather [hbm4b:s1+s21], $0x40, s0, s21, $0xb8;
	[tilespmem:$0x1C000] =	vst v63  }
0x6a: {  	s2 =	sadd.s32 $0x100, s0  }
0x6b: {  	[tilespmem:s22], [sflag:$0x2] =	stream.indirect.gather [hbm4b:s1+s21], $0x40, s2, s21, $0xb8;
	[tilespmem:$0x1C000] =	vst v63  }
0x6c: {  	_ =	swait.ge [sflag:s23], $0x4000  }
0x6d: {  	[sflag:s23] =	ssyncset.done $0x0  }
0x6e: {  	s31 =	sadd.s32 $0x5000, s0;
	[sflag:s23] =	ssyncadd.s32 $0xFFFFC000  }
0x6f: {  	[spmem:s3] =	stream.indirect.scatter.add.f32 [tilespmem:s18], [sflag:$0x3], $0x40, s31, s21, $0xb8;
	[tilespmem:$0x1C000] =	vst v63  }
0x70: {  	_ =	swait.ge [sflag:s24], $0x4000  }
0x71: {  	[sflag:s24] =	ssyncset.done $0x0  }
0x72: {  	s0 =	sadd.s32 $0x5100, s0;
	[sflag:s24] =	ssyncadd.s32 $0xFFFFC000  }
0x73: {  	[spmem:s3] =	stream.indirect.scatter.add.f32 [tilespmem:s22], [sflag:$0x4], $0x40, s0, s21, $0xb8;
	[tilespmem:$0x1C000] =	vst v63  }
0x74: {  	_ =	swait.ge [sflag:s25], $0x4000  }
0x75: {  	[sflag:s25] =	ssyncset.done $0x0  }
0x76: {  	[sflag:s25] =	ssyncadd.s32 $0xFFFFC000  }
0x77: {  	_ =	swait.ge [sflag:s26], $0x4000  }
0x78: {  	s29 =	stileid.u32;
	[sflag:s26] =	ssyncset.done $0x0  }
0x79: {  	s0 =	sshll.u32 s29, $0x6;
	[sflag:s26] =	ssyncadd.s32 $0xFFFFC000  }
0x7a: {  	s30 =	sshrl.u32 s5, $0x3;
	s0 =	sor.u32 $0x1C05, s0;
	[bflag:$0x0] =	sbarrier.arrive $0xFFFF  }
0x7b: {  	[hbm:s12], [sflag:s0] =	dma.local [spmem:s30], $0x400  }
0x7c: {  	_ =	swait.ge [sflag:s19], $0x400  }
0x7d: {  	[sflag:s19] =	ssyncset.done $0x0  }
0x7e: {  	s31 =	sshrl.u32 s6, $0x3;
	[sflag:s19] =	ssyncadd.s32 $0xFFFFFC00  }
0x7f: {  	[hbm:s13], [sflag:s0] =	dma.local [spmem:s31], $0x400  }
0x80: {  	_ =	swait.ge [sflag:s19], $0x400  }
0x81: {  	[sflag:s19] =	ssyncset.done $0x0  }
0x82: {  	s29 =	sshrl.u32 s7, $0x3;
	[sflag:s19] =	ssyncadd.s32 $0xFFFFFC00  }
0x83: {  	[hbm:s14], [sflag:s0] =	dma.local [spmem:s29], $0x400  }
0x84: {  	_ =	swait.ge [sflag:s19], $0x400  }
0x85: {  	[sflag:s19] =	ssyncset.done $0x0  }
0x86: {  	s30 =	sshrl.u32 s8, $0x3;
	[sflag:s19] =	ssyncadd.s32 $0xFFFFFC00  }
0x87: {  	[hbm:s15], [sflag:s0] =	dma.local [spmem:s30], $0x400  }
0x88: {  	s28 =	sadd.s32 $0x1, s28;
	_ =	swait.ge [sflag:s19], $0x400  }
0x89: {  	p0 =	sne.s32 s28, s17;
	[sflag:s19] =	ssyncset.done $0x0  }
.Ltmp3:
0x8a: {  	s31 =	sshrl.u32 s9, $0x3;
	[sflag:s19] =	ssyncadd.s32 $0xFFFFFC00;
	(pc) =	sbr.rel @p0 .LBB2_1-.Ltmp3, $4  }
0x8b: {  	[hbm:s16], [sflag:s0] =	dma.local [spmem:s31], $0x400  }
0x8c: {  	_ =	swait.ge [sflag:s19], $0x400  }
0x8d: {  	[sflag:s19] =	ssyncset.done $0x0  }
0x8e: {  	[sflag:s19] =	ssyncadd.s32 $0xFFFFFC00  }
0x8f: {  	_ =	sfence.sel $0x180000  }
0x90: {  	[bflag:$0x0] =	sbarrier.arrive $0xFFFF  }
0x91: {  	_ =	strace $0x9000004D  }
0x92: {  	s0 =	stileid.u32;
	[bflag:$0x2] =	sbarrier.arrive $0xFFFF  }
0x93: {  	p0 =	sne.s32 s0, $0x0;
	s0 =	rddreg [dreg:$0x3]  }
0x94: {  	s0 =	sadd.s32 @!p0 $0x100000, s0  }
0x95: {  	[sflag:s0] =	ssyncadd.tile.s32 @!p0 $0x1;
	_ =	shalt  }
.Lfunc_end2:
_tile_overlayer_lowered:
.L_overlay_start_2:
0x96: {  	(tag) =	ssettag $0x2  }
0x97: {  	s0 =	rddreg [dreg:$0x0];
	s2 =	stileid.u32  }
0x98: {  	s1 =	rddreg [dreg:$0x1];
	p0 =	sne.s32 s2, $0x0  }
0x99: {  	s3 =	rddreg [dreg:$0x2];
	[bflag:$0x3] =	sbarrier.arrive $0xFFFF;
	s2 =	simm.s32 @!p0 $0x1C05  }
0x9a: {  	[timem:s3], [sflag:s2] =	dma.local @!p0 [hbm:s0], s1  }
0x9b: {  	s0 =	simm.s32 @!p0 $0x5  }
0x9c: {  	_ =	swait.ge @!p0 [sflag:s0], s1  }
0x9d: {  	s1 =	ssub.s32 @!p0 $0x0, s1;
	[sflag:s0] =	ssyncset.done @!p0 $0x0  }
0x9e: {  	[sflag:s0] =	ssyncadd.s32 @!p0 s1  }
0x9f: {  	[bflag:$0x3] =	sbarrier.arrive $0xFFFF  }
0xa0: {  	_ =	shalt  }

// kernel: kernel.21.cloned.1.call-start
scs
__scs_entry_jumppad:
0x0: {  	(pc) =	sbr.rel $0x88, $3  }
0x1: {  	(tag) =	ssettag $0x0;
	lr =	simm.s32 $0x1  }
0x2: {  	[smem:$0x3F98] =	sst lr;
	_ =	strace $0xD0000000  }
0x3: {  	_ = 	snop  }
0x4: {  	_ = 	snop  }
0x5: {  	_ = 	snop  }
0x6: {  	_ = 	snop  }
0x7: {  	_ = 	snop  }
__scs_overlays_trampoline_lowered:
0x8: {  	[smem:$0x3FA7] =	sst s0  }
0x9: {  	[smem:$0x3FA8] =	sst s1  }
0xa: {  	[smem:$0x3FA9] =	sst s2  }
0xb: {  	[smem:$0x3FAA] =	sst s3  }
0xc: {  	[smem:$0x3FAB] =	sst s4  }
0xd: {  	[smem:$0x3FAC] =	sst s5  }
0xe: {  	[smem:$0x3FAD] =	sst s6  }
0xf: {  	[smem:$0x3FAE] =	sst s7  }
0x10: {  	[smem:$0x3FAF] =	sst s8  }
0x11: {  	[smem:$0x3FB0] =	sst s9;
	s0 =	simm.s32 @!p0 $0x0  }
0x12: {  	s1 =	sld [smem:$0x3F96];
	s0 =	simm.s32 @p0 $0x1  }
0x13: {  	[smem:$0x3FB1] =	sst s0;
	s0 =	simm.s32 @!p1 $0x0  }
0x14: {  	s2 =	sld [smem:$0x3F95];
	s0 =	simm.s32 @p1 $0x1  }
0x15: {  	[smem:$0x3FB2] =	sst s0;
	s0 =	simm.s32 @!p2 $0x0  }
0x16: {  	s3 =	sld [smem:$0x3FDB];
	s0 =	simm.s32 @p2 $0x1  }
0x17: {  	s4 =	simm.s32 $0x1BF5;
	[smem:$0x3FB4] =	sst s0  }
0x18: {  	s0 =	sld [smem:$0x3F97];
	_ =	swait.ge [sflag:s4], $0x0  }
0x19: {  	s7 =	sld [smem:$0x3F98]  }
0x1a: {  	s8 =	sadd.s32 $0xFFFFE003, lr  }
0x1b: {  	s9 =	sadd.s32 $0xFFFFFEF7, lr;
	s5 =	simm.s32 $0xFFFFFFFF;
	p2 =	slt.u32 s8, $0xFFFFF086  }
0x1c: {  	p1 =	slt.u32 s9, $0xF7A;
	s5 =	simm.s32 @!p2 $0x0  }
0x1d: {  	s5 =	simm.s32 @p1 $0x1;
	p0 =	seq.s32 s7, s2  }
0x1e: {  	s7 =	smul.u32 @!p0 $0xF7A, s2;
	p2 =	seq.s32 @!p0 s5, $0x0  }
0x1f: {  	s9 =	smul.u32 $0xF7A, s1;
	s8 =	simm.s32 @!p0 $0x1BF5;
	p2 =	por !p2, p0  }
0x20: {  	[sflag:s8] =	ssyncset.s32 @!p0 $0xFFFFF086;
	s6 =	sadd.s32 @!p0 s3, s7;
	s7 =	simm.s32 @!p0 $0x108  }
0x21: {  	s3 =	sadd.s32 s3, s9;
	s6 =	sadd.s32 @!p0 $0x88, s6;
	s7 =	simm.s32 @p2 $0x1082  }
0x22: {  	[simem:s7], [sflag:s8] =	dma.local @!p0 [hbm:s6], $0xF7A  }
0x23: {  	s9 =	sor.u32 $0xD0000000, s2;
	s6 =	simm.s32 $0x108;
	_ =	swait.ge @!p0 [sflag:s8], $0x0  }
0x24: {  	s3 =	sadd.s32 $0x88, s3;
	s6 =	simm.s32 @!p1 $0x1082;
	[sflag:s4] =	ssyncset.s32 $0xFFFFF086  }
0x25: {  	[simem:s6], [sflag:s4] =	dma.local [hbm:s3], $0xF7A  }
0x26: {  	[smem:$0x3F98] =	sst s1;
	(tag) =	ssettag s2;
	_ =	strace s9  }
0x27: {  	s1 =	sld [smem:$0x3FA8]  }
0x28: {  	s2 =	sld [smem:$0x3FA9]  }
0x29: {  	s4 =	sld [smem:$0x3FAB]  }
0x2a: {  	p0 =	seq.s32 s5, $0x0;
	s5 =	sld [smem:$0x3FAC]  }
0x2b: {  	s6 =	sld [smem:$0x3FAD]  }
0x2c: {  	s7 =	sld [smem:$0x3FAE]  }
0x2d: {  	s3 =	simm.s32 $0x108;
	s8 =	sld [smem:$0x3FAF]  }
0x2e: {  	s3 =	simm.s32 @!p0 $0x1082;
	s9 =	sld [smem:$0x3FB0]  }
0x2f: {  	lr =	sadd.s32 s0, s3;
	s0 =	sld [smem:$0x3FA7]  }
0x30: {  	s3 =	sld [smem:$0x3FAA]  }
0x31: {  	[smem:$0x3FB3] =	sst s10  }
0x32: {  	s10 =	sld [smem:$0x3FB1];
	_ =	sdelay $0x3  }
0x33: {  	p0 =	seq.s32 s10, $0x1;
	s10 =	sld [smem:$0x3FB3];
	_ =	sdelay $0x3  }
0x34: {  	[smem:$0x3FB3] =	sst s10  }
0x35: {  	s10 =	sld [smem:$0x3FB2];
	_ =	sdelay $0x3  }
0x36: {  	p1 =	seq.s32 s10, $0x1;
	s10 =	sld [smem:$0x3FB3];
	_ =	sdelay $0x3  }
0x37: {  	[smem:$0x3FB3] =	sst s10  }
0x38: {  	s10 =	sld [smem:$0x3FB4]  }
0x39: {  	_ = 	snop;
	(pc) =	sbr.ind lr, $3  }
0x3a: {  	_ = 	snop  }
0x3b: {  	_ = 	snop  }
0x3c: {  	p2 =	seq.s32 s10, $0x1;
	s10 =	sld [smem:$0x3FB3]  }
0x3d: {  	_ =	shalt  }
0x3e: {  	_ =	shalt  }
0x3f: {  	_ =	shalt  }
0x40: {  	_ =	shalt  }
0x41: {  	_ =	shalt  }
0x42: {  	_ =	shalt  }
0x43: {  	_ =	shalt  }
0x44: {  	_ =	shalt  }
0x45: {  	_ =	shalt  }
0x46: {  	_ =	shalt  }
0x47: {  	_ =	shalt  }
0x48: {  	_ =	shalt  }
0x49: {  	_ =	shalt  }
0x4a: {  	_ =	shalt  }
0x4b: {  	_ =	shalt  }
0x4c: {  	_ =	shalt  }
0x4d: {  	_ =	shalt  }
0x4e: {  	_ =	shalt  }
0x4f: {  	_ =	shalt  }
0x50: {  	_ =	shalt  }
0x51: {  	_ =	shalt  }
0x52: {  	_ =	shalt  }
0x53: {  	_ =	shalt  }
0x54: {  	_ =	shalt  }
0x55: {  	_ =	shalt  }
0x56: {  	_ =	shalt  }
0x57: {  	_ =	shalt  }
0x58: {  	_ =	shalt  }
0x59: {  	_ =	shalt  }
0x5a: {  	_ =	shalt  }
0x5b: {  	_ =	shalt  }
0x5c: {  	_ =	shalt  }
0x5d: {  	_ =	shalt  }
0x5e: {  	_ =	shalt  }
0x5f: {  	_ =	shalt  }
0x60: {  	_ =	shalt  }
0x61: {  	_ =	shalt  }
0x62: {  	_ =	shalt  }
0x63: {  	_ =	shalt  }
0x64: {  	_ =	shalt  }
0x65: {  	_ =	shalt  }
0x66: {  	_ =	shalt  }
0x67: {  	_ =	shalt  }
0x68: {  	_ =	shalt  }
0x69: {  	_ =	shalt  }
0x6a: {  	_ =	shalt  }
0x6b: {  	_ =	shalt  }
0x6c: {  	_ =	shalt  }
0x6d: {  	_ =	shalt  }
0x6e: {  	_ =	shalt  }
0x6f: {  	_ =	shalt  }
0x70: {  	_ =	shalt  }
0x71: {  	_ =	shalt  }
0x72: {  	_ =	shalt  }
0x73: {  	_ =	shalt  }
0x74: {  	_ =	shalt  }
0x75: {  	_ =	shalt  }
0x76: {  	_ =	shalt  }
0x77: {  	_ =	shalt  }
0x78: {  	_ =	shalt  }
0x79: {  	_ =	shalt  }
0x7a: {  	_ =	shalt  }
0x7b: {  	_ =	shalt  }
0x7c: {  	_ =	shalt  }
0x7d: {  	_ =	shalt  }
0x7e: {  	_ =	shalt  }
0x7f: {  	_ =	shalt  }
0x80: {  	_ =	shalt  }
0x81: {  	_ =	shalt  }
0x82: {  	_ =	shalt  }
0x83: {  	_ =	shalt  }
0x84: {  	_ =	shalt  }
0x85: {  	_ =	shalt  }
0x86: {  	_ =	shalt  }
0x87: {  	_ =	shalt  }
.Lfunc_end0:
.L_simem_size_0:
called_computation.3_lowered:
.L_overlay_start_0:
0x88: {  	s2 =	sld [smem:$0x3FD9]  }
0x89: {  	s3 =	sld [smem:$0x3FFE];
	_ =	sdelay $0x1  }
0x8a: {  	s1 =	srdreg.scid  }
0x8b: {  	s0 =	sand.u32 $0x1, s1  }
0x8c: {  	s17 =	sshll.u32 s0, $0xA;
	s2 =	sadd.s32 s3, s2  }
0x8d: {  	s2 =	sadd.s32 s2, s17  }
0x8e: {  	[smem:$0x3FBF] =	sst s2  }
0x8f: {  	_ = 	snop  }
0x90: {  	s2 =	sld [smem:$0x3FD0];
	(tm) =	ssettm $0x1  }
0x91: {  	s18 =	sld [smem:$0x3FFB];
	_ =	sdelay $0x3  }
0x92: {  	_ =	strace s18  }
0x93: {  	s3 =	sld [smem:$0x3FFC];
	_ =	sdelay $0x3  }
0x94: {  	_ =	strace s3  }
0x95: {  	s3 =	sld [smem:$0x3FFD];
	_ =	sdelay $0x3  }
0x96: {  	_ =	strace s3  }
0x97: {  	_ =	strace $0x8FFFFFFF  }
0x98: {  	s19 =	sld [smem:$0x3FDB];
	_ =	sdelay $0x1  }
0x99: {  	s4 =	simm.s32 $_scs_section_size  }
0x9a: {  	s5 =	simm.s32 $_size__tile_overlayer_lowered;
	s6 =	simm.s32 $_tile_overlayer_lowered  }
0x9b: {  	s22 =	simm.s32 $0x1BFF;
	s21 =	sshll.u32 s6, $0x1;
	s3 =	sadd.s32 s4, s19  }
0x9c: {  	s7 =	simm.s32 $0x0;
	s20 =	sshll.u32 s5, $0x1;
	s5 =	sadd.s32 s21, s3  }
0x9d: {  	[timem:s7], [sflag:s22] =	dma.local [hbm:s5], s20  }
0x9e: {  	_ =	swait.ge [sflag:s22], s20  }
0x9f: {  	s4 =	ssub.s32 $0x0, s20;
	[sflag:s22] =	ssyncset.done $0x0  }
0xa0: {  	[sflag:s22] =	ssyncadd.s32 s4;
	_ =	sdelay $0x1  }
0xa1: {  	s23 =	simm.s32 $0x1B8B  }
0xa2: {  	_ =	swait.ge [sflag:s23], $0x1  }
0xa3: {  	[sflag:s23] =	ssyncset.done $0x0  }
0xa4: {  	s25 =	simm.s32 $0x1B8E;
	s24 =	sld [smem:$0x3FFE];
	[sflag:s23] =	ssyncadd.s32 $0xFFFFFFFF  }
0xa5: {  	s26 =	simm.s32 $execute0_lowered;
	[smem:$0x3FD2] =	sst s25  }
0xa6: {  	s5 =	sshll.u32 s26, $0x1;
	_ =	strace $0x8000004F;
	[dreg:$0x1] =	wrdreg $0xFFFFFFFF  }
0xa7: {  	s28 =	simm.s32 $_size_execute0_lowered;
	s3 =	sadd.s32 s3, s5;
	[dreg:$0x0] =	wrdreg $0x0  }
0xa8: {  	s5 =	sshll.u32 s28, $0x1;
	[dreg:$0x2] =	wrdreg s3  }
0xa9: {  	[dreg:$0x3] =	wrdreg s5  }
0xaa: {  	[dreg:$0x4] =	wrdreg $0xC0  }
0xab: {  	_ =	task [dreg:s7], $0x5FFFF  }
0xac: {  	[dreg:$0x1] =	wrdreg $0xFFFFFFFF  }
0xad: {  	[dreg:$0x0] =	wrdreg $0x60  }
0xae: {  	[dreg:$0x2] =	wrdreg s2  }
0xaf: {  	[dreg:$0x3] =	wrdreg s24  }
0xb0: {  	[dreg:$0x4] =	wrdreg $0x120000  }
0xb1: {  	[dreg:$0x5] =	wrdreg $0x9  }
0xb2: {  	_ =	task.clear_ibuf [dreg:s7], $0x6FFFF;
	_ =	strace $0x9000004F  }
0xb3: {  	s29 =	simm.s32 $0x9;
	_ =	strace $0x80000051  }
0xb4: {  	_ =	swait.ge [sflag:s29], $0x1  }
0xb5: {  	[sflag:s29] =	ssyncadd.s32 $0xFFFFFFFF  }
0xb6: {  	_ =	strace $0x90000051  }
0xb7: {  	_ =	sfence  }
0xb8: {  	s30 =	sld [smem:$0x0];
	_ =	sdelay $0x2  }
0xb9: {  	s31 =	sshll.u32 s1, $0xD;
	s1 =	sshrl.u32 s1, $0x2  }
0xba: {  	s3 =	sand.u32 $0x4000, s31;
	s1 =	sadd.s32 s1, s30  }
0xbb: {  	s0 =	sor.u32 s3, s0;
	s1 =	sshll.u32 s1, $0x11  }
0xbc: {  	s0 =	sor.u32 s1, s0  }
0xbd: {  	s0 =	sadd.s32 $0x8F2B, s0  }
0xbe: {  	[sflag:s0] =	ssyncadd.remote.s32 $0x1  }
0xbf: {  	_ =	sfence.sel $0xFFFF  }
0xc0: {  	[dreg:$0x0] =	wrdreg $0xFFFFFFFF;
	(pc) =	sbr.abs _section_cstart, $3  }
0xc1: {  	[dreg:$0x1] =	wrdreg $0xFFFFFFFF  }
0xc2: {  	_ =	task.clear_ibuf [dreg:s7], $0x2FFFF;
	_ =	strace $0x9FFFFFFF  }
0xc3: {  	(tm) =	ssettm $0x7FFFFFFF  }
tec
execute0_lowered:
.L_overlay_start_1:
0x0: {  	(tag) =	ssettag $0x1  }
0x1: {  	s1 =	rddreg [dreg:$0x0]  }
0x2: {  	s2 =	rddreg [dreg:$0x1];
	s0 =	stileid.u32  }
0x3: {  	s4 =	srdreg.scid;
	s3 =	rddreg [dreg:$0x2];
	s18 =	simm.s32 $0xA000  }
0x4: {  	s19 =	simm.s32 $0x5;
	s20 =	simm.s32 $0x5000;
	s21 =	simm.s32 $0x100  }
0x5: {  	s22 =	simm.s32 $0xE000;
	s23 =	simm.s32 $0x1;
	s5 =	smul.u32 $0xA00, s0  }
0x6: {  	s24 =	simm.s32 $0x2;
	s28 =	simm.s32 $0x0;
	s6 =	smul.u32 $0x280, s0  }
0x7: {  	s12 =	sand.u32 $0x1, s4;
	s4 =	simm.s32 $0x0;
	s8 =	smul.u32 $0x28000, s0  }
0x8: {  	s7 =	smul.u32 $0x2800, s12;
	[smem:$0x7FF] =	sst s4;
	s29 =	ssub.s32 $0x2, s12  }
0x9: {  	s25 =	smul.u32 $0x2710, s12;
	_ =	strace $0x80000050;
	s11 =	sadd.s32 s5, s2  }
0xa: {  	s30 =	sshrl.u32 s8, $0x2;
	s31 =	sshrl.u32 s29, $0x1;
	s26 =	sadd.s32 s6, s7  }
0xb: {  	s17 =	ssub.s32 s29, s31;
	s10 =	sadd.s32 $0xC200, s11;
	s11 =	sadd.s32 $0x2200, s11  }
0xc: {  	v0 =	vmov s25;
	s25 =	simm.s32 $0x3;
	s5 =	sshll.u32 s26, $0x3;
	s17 =	smax.u32 s17, $0x1  }
0xd: {  	s26 =	simm.s32 $0x4;
	s2 =	sadd.s32 s5, s2;
	s5 =	sadd.s32 s30, s3  }
0xe: {  	s6 =	sadd.s32 $0x2000, s5;
	s7 =	sadd.s32 $0x4000, s5;
	s8 =	sadd.s32 $0x6000, s5  }
0xf: {  	s9 =	sadd.s32 $0x8000, s5;
	s12 =	sadd.s32 $0x16200, s2;
	s13 =	sadd.s32 $0x16600, s2  }
0x10: {  	v1 =	vimm.f32 $0.0e+00;
	s14 =	sadd.s32 $0x16A00, s2;
	s15 =	sadd.s32 $0x16E00, s2;
	s16 =	sadd.s32 $0x17200, s2  }
.LBB2_1:
0x11: {  	s2 =	sand.u32 $0xFF00, s4  }
0x12: {  	s30 =	sand.u32 $0x30, s4;
	s2 =	sshrl.u32 s2, $0x2  }
0x13: {  	s29 =	simm.s32 $0x40;
	s2 =	sor.u32 s30, s2;
	s30 =	simm.s32 $0x0  }
.LBB2_2:
0x14: {  	p0 =	sne.s32 s29, $0xFFC0  }
0x15: {  	[tilespmem:s2+$0xA000] =	vst v1;
	s30 =	sadd.s32 $0x10, s30;
	s2 =	smov.u32 s29;
	s29 =	sadd.s32 $0x40, s29  }
.Ltmp0:
0x16: {  	(pc) =	sbr.rel @p0 .LBB2_2-.Ltmp0, $4  }
0x17: {  	_ = 	snop  }
0x18: {  	s2 =	sand.u32 $0xFF00, s2  }
0x19: {  	s31 =	sand.u32 $0x30, s30;
	s2 =	sshrl.u32 s2, $0x2  }
0x1a: {  	s2 =	sor.u32 s31, s2  }
0x1b: {  	[tilespmem:s2+$0xA000] =	vst v1  }
0x1c: {  	[spmem:s5] =	stream.linear.scatter [tilespmem:s18], [sflag:$0x5], $0x2000, $0x38;
	[tilespmem:$0x1C000] =	vst v63  }
0x1d: {  	_ =	swait.ge [sflag:s19], $0x2000  }
0x1e: {  	[sflag:s19] =	ssyncset.done $0x0  }
0x1f: {  	[sflag:s19] =	ssyncadd.s32 $0xFFFFE000  }
0x20: {  	[spmem:s6] =	stream.linear.scatter [tilespmem:s18], [sflag:$0x5], $0x2000, $0x38;
	[tilespmem:$0x1C000] =	vst v63  }
0x21: {  	_ =	swait.ge [sflag:s19], $0x2000  }
0x22: {  	[sflag:s19] =	ssyncset.done $0x0  }
0x23: {  	[sflag:s19] =	ssyncadd.s32 $0xFFFFE000  }
0x24: {  	[spmem:s7] =	stream.linear.scatter [tilespmem:s18], [sflag:$0x5], $0x2000, $0x38;
	[tilespmem:$0x1C000] =	vst v63  }
0x25: {  	_ =	swait.ge [sflag:s19], $0x2000  }
0x26: {  	[sflag:s19] =	ssyncset.done $0x0  }
0x27: {  	[sflag:s19] =	ssyncadd.s32 $0xFFFFE000  }
0x28: {  	[spmem:s8] =	stream.linear.scatter [tilespmem:s18], [sflag:$0x5], $0x2000, $0x38;
	[tilespmem:$0x1C000] =	vst v63  }
0x29: {  	_ =	swait.ge [sflag:s19], $0x2000  }
0x2a: {  	[sflag:s19] =	ssyncset.done $0x0  }
0x2b: {  	[sflag:s19] =	ssyncadd.s32 $0xFFFFE000  }
0x2c: {  	[spmem:s9] =	stream.linear.scatter [tilespmem:s18], [sflag:$0x5], $0x2000, $0x38;
	[tilespmem:$0x1C000] =	vst v63  }
0x2d: {  	_ =	swait.ge [sflag:s19], $0x2000  }
0x2e: {  	[sflag:s19] =	ssyncset.done $0x0  }
0x2f: {  	[sflag:s19] =	ssyncadd.s32 $0xFFFFE000  }
0x30: {  	s0 =	simm.s32 $0x0;
	[bflag:$0x0] =	sbarrier.arrive $0xFFFF  }
0x31: {  	[tilespmem:s0], [sflag:$0x5] =	stream.linear.gather [hbm4b:s10+s0], $0x5000, $0x38;
	[tilespmem:$0x1C000] =	vst v63  }
0x32: {  	_ =	swait.ge [sflag:s19], $0x5000  }
0x33: {  	[sflag:s19] =	ssyncset.done $0x0  }
0x34: {  	[sflag:s19] =	ssyncadd.s32 $0xFFFFB000  }
0x35: {  	[tilespmem:s20], [sflag:$0x5] =	stream.linear.gather [hbm4b:s11+s0], $0x5000, $0x38;
	[tilespmem:$0x1C000] =	vst v63  }
0x36: {  	s29 =	sand.u32 $0x1FC00, s0;
	_ =	swait.ge [sflag:s19], $0x5000  }
0x37: {  	s2 =	sand.u32 $0xF0, s0;
	s29 =	sshrl.u32 s29, $0x2;
	[sflag:s19] =	ssyncset.done $0x0  }
0x38: {  	s29 =	sor.u32 s2, s29;
	[sflag:s19] =	ssyncadd.s32 $0xFFFFB000  }
0x39: {  	v2 =	vld [tilespmem:s29+$0x0];
	_ =	sdelay $0x2  }
0x3a: {  	s30 =	simm.s32 $0x40  }
0x3b: {  	s31 =	simm.s32 $0x80;
	s2 =	sand.u32 $0x1FC00, s30;
	s30 =	simm.s32 $0x10  }
.LBB2_4:
0x3c: {  	p0 =	sne.s32 s31, $0x13FC0;
	s0 =	sand.u32 $0xF0, s30;
	s2 =	sshrl.u32 s2, $0x2;
	v2 =	vadd.s32 v0, v2  }
0x3d: {  	[tilespmem:s29+$0x0] =	vst v2;
	s29 =	sor.u32 s0, s2  }
.Ltmp1:
0x3e: {  	v2 =	vld [tilespmem:s29+$0x0];
	(pc) =	sbr.rel @p0 .LBB2_4-.Ltmp1, $2  }
0x3f: {  	_ =	sdelay $0x2  }
0x40: {  	s30 =	sadd.s32 $0x10, s30;
	s2 =	sand.u32 $0x1FC00, s31;
	s31 =	sadd.s32 $0x40, s31  }
0x41: {  	s0 =	sand.u32 $0xF0, s30;
	s2 =	sshrl.u32 s2, $0x2;
	v2 =	vadd.s32 v0, v2  }
0x42: {  	s0 =	sor.u32 s0, s2;
	[tilespmem:s29+$0x0] =	vst v2  }
0x43: {  	v2 =	vld [tilespmem:s0+$0x0];
	_ =	sdelay $0x4  }
0x44: {  	v2 =	vadd.s32 v0, v2  }
0x45: {  	s31 =	simm.s32 $0x0;
	[tilespmem:s0+$0x0] =	vst v2  }
0x46: {  	[tilespmem:s18], [sflag:$0x1] =	stream.indirect.gather [hbm4b:s1+s21], $0x40, s31, s21, $0xb8;
	[tilespmem:$0x1C000] =	vst v63  }
0x47: {  	s2 =	simm.s32 $0x100  }
0x48: {  	[tilespmem:s22], [sflag:$0x2] =	stream.indirect.gather [hbm4b:s1+s21], $0x40, s2, s21, $0xb8;
	[tilespmem:$0x1C000] =	vst v63  }
0x49: {  	_ =	swait.ge [sflag:s23], $0x4000  }
0x4a: {  	[sflag:s23] =	ssyncset.done $0x0  }
0x4b: {  	s30 =	simm.s32 $0x5000;
	[sflag:s23] =	ssyncadd.s32 $0xFFFFC000  }
0x4c: {  	[spmem:s3] =	stream.indirect.scatter.add.f32 [tilespmem:s18], [sflag:$0x3], $0x40, s30, s21, $0xb8;
	[tilespmem:$0x1C000] =	vst v63  }
0x4d: {  	_ =	swait.ge [sflag:s24], $0x4000  }
0x4e: {  	[sflag:s24] =	ssyncset.done $0x0  }
0x4f: {  	s31 =	simm.s32 $0x5100;
	[sflag:s24] =	ssyncadd.s32 $0xFFFFC000  }
0x50: {  	[spmem:s3] =	stream.indirect.scatter.add.f32 [tilespmem:s22], [sflag:$0x4], $0x40, s31, s21, $0xb8;
	[tilespmem:$0x1C000] =	vst v63  }
0x51: {  	_ =	swait.ge [sflag:s25], $0x4000  }
0x52: {  	[sflag:s25] =	ssyncset.done $0x0  }
0x53: {  	[sflag:s25] =	ssyncadd.s32 $0xFFFFC000  }
0x54: {  	_ =	swait.ge [sflag:s26], $0x4000  }
0x55: {  	s29 =	simm.s32 $0x800;
	s2 =	simm.s32 $0x1000;
	[sflag:s26] =	ssyncset.done $0x0  }
.LBB2_6:
0x56: {  	s0 =	sshra.s32 s29, $0x2  }
0x57: {  	[sflag:s26] =	ssyncadd.s32 $0xFFFFC000;
	s29 =	smov.u32 s2;
	s30 =	sadd.s32 $0x800, s2  }
0x58: {  	[tilespmem:s18], [sflag:$0x1] =	stream.indirect.gather [hbm4b:s1+s21], $0x40, s0, s21, $0xb8;
	[tilespmem:$0x1C000] =	vst v63  }
0x59: {  	p0 =	sne.s32 s2, $0x13800;
	s2 =	sadd.s32 $0x100, s0  }
0x5a: {  	[tilespmem:s22], [sflag:$0x2] =	stream.indirect.gather [hbm4b:s1+s21], $0x40, s2, s21, $0xb8;
	[tilespmem:$0x1C000] =	vst v63  }
0x5b: {  	_ =	swait.ge [sflag:s23], $0x4000  }
0x5c: {  	[sflag:s23] =	ssyncset.done $0x0  }
0x5d: {  	s2 =	sadd.s32 $0x5000, s0;
	[sflag:s23] =	ssyncadd.s32 $0xFFFFC000  }
0x5e: {  	[spmem:s3] =	stream.indirect.scatter.add.f32 [tilespmem:s18], [sflag:$0x3], $0x40, s2, s21, $0xb8;
	[tilespmem:$0x1C000] =	vst v63  }
0x5f: {  	_ =	swait.ge [sflag:s24], $0x4000  }
0x60: {  	[sflag:s24] =	ssyncset.done $0x0  }
0x61: {  	s0 =	sadd.s32 $0x5100, s0;
	[sflag:s24] =	ssyncadd.s32 $0xFFFFC000  }
0x62: {  	[spmem:s3] =	stream.indirect.scatter.add.f32 [tilespmem:s22], [sflag:$0x4], $0x40, s0, s21, $0xb8;
	[tilespmem:$0x1C000] =	vst v63  }
.Ltmp2:
0x63: {  	_ =	swait.ge [sflag:s25], $0x4000;
	(pc) =	sbr.rel @p0 .LBB2_6-.Ltmp2, $4  }
0x64: {  	[sflag:s25] =	ssyncset.done $0x0  }
0x65: {  	[sflag:s25] =	ssyncadd.s32 $0xFFFFC000  }
0x66: {  	_ =	swait.ge [sflag:s26], $0x4000  }
0x67: {  	s2 =	smov.u32 s30;
	[sflag:s26] =	ssyncset.done $0x0  }
0x68: {  	s0 =	sshra.s32 s29, $0x2;
	[sflag:s26] =	ssyncadd.s32 $0xFFFFC000  }
0x69: {  	[tilespmem:s18], [sflag:$0x1] =	stream.indirect.gather [hbm4b:s1+s21], $0x40, s0, s21, $0xb8;
	[tilespmem:$0x1C000] =	vst v63  }
0x6a: {  	s2 =	sadd.s32 $0x100, s0  }
0x6b: {  	[tilespmem:s22], [sflag:$0x2] =	stream.indirect.gather [hbm4b:s1+s21], $0x40, s2, s21, $0xb8;
	[tilespmem:$0x1C000] =	vst v63  }
0x6c: {  	_ =	swait.ge [sflag:s23], $0x4000  }
0x6d: {  	[sflag:s23] =	ssyncset.done $0x0  }
0x6e: {  	s31 =	sadd.s32 $0x5000, s0;
	[sflag:s23] =	ssyncadd.s32 $0xFFFFC000  }
0x6f: {  	[spmem:s3] =	stream.indirect.scatter.add.f32 [tilespmem:s18], [sflag:$0x3], $0x40, s31, s21, $0xb8;
	[tilespmem:$0x1C000] =	vst v63  }
0x70: {  	_ =	swait.ge [sflag:s24], $0x4000  }
0x71: {  	[sflag:s24] =	ssyncset.done $0x0  }
0x72: {  	s0 =	sadd.s32 $0x5100, s0;
	[sflag:s24] =	ssyncadd.s32 $0xFFFFC000  }
0x73: {  	[spmem:s3] =	stream.indirect.scatter.add.f32 [tilespmem:s22], [sflag:$0x4], $0x40, s0, s21, $0xb8;
	[tilespmem:$0x1C000] =	vst v63  }
0x74: {  	_ =	swait.ge [sflag:s25], $0x4000  }
0x75: {  	[sflag:s25] =	ssyncset.done $0x0  }
0x76: {  	[sflag:s25] =	ssyncadd.s32 $0xFFFFC000  }
0x77: {  	_ =	swait.ge [sflag:s26], $0x4000  }
0x78: {  	s29 =	stileid.u32;
	[sflag:s26] =	ssyncset.done $0x0  }
0x79: {  	s0 =	sshll.u32 s29, $0x6;
	[sflag:s26] =	ssyncadd.s32 $0xFFFFC000  }
0x7a: {  	s30 =	sshrl.u32 s5, $0x3;
	s0 =	sor.u32 $0x1C05, s0;
	[bflag:$0x0] =	sbarrier.arrive $0xFFFF  }
0x7b: {  	[hbm:s12], [sflag:s0] =	dma.local [spmem:s30], $0x400  }
0x7c: {  	_ =	swait.ge [sflag:s19], $0x400  }
0x7d: {  	[sflag:s19] =	ssyncset.done $0x0  }
0x7e: {  	s31 =	sshrl.u32 s6, $0x3;
	[sflag:s19] =	ssyncadd.s32 $0xFFFFFC00  }
0x7f: {  	[hbm:s13], [sflag:s0] =	dma.local [spmem:s31], $0x400  }
0x80: {  	_ =	swait.ge [sflag:s19], $0x400  }
0x81: {  	[sflag:s19] =	ssyncset.done $0x0  }
0x82: {  	s29 =	sshrl.u32 s7, $0x3;
	[sflag:s19] =	ssyncadd.s32 $0xFFFFFC00  }
0x83: {  	[hbm:s14], [sflag:s0] =	dma.local [spmem:s29], $0x400  }
0x84: {  	_ =	swait.ge [sflag:s19], $0x400  }
0x85: {  	[sflag:s19] =	ssyncset.done $0x0  }
0x86: {  	s30 =	sshrl.u32 s8, $0x3;
	[sflag:s19] =	ssyncadd.s32 $0xFFFFFC00  }
0x87: {  	[hbm:s15], [sflag:s0] =	dma.local [spmem:s30], $0x400  }
0x88: {  	s28 =	sadd.s32 $0x1, s28;
	_ =	swait.ge [sflag:s19], $0x400  }
0x89: {  	p0 =	sne.s32 s28, s17;
	[sflag:s19] =	ssyncset.done $0x0  }
.Ltmp3:
0x8a: {  	s31 =	sshrl.u32 s9, $0x3;
	[sflag:s19] =	ssyncadd.s32 $0xFFFFFC00;
	(pc) =	sbr.rel @p0 .LBB2_1-.Ltmp3, $4  }
0x8b: {  	[hbm:s16], [sflag:s0] =	dma.local [spmem:s31], $0x400  }
0x8c: {  	_ =	swait.ge [sflag:s19], $0x400  }
0x8d: {  	[sflag:s19] =	ssyncset.done $0x0  }
0x8e: {  	[sflag:s19] =	ssyncadd.s32 $0xFFFFFC00  }
0x8f: {  	_ =	sfence.sel $0x180000  }
0x90: {  	[bflag:$0x0] =	sbarrier.arrive $0xFFFF  }
0x91: {  	_ =	strace $0x90000050  }
0x92: {  	s0 =	stileid.u32;
	[bflag:$0x2] =	sbarrier.arrive $0xFFFF  }
0x93: {  	p0 =	sne.s32 s0, $0x0;
	s0 =	rddreg [dreg:$0x3]  }
0x94: {  	s0 =	sadd.s32 @!p0 $0x100000, s0  }
0x95: {  	[sflag:s0] =	ssyncadd.tile.s32 @!p0 $0x1;
	_ =	shalt  }
.Lfunc_end2:
_tile_overlayer_lowered:
.L_overlay_start_2:
0x96: {  	(tag) =	ssettag $0x2  }
0x97: {  	s0 =	rddreg [dreg:$0x0];
	s2 =	stileid.u32  }
0x98: {  	s1 =	rddreg [dreg:$0x1];
	p0 =	sne.s32 s2, $0x0  }
0x99: {  	s3 =	rddreg [dreg:$0x2];
	[bflag:$0x3] =	sbarrier.arrive $0xFFFF;
	s2 =	simm.s32 @!p0 $0x1C05  }
0x9a: {  	[timem:s3], [sflag:s2] =	dma.local @!p0 [hbm:s0], s1  }
0x9b: {  	s0 =	simm.s32 @!p0 $0x5  }
0x9c: {  	_ =	swait.ge @!p0 [sflag:s0], s1  }
0x9d: {  	s1 =	ssub.s32 @!p0 $0x0, s1;
	[sflag:s0] =	ssyncset.done @!p0 $0x0  }
0x9e: {  	[sflag:s0] =	ssyncadd.s32 @!p0 s1  }
0x9f: {  	[bflag:$0x3] =	sbarrier.arrive $0xFFFF  }
0xa0: {  	_ =	shalt  }

</sc_bundles>
